<compile_context>
chip_gen: v7x
topology: tpu7x:2x2x1
jax: 0.10.2.dev20260603
libtpu: 0.0.44.dev20260713+nightly
codegen_flags: <defaults>
</compile_context>

<pallas_src>
import dataclasses
import functools

import jax
import jax.numpy as jnp
from jax import lax
from jax.experimental import pallas as pl
from jax.experimental.pallas import tpu as pltpu
from jax.experimental.pallas import tpu_sc as plsc

NC = 2
NS = 16
NW = NC * NS
CHUNK = 80


def _sc_aggregate(src, dst, x):
    n_edges = src.shape[0]
    n_nodes, d = x.shape
    e_per_tile = n_edges // NW
    assert e_per_tile * NW == n_edges and e_per_tile % CHUNK == 0
    n_chunks = e_per_tile // CHUNK
    d_base = (n_nodes // NS) // 8 * 8
    rem = n_nodes - NS * d_base
    assert rem % 8 == 0 and rem <= CHUNK
    extra_base = NS * d_base
    z_full, z_rem = divmod(d_base, CHUNK)
    assert z_rem % 8 == 0
    g_rows = -(-n_nodes // d)
    g_rows += (-g_rows) % 8
    assert d == 128

    mesh = plsc.VectorSubcoreMesh(core_axis_name="c", subcore_axis_name="s")
    cp = pltpu.CompilerParams()
    if "needs_layout_passes" in pltpu.CompilerParams.__dataclass_fields__:
        cp = dataclasses.replace(cp, needs_layout_passes=False)

    @functools.partial(
        pl.kernel,
        out_type=(
            jax.ShapeDtypeStruct((NC, n_nodes, d), jnp.float32),
            jax.ShapeDtypeStruct((NW, g_rows, 128), jnp.float32),
        ),
        mesh=mesh,
        compiler_params=cp,
        scratch_types=[
            pltpu.VMEM((3, CHUNK), jnp.int32),
            pltpu.VMEM((3, CHUNK), jnp.int32),
            pltpu.VMEM((6, CHUNK), jnp.int32),
            pltpu.VMEM((CHUNK, d), jnp.float32),
            pltpu.VMEM((CHUNK, d), jnp.float32),
            pltpu.VMEM((CHUNK, d), jnp.float32),
            pltpu.VMEM((g_rows, 128), jnp.float32),
            pltpu.VMEM_SHARED((n_nodes, d), jnp.float32),
            pltpu.SemaphoreType.DMA,
            pltpu.SemaphoreType.DMA,
            pltpu.SemaphoreType.DMA,
            pltpu.SemaphoreType.DMA,
            pltpu.SemaphoreType.DMA,
            pltpu.SemaphoreType.DMA,
            pltpu.SemaphoreType.DMA,
            pltpu.SemaphoreType.DMA,
            pltpu.SemaphoreType.DMA,
        ],
    )
    def k(src_hbm, dst_hbm, x_hbm, agg_hbm, cntg_hbm,
          srci_v, dsti_v, dst2_v, rows_0, rows_1, rows_2, cntg_v, agg_s,
          sem_i0, sem_i1, sem_i2, sem_g0, sem_g1, sem_g2,
          sem_w0, sem_w1, sem_w2):
        c = lax.axis_index("c")
        s = lax.axis_index("s")
        wid = s * NC + c

        assert g_rows == CHUNK
        @pl.loop(0, g_rows)
        def _(r):
            @pl.loop(0, 128, step=16)
            def _(c2):
                cntg_v[r, pl.ds(c2, 16)] = jnp.zeros((16,), jnp.float32)

        @pl.loop(0, z_full)
        def _(j):
            base = s * d_base + j * CHUNK
            pltpu.sync_copy(cntg_v, agg_s.at[pl.ds(base, CHUNK)])
        if z_rem:
            base = s * d_base + z_full * CHUNK
            pltpu.sync_copy(cntg_v.at[pl.ds(0, z_rem)],
                            agg_s.at[pl.ds(base, z_rem)])

        if rem:
            @pl.when(s == 0)
            def _():
                pltpu.sync_copy(cntg_v.at[pl.ds(0, rem)],
                                agg_s.at[pl.ds(extra_base, rem)])

        ebase = wid * e_per_tile
        ones16 = jnp.ones((16,), jnp.float32)
        assert n_chunks % 3 == 2 and n_chunks > 5

        rows = [rows_0, rows_1, rows_2]
        sem_i = [sem_i0, sem_i1, sem_i2]
        sem_g = [sem_g0, sem_g1, sem_g2]
        sem_w = [sem_w0, sem_w1, sem_w2]

        def load_idx(i, b):
            off = ebase + i * CHUNK
            pltpu.async_copy(src_hbm.at[pl.ds(off, CHUNK)],
                             srci_v.at[b], sem_i[b])
            pltpu.async_copy(dst_hbm.at[pl.ds(off, CHUNK)],
                             dsti_v.at[b], sem_i[b])

        def wait_idx(i, b):
            off = ebase + i * CHUNK
            pltpu.make_async_copy(src_hbm.at[pl.ds(off, CHUNK)],
                                  srci_v.at[b], sem_i[b]).wait()
            pltpu.make_async_copy(dst_hbm.at[pl.ds(off, CHUNK)],
                                  dsti_v.at[b], sem_i[b]).wait()

        def prep_dst(b, d2):
            @pl.loop(0, CHUNK, step=16)
            def _(j):
                dv = dsti_v[b, pl.ds(j, 16)]
                dst2_v[d2, pl.ds(j, 16)] = dv
                plsc.addupdate_scatter(
                    cntg_v, [lax.shift_right_logical(dv, 7),
                             lax.bitwise_and(dv, 127)], ones16)

        def start_gather(b):
            pltpu.async_copy(x_hbm.at[srci_v.at[b]], rows[b], sem_g[b])

        def wait_gather(b):
            pltpu.make_async_copy(
                x_hbm.at[srci_v.at[b]], rows[b], sem_g[b]).wait()

        def start_scatter(b, d2):
            pltpu.async_copy(rows[b], agg_s.at[dst2_v.at[d2]], sem_w[b],
                             add=True)

        def wait_scatter(b, d2):
            pltpu.make_async_copy(rows[b], agg_s.at[dst2_v.at[d2]],
                                  sem_w[b]).wait()

        def visit(i, b, q):
            wait_gather(b)
            start_scatter(b, b + 3 * (1 - q))
            load_idx(i, b)
            wait_idx(i, b)
            prep_dst(b, b + 3 * q)
            wait_scatter(b, b + 3 * (1 - q))
            start_gather(b)

        for b in range(3):
            load_idx(b, b)
        for b in range(3):
            wait_idx(b, b)
            prep_dst(b, b)
            start_gather(b)

        plsc.subcore_barrier()

        assert (n_chunks - 5) % 6 == 0

        @pl.loop(3, n_chunks - 2, step=6)
        def _(k):
            for sub in range(2):
                q = 1 - sub
                for b in range(3):
                    visit(k + 3 * sub + b, b, q)

        visit(n_chunks - 2, 0, 1)
        visit(n_chunks - 1, 1, 1)
        wait_gather(2)
        start_scatter(2, 2)
        wait_gather(0)
        start_scatter(0, 3)
        wait_gather(1)
        start_scatter(1, 4)
        wait_scatter(2, 2)
        wait_scatter(0, 3)
        wait_scatter(1, 4)

        plsc.subcore_barrier()

        pltpu.sync_copy(cntg_v, cntg_hbm.at[wid])

        nb = s * d_base
        pltpu.sync_copy(agg_s.at[pl.ds(nb, d_base)],
                        agg_hbm.at[c].at[pl.ds(nb, d_base)])

        if rem:
            @pl.when(s == 0)
            def _():
                pltpu.sync_copy(agg_s.at[pl.ds(extra_base, rem)],
                                agg_hbm.at[c].at[pl.ds(extra_base, rem)])

    return k(src, dst, x)


def _tc_self(x, W_r, b_l):
    n_nodes, d = x.shape
    blk = 1000
    assert n_nodes % blk == 0

    def body(x_ref, wr_ref, bl_ref, o_ref):
        dn = (((1,), (1,)), ((), ()))
        o_ref[...] = lax.dot_general(
            x_ref[...], wr_ref[...], dn,
            preferred_element_type=jnp.float32) + bl_ref[...]

    return pl.pallas_call(
        body,
        grid=(n_nodes // blk,),
        in_specs=[
            pl.BlockSpec((blk, d), lambda i: (i, 0)),
            pl.BlockSpec((d, d), lambda i: (0, 0)),
            pl.BlockSpec((1, d), lambda i: (0, 0)),
        ],
        out_specs=pl.BlockSpec((blk, d), lambda i: (i, 0)),
        out_shape=jax.ShapeDtypeStruct((n_nodes, d), jnp.float32),
    )(x, W_r, b_l.reshape(1, d))


def _tc_final(agg, cnt_col, self_part, W_l):
    n_nodes, d = self_part.shape
    blk = 1000
    assert n_nodes % blk == 0

    def body(agg_ref, cnt_ref, sp_ref, wl_ref, o_ref):
        a = agg_ref[0] + agg_ref[1]
        mean = a / jnp.maximum(cnt_ref[...], 1.0)
        dn = (((1,), (1,)), ((), ()))
        o_ref[...] = lax.dot_general(
            mean, wl_ref[...], dn,
            preferred_element_type=jnp.float32) + sp_ref[...]

    return pl.pallas_call(
        body,
        grid=(n_nodes // blk,),
        in_specs=[
            pl.BlockSpec((NC, blk, d), lambda i: (0, i, 0)),
            pl.BlockSpec((blk, 1), lambda i: (i, 0)),
            pl.BlockSpec((blk, d), lambda i: (i, 0)),
            pl.BlockSpec((d, d), lambda i: (0, 0)),
        ],
        out_specs=pl.BlockSpec((blk, d), lambda i: (i, 0)),
        out_shape=jax.ShapeDtypeStruct((n_nodes, d), jnp.float32),
    )(agg, cnt_col, self_part, W_l)


def kernel(x, edge_index, W_l, b_l, W_r):
    n_nodes, _ = x.shape
    ei = edge_index.astype(jnp.int32)
    agg, cntg = _sc_aggregate(ei[0], ei[1], x)
    self_part = _tc_self(x, W_r, b_l)
    cnt_col = cntg.sum(axis=0).reshape(-1)[:n_nodes].reshape(n_nodes, 1)
    return _tc_final(agg, cnt_col, self_part, W_l)

# --- scband reference (transcript-rebuilt; emitter-appended) ---
"""Pipeline reference for scband-sagelayer-28647431864953 (READ-ONLY COPY).

The authoritative reference and input builder live on the scoring server;
editing this copy changes nothing except your own understanding.
"""

import jax, jax.numpy as jnp
import numpy as np

N_NODES = 10000
N_EDGES = 320000
D_IN = 128
D_OUT = 128


def setup_inputs(seed: int = 0) -> dict:
    key = jax.random.key(seed)
    k1, k2, k3, k4, k5 = jax.random.split(key, 5)
    x = jax.random.normal(k1, (N_NODES, D_IN), dtype=jnp.float32)
    edge_index = jax.random.randint(k2, (2, N_EDGES), 0, N_NODES, dtype=jnp.int64)
    # SAGEConv params: lin_l (aggregated neighbors, with bias), lin_r (root/self, no bias)
    s_in = 1.0 / np.sqrt(D_IN)
    W_l = jax.random.uniform(k3, (D_OUT, D_IN), dtype=jnp.float32, minval=-s_in, maxval=s_in)
    b_l = jax.random.uniform(k4, (D_OUT,), dtype=jnp.float32, minval=-s_in, maxval=s_in)
    W_r = jax.random.uniform(k5, (D_OUT, D_IN), dtype=jnp.float32, minval=-s_in, maxval=s_in)
    return {"x": x, "edge_index": edge_index, "W_l": W_l, "b_l": b_l, "W_r": W_r}


def reference(x, edge_index, W_l, b_l, W_r):
    # PyG SAGEConv with aggr='mean', normalize=False:
    #   out = lin_l(mean_{j in N(i)} x_j) + lin_r(x_i)
    src = edge_index[0]
    dst = edge_index[1]
    msgs = jnp.take(x, src, axis=0)                       # gather  [E, D_IN]
    agg = jax.ops.segment_sum(msgs, dst, num_segments=N_NODES)  # scatter-add
    cnt = jax.ops.segment_sum(jnp.ones((N_EDGES,), dtype=jnp.float32), dst, num_segments=N_NODES)
    mean = agg / jnp.clip(cnt, 1.0, None)[:, None]
    out = mean @ W_l.T + b_l + x @ W_r.T
    return out

if __name__ == "__main__":
    import jax
    _d = setup_inputs()
    print(jax.jit(kernel)(*tuple(_d.values())))

</pallas_src>

<mosaic_0001>
#map = affine_map<(d0, d1) -> (0)>
#map1 = affine_map<(d0, d1) -> (0, 0)>
#map2 = affine_map<(d0, d1) -> (0, 0, 0)>
module attributes {stable_mosaic.version = 14 : i64} {
  func.func @k(%arg0: i32, %arg1: i32, %arg2: memref<320000xi32, #tpu.memory_space<hbm>>, %arg3: memref<320000xi32, #tpu.memory_space<hbm>>, %arg4: memref<10000x128xf32, #tpu.memory_space<hbm>>, %arg5: memref<2x10000x128xf32, #tpu.memory_space<hbm>>, %arg6: memref<32x80x128xf32, #tpu.memory_space<hbm>>, %arg7: memref<3x80xi32, #tpu.memory_space<vmem>>, %arg8: memref<3x80xi32, #tpu.memory_space<vmem>>, %arg9: memref<6x80xi32, #tpu.memory_space<vmem>>, %arg10: memref<80x128xf32, #tpu.memory_space<vmem>>, %arg11: memref<80x128xf32, #tpu.memory_space<vmem>>, %arg12: memref<80x128xf32, #tpu.memory_space<vmem>>, %arg13: memref<80x128xf32, #tpu.memory_space<vmem>>, %arg14: memref<10000x128xf32, #tpu.memory_space<vmem_shared>>, %arg15: memref<!tpu.dma_semaphore, #tpu.memory_space<semaphore_mem>>, %arg16: memref<!tpu.dma_semaphore, #tpu.memory_space<semaphore_mem>>, %arg17: memref<!tpu.dma_semaphore, #tpu.memory_space<semaphore_mem>>, %arg18: memref<!tpu.dma_semaphore, #tpu.memory_space<semaphore_mem>>, %arg19: memref<!tpu.dma_semaphore, #tpu.memory_space<semaphore_mem>>, %arg20: memref<!tpu.dma_semaphore, #tpu.memory_space<semaphore_mem>>, %arg21: memref<!tpu.dma_semaphore, #tpu.memory_space<semaphore_mem>>, %arg22: memref<!tpu.dma_semaphore, #tpu.memory_space<semaphore_mem>>, %arg23: memref<!tpu.dma_semaphore, #tpu.memory_space<semaphore_mem>>) attributes {dimension_semantics = [#tpu.dimension_semantics<core_parallel>, #tpu.dimension_semantics<subcore_parallel>], iteration_bounds = array<i64: 2, 16>, scalar_prefetch = 0 : i64, scratch_operands = 17 : i64, tpu.core_type = #tpu.core_type<sc_vector_subcore>, window_params = [{transform_indices = #map}, {transform_indices = #map}, {transform_indices = #map1}, {transform_indices = #map2}, {transform_indices = #map2}]} {
    %mul3A = arith.constant 2 : i32
    %mul3A_0 = arith.muli %arg1, %mul3A : i32
    %add3A = arith.addi %mul3A_0, %arg0 : i32
    %scan3A = arith.constant 0 : i32
    %scan3A_1 = arith.constant 80 : i32
    %scan3A_2 = arith.addi %scan3A, %scan3A_1 : i32
    %scan3A_3 = arith.constant 1 : i32
    scf.for %scan3A_395 = %scan3A to %scan3A_2 step %scan3A_3  : i32 {
      %mul3A_396 = arith.constant 1 : i32
      %mul3A_397 = arith.muli %scan3A_395, %mul3A_396 : i32
      %add3A_398 = arith.constant 0 : i32
      %add3A_399 = arith.addi %add3A_398, %mul3A_397 : i32
      %scan3A_400 = arith.constant 0 : i32
      %scan3A_401 = arith.constant 8 : i32
      %scan3A_402 = arith.addi %scan3A_400, %scan3A_401 : i32
      %scan3A_403 = arith.constant 1 : i32
      scf.for %scan3A_405 = %scan3A_400 to %scan3A_402 step %scan3A_403  : i32 {
        %mul3A_406 = arith.constant 16 : i32
        %mul3A_407 = arith.muli %scan3A_405, %mul3A_406 : i32
        %add3A_408 = arith.constant 0 : i32
        %add3A_409 = arith.addi %add3A_408, %mul3A_407 : i32
        %broadcast_in_dim3A_410 = arith.constant 0.000000e+00 : f32
        %broadcast_in_dim3A_411 = vector.broadcast %broadcast_in_dim3A_410 : f32 to vector<16xf32>
        %swap3A = arith.index_cast %add3A_399 : i32 to index
        %swap3A_412 = arith.index_cast %add3A_409 : i32 to index
        %swap3A_413 = tpu.vector_load %arg13[%swap3A, %swap3A_412] {strides = array<i32>} : memref<80x128xf32, #tpu.memory_space<vmem>>, vector<16xf32>,
        tpu.vector_store %arg13[%swap3A, %swap3A_412], %broadcast_in_dim3A_411 {strides = array<i32>} : memref<80x128xf32, #tpu.memory_space<vmem>>, vector<16xf32>,
      }
      %scan3A_404 = arith.constant 8 : i32
    }
    %scan3A_4 = arith.constant 80 : i32
    %scan3A_5 = arith.constant 0 : i32
    %scan3A_6 = arith.constant 7 : i32
    %scan3A_7 = arith.addi %scan3A_5, %scan3A_6 : i32
    %scan3A_8 = arith.constant 1 : i32
    scf.for %scan3A_395 = %scan3A_5 to %scan3A_7 step %scan3A_8  : i32 {
      %mul3A_396 = arith.constant 1 : i32
      %mul3A_397 = arith.muli %scan3A_395, %mul3A_396 : i32
      %add3A_398 = arith.constant 0 : i32
      %add3A_399 = arith.addi %add3A_398, %mul3A_397 : i32
      %mul3A_400 = arith.constant 624 : i32
      %mul3A_401 = arith.muli %arg1, %mul3A_400 : i32
      %mul3A_402 = arith.constant 80 : i32
      %mul3A_403 = arith.muli %add3A_399, %mul3A_402 : i32
      %add3A_404 = arith.addi %mul3A_401, %mul3A_403 : i32
      "tpu.region"() ({
        %run_scoped3A = tpu.sem_alloc : memref<!tpu.dma_semaphore, #tpu.memory_space<semaphore_mem>>
        %dma_start3A_405 = arith.constant 0 : i32
        %dma_start3A_406 = tpu.memref_slice %arg14[%add3A_404, %dma_start3A_405] : memref<10000x128xf32, #tpu.memory_space<vmem_shared>> -> memref<80x128xf32, #tpu.memory_space<vmem_shared>>
        %dma_start3A_407 = arith.constant 0 : i32
        %dma_start3A_408 = tpu.memref_slice %arg14[%add3A_404, %dma_start3A_407] : memref<10000x128xf32, #tpu.memory_space<vmem_shared>> -> memref<80x128xf32, #tpu.memory_space<vmem_shared>>
        tpu.enqueue_dma source(%arg13 : memref<80x128xf32, #tpu.memory_space<vmem>>) target(%dma_start3A_408 : memref<80x128xf32, #tpu.memory_space<vmem_shared>>) target_semaphore(%run_scoped3A : memref<!tpu.dma_semaphore, #tpu.memory_space<semaphore_mem>>)
        %dma_wait3A_409 = arith.constant 0 : i32
        %dma_wait3A_410 = tpu.memref_slice %arg14[%add3A_404, %dma_wait3A_409] : memref<10000x128xf32, #tpu.memory_space<vmem_shared>> -> memref<80x128xf32, #tpu.memory_space<vmem_shared>>
        %dma_wait3A_411 = arith.constant 0 : i32
        %dma_wait3A_412 = tpu.memref_slice %arg14[%add3A_404, %dma_wait3A_411] : memref<10000x128xf32, #tpu.memory_space<vmem_shared>> -> memref<80x128xf32, #tpu.memory_space<vmem_shared>>
        tpu.wait_dma2 semaphore(%run_scoped3A : memref<!tpu.dma_semaphore, #tpu.memory_space<semaphore_mem>>) src(%arg13 : memref<80x128xf32, #tpu.memory_space<vmem>>) dst(%dma_wait3A_412 : memref<80x128xf32, #tpu.memory_space<vmem_shared>>)
        tpu.yield
      }) : () -> ()
    }
    %scan3A_9 = arith.constant 7 : i32
    %mul3A_10 = arith.constant 624 : i32
    %mul3A_11 = arith.muli %arg1, %mul3A_10 : i32
    %add3A_12 = arith.constant 560 : i32
    %add3A_13 = arith.addi %mul3A_11, %add3A_12 : i32
    "tpu.region"() ({
      %run_scoped3A = tpu.sem_alloc : memref<!tpu.dma_semaphore, #tpu.memory_space<semaphore_mem>>
      %dma_start3A_395 = arith.constant 0 : i32
      %dma_start3A_396 = arith.constant 0 : i32
      %dma_start3A_397 = tpu.memref_slice %arg13[%dma_start3A_395, %dma_start3A_396] : memref<80x128xf32, #tpu.memory_space<vmem>> -> memref<64x128xf32, #tpu.memory_space<vmem>>
      %dma_start3A_398 = arith.constant 0 : i32
      %dma_start3A_399 = tpu.memref_slice %arg14[%add3A_13, %dma_start3A_398] : memref<10000x128xf32, #tpu.memory_space<vmem_shared>> -> memref<64x128xf32, #tpu.memory_space<vmem_shared>>
      %dma_start3A_400 = arith.constant 0 : i32
      %dma_start3A_401 = tpu.memref_slice %arg14[%add3A_13, %dma_start3A_400] : memref<10000x128xf32, #tpu.memory_space<vmem_shared>> -> memref<64x128xf32, #tpu.memory_space<vmem_shared>>
      %dma_start3A_402 = arith.constant 0 : i32
      %dma_start3A_403 = arith.constant 0 : i32
      %dma_start3A_404 = tpu.memref_slice %arg13[%dma_start3A_402, %dma_start3A_403] : memref<80x128xf32, #tpu.memory_space<vmem>> -> memref<64x128xf32, #tpu.memory_space<vmem>>
      tpu.enqueue_dma source(%dma_start3A_404 : memref<64x128xf32, #tpu.memory_space<vmem>>) target(%dma_start3A_401 : memref<64x128xf32, #tpu.memory_space<vmem_shared>>) target_semaphore(%run_scoped3A : memref<!tpu.dma_semaphore, #tpu.memory_space<semaphore_mem>>)
      %dma_wait3A_405 = arith.constant 0 : i32
      %dma_wait3A_406 = arith.constant 0 : i32
      %dma_wait3A_407 = tpu.memref_slice %arg13[%dma_wait3A_405, %dma_wait3A_406] : memref<80x128xf32, #tpu.memory_space<vmem>> -> memref<64x128xf32, #tpu.memory_space<vmem>>
      %dma_wait3A_408 = arith.constant 0 : i32
      %dma_wait3A_409 = tpu.memref_slice %arg14[%add3A_13, %dma_wait3A_408] : memref<10000x128xf32, #tpu.memory_space<vmem_shared>> -> memref<64x128xf32, #tpu.memory_space<vmem_shared>>
      %dma_wait3A_410 = arith.constant 0 : i32
      %dma_wait3A_411 = tpu.memref_slice %arg14[%add3A_13, %dma_wait3A_410] : memref<10000x128xf32, #tpu.memory_space<vmem_shared>> -> memref<64x128xf32, #tpu.memory_space<vmem_shared>>
      %dma_wait3A_412 = arith.constant 0 : i32
      %dma_wait3A_413 = arith.constant 0 : i32
      %dma_wait3A_414 = tpu.memref_slice %arg13[%dma_wait3A_412, %dma_wait3A_413] : memref<80x128xf32, #tpu.memory_space<vmem>> -> memref<64x128xf32, #tpu.memory_space<vmem>>
      tpu.wait_dma2 semaphore(%run_scoped3A : memref<!tpu.dma_semaphore, #tpu.memory_space<semaphore_mem>>) src(%dma_wait3A_414 : memref<64x128xf32, #tpu.memory_space<vmem>>) dst(%dma_wait3A_411 : memref<64x128xf32, #tpu.memory_space<vmem_shared>>)
      tpu.yield
    }) : () -> ()
    %eq3A = arith.constant 0 : i32
    %eq3A_14 = arith.cmpi eq, %arg1, %eq3A : i32
    %convert_element_type3A = arith.extui %eq3A_14 : i1 to i32
    %cond3A = arith.constant 0 : i32
    %cond3A_15 = arith.cmpi ne, %convert_element_type3A, %cond3A : i32
    scf.if %cond3A_15 {
      "tpu.region"() ({
        %run_scoped3A = tpu.sem_alloc : memref<!tpu.dma_semaphore, #tpu.memory_space<semaphore_mem>>
        %dma_start3A_395 = arith.constant 0 : i32
        %dma_start3A_396 = arith.constant 0 : i32
        %dma_start3A_397 = tpu.memref_slice %arg13[%dma_start3A_395, %dma_start3A_396] : memref<80x128xf32, #tpu.memory_space<vmem>> -> memref<16x128xf32, #tpu.memory_space<vmem>>
        %dma_start3A_398 = arith.constant 9984 : i32
        %dma_start3A_399 = arith.constant 0 : i32
        %dma_start3A_400 = tpu.memref_slice %arg14[%dma_start3A_398, %dma_start3A_399] : memref<10000x128xf32, #tpu.memory_space<vmem_shared>> -> memref<16x128xf32, #tpu.memory_space<vmem_shared>>
        %dma_start3A_401 = arith.constant 9984 : i32
        %dma_start3A_402 = arith.constant 0 : i32
        %dma_start3A_403 = tpu.memref_slice %arg14[%dma_start3A_401, %dma_start3A_402] : memref<10000x128xf32, #tpu.memory_space<vmem_shared>> -> memref<16x128xf32, #tpu.memory_space<vmem_shared>>
        %dma_start3A_404 = arith.constant 0 : i32
        %dma_start3A_405 = arith.constant 0 : i32
        %dma_start3A_406 = tpu.memref_slice %arg13[%dma_start3A_404, %dma_start3A_405] : memref<80x128xf32, #tpu.memory_space<vmem>> -> memref<16x128xf32, #tpu.memory_space<vmem>>
        tpu.enqueue_dma source(%dma_start3A_406 : memref<16x128xf32, #tpu.memory_space<vmem>>) target(%dma_start3A_403 : memref<16x128xf32, #tpu.memory_space<vmem_shared>>) target_semaphore(%run_scoped3A : memref<!tpu.dma_semaphore, #tpu.memory_space<semaphore_mem>>)
        %dma_wait3A_407 = arith.constant 0 : i32
        %dma_wait3A_408 = arith.constant 0 : i32
        %dma_wait3A_409 = tpu.memref_slice %arg13[%dma_wait3A_407, %dma_wait3A_408] : memref<80x128xf32, #tpu.memory_space<vmem>> -> memref<16x128xf32, #tpu.memory_space<vmem>>
        %dma_wait3A_410 = arith.constant 9984 : i32
        %dma_wait3A_411 = arith.constant 0 : i32
        %dma_wait3A_412 = tpu.memref_slice %arg14[%dma_wait3A_410, %dma_wait3A_411] : memref<10000x128xf32, #tpu.memory_space<vmem_shared>> -> memref<16x128xf32, #tpu.memory_space<vmem_shared>>
        %dma_wait3A_413 = arith.constant 9984 : i32
        %dma_wait3A_414 = arith.constant 0 : i32
        %dma_wait3A_415 = tpu.memref_slice %arg14[%dma_wait3A_413, %dma_wait3A_414] : memref<10000x128xf32, #tpu.memory_space<vmem_shared>> -> memref<16x128xf32, #tpu.memory_space<vmem_shared>>
        %dma_wait3A_416 = arith.constant 0 : i32
        %dma_wait3A_417 = arith.constant 0 : i32
        %dma_wait3A_418 = tpu.memref_slice %arg13[%dma_wait3A_416, %dma_wait3A_417] : memref<80x128xf32, #tpu.memory_space<vmem>> -> memref<16x128xf32, #tpu.memory_space<vmem>>
        tpu.wait_dma2 semaphore(%run_scoped3A : memref<!tpu.dma_semaphore, #tpu.memory_space<semaphore_mem>>) src(%dma_wait3A_418 : memref<16x128xf32, #tpu.memory_space<vmem>>) dst(%dma_wait3A_415 : memref<16x128xf32, #tpu.memory_space<vmem_shared>>)
        tpu.yield
      }) : () -> ()
    } else {
    }
    %mul3A_16 = arith.constant 10000 : i32
    %mul3A_17 = arith.muli %add3A, %mul3A_16 : i32
    %broadcast_in_dim3A = arith.constant 1.000000e+00 : f32
    %broadcast_in_dim3A_18 = vector.broadcast %broadcast_in_dim3A : f32 to vector<16xf32>
    %add3A_19 = arith.constant 0 : i32
    %add3A_20 = arith.addi %mul3A_17, %add3A_19 : i32
    %dma_start3A = arith.constant 0 : i32
    %dma_start3A_21 = arith.constant 0 : i32
    %dma_start3A_22 = tpu.memref_slice %arg7[%dma_start3A, %dma_start3A_21] : memref<3x80xi32, #tpu.memory_space<vmem>> -> memref<1x80xi32, #tpu.memory_space<vmem>>
    %dma_start3A_23 = tpu.memref_squeeze %dma_start3A_22 : memref<1x80xi32, #tpu.memory_space<vmem>> -> memref<80xi32, #tpu.memory_space<vmem>>
    %dma_start3A_24 = tpu.memref_slice %arg2[%add3A_20] : memref<320000xi32, #tpu.memory_space<hbm>> -> memref<80xi32, #tpu.memory_space<hbm>>
    %dma_start3A_25 = arith.constant 0 : i32
    %dma_start3A_26 = tpu.memref_slice %arg7[%dma_start3A, %dma_start3A_25] : memref<3x80xi32, #tpu.memory_space<vmem>> -> memref<1x80xi32, #tpu.memory_space<vmem>>
    %dma_start3A_27 = tpu.memref_squeeze %dma_start3A_26 : memref<1x80xi32, #tpu.memory_space<vmem>> -> memref<80xi32, #tpu.memory_space<vmem>>
    %dma_start3A_28 = tpu.memref_slice %arg2[%add3A_20] : memref<320000xi32, #tpu.memory_space<hbm>> -> memref<80xi32, #tpu.memory_space<hbm>>
    tpu.enqueue_dma source(%dma_start3A_28 : memref<80xi32, #tpu.memory_space<hbm>>) target(%dma_start3A_27 : memref<80xi32, #tpu.memory_space<vmem>>) target_semaphore(%arg15 : memref<!tpu.dma_semaphore, #tpu.memory_space<semaphore_mem>>)
    %dma_start3A_29 = arith.constant 0 : i32
    %dma_start3A_30 = arith.constant 0 : i32
    %dma_start3A_31 = tpu.memref_slice %arg8[%dma_start3A_29, %dma_start3A_30] : memref<3x80xi32, #tpu.memory_space<vmem>> -> memref<1x80xi32, #tpu.memory_space<vmem>>
    %dma_start3A_32 = tpu.memref_squeeze %dma_start3A_31 : memref<1x80xi32, #tpu.memory_space<vmem>> -> memref<80xi32, #tpu.memory_space<vmem>>
    %dma_start3A_33 = tpu.memref_slice %arg3[%add3A_20] : memref<320000xi32, #tpu.memory_space<hbm>> -> memref<80xi32, #tpu.memory_space<hbm>>
    %dma_start3A_34 = arith.constant 0 : i32
    %dma_start3A_35 = tpu.memref_slice %arg8[%dma_start3A_29, %dma_start3A_34] : memref<3x80xi32, #tpu.memory_space<vmem>> -> memref<1x80xi32, #tpu.memory_space<vmem>>
    %dma_start3A_36 = tpu.memref_squeeze %dma_start3A_35 : memref<1x80xi32, #tpu.memory_space<vmem>> -> memref<80xi32, #tpu.memory_space<vmem>>
    %dma_start3A_37 = tpu.memref_slice %arg3[%add3A_20] : memref<320000xi32, #tpu.memory_space<hbm>> -> memref<80xi32, #tpu.memory_space<hbm>>
    tpu.enqueue_dma source(%dma_start3A_37 : memref<80xi32, #tpu.memory_space<hbm>>) target(%dma_start3A_36 : memref<80xi32, #tpu.memory_space<vmem>>) target_semaphore(%arg15 : memref<!tpu.dma_semaphore, #tpu.memory_space<semaphore_mem>>)
    %add3A_38 = arith.constant 80 : i32
    %add3A_39 = arith.addi %mul3A_17, %add3A_38 : i32
    %dma_start3A_40 = arith.constant 1 : i32
    %dma_start3A_41 = arith.constant 0 : i32
    %dma_start3A_42 = tpu.memref_slice %arg7[%dma_start3A_40, %dma_start3A_41] : memref<3x80xi32, #tpu.memory_space<vmem>> -> memref<1x80xi32, #tpu.memory_space<vmem>>
    %dma_start3A_43 = tpu.memref_squeeze %dma_start3A_42 : memref<1x80xi32, #tpu.memory_space<vmem>> -> memref<80xi32, #tpu.memory_space<vmem>>
    %dma_start3A_44 = tpu.memref_slice %arg2[%add3A_39] : memref<320000xi32, #tpu.memory_space<hbm>> -> memref<80xi32, #tpu.memory_space<hbm>>
    %dma_start3A_45 = arith.constant 0 : i32
    %dma_start3A_46 = tpu.memref_slice %arg7[%dma_start3A_40, %dma_start3A_45] : memref<3x80xi32, #tpu.memory_space<vmem>> -> memref<1x80xi32, #tpu.memory_space<vmem>>
    %dma_start3A_47 = tpu.memref_squeeze %dma_start3A_46 : memref<1x80xi32, #tpu.memory_space<vmem>> -> memref<80xi32, #tpu.memory_space<vmem>>
    %dma_start3A_48 = tpu.memref_slice %arg2[%add3A_39] : memref<320000xi32, #tpu.memory_space<hbm>> -> memref<80xi32, #tpu.memory_space<hbm>>
    tpu.enqueue_dma source(%dma_start3A_48 : memref<80xi32, #tpu.memory_space<hbm>>) target(%dma_start3A_47 : memref<80xi32, #tpu.memory_space<vmem>>) target_semaphore(%arg16 : memref<!tpu.dma_semaphore, #tpu.memory_space<semaphore_mem>>)
    %dma_start3A_49 = arith.constant 1 : i32
    %dma_start3A_50 = arith.constant 0 : i32
    %dma_start3A_51 = tpu.memref_slice %arg8[%dma_start3A_49, %dma_start3A_50] : memref<3x80xi32, #tpu.memory_space<vmem>> -> memref<1x80xi32, #tpu.memory_space<vmem>>
    %dma_start3A_52 = tpu.memref_squeeze %dma_start3A_51 : memref<1x80xi32, #tpu.memory_space<vmem>> -> memref<80xi32, #tpu.memory_space<vmem>>
    %dma_start3A_53 = tpu.memref_slice %arg3[%add3A_39] : memref<320000xi32, #tpu.memory_space<hbm>> -> memref<80xi32, #tpu.memory_space<hbm>>
    %dma_start3A_54 = arith.constant 0 : i32
    %dma_start3A_55 = tpu.memref_slice %arg8[%dma_start3A_49, %dma_start3A_54] : memref<3x80xi32, #tpu.memory_space<vmem>> -> memref<1x80xi32, #tpu.memory_space<vmem>>
    %dma_start3A_56 = tpu.memref_squeeze %dma_start3A_55 : memref<1x80xi32, #tpu.memory_space<vmem>> -> memref<80xi32, #tpu.memory_space<vmem>>
    %dma_start3A_57 = tpu.memref_slice %arg3[%add3A_39] : memref<320000xi32, #tpu.memory_space<hbm>> -> memref<80xi32, #tpu.memory_space<hbm>>
    tpu.enqueue_dma source(%dma_start3A_57 : memref<80xi32, #tpu.memory_space<hbm>>) target(%dma_start3A_56 : memref<80xi32, #tpu.memory_space<vmem>>) target_semaphore(%arg16 : memref<!tpu.dma_semaphore, #tpu.memory_space<semaphore_mem>>)
    %add3A_58 = arith.constant 160 : i32
    %add3A_59 = arith.addi %mul3A_17, %add3A_58 : i32
    %dma_start3A_60 = arith.constant 2 : i32
    %dma_start3A_61 = arith.constant 0 : i32
    %dma_start3A_62 = tpu.memref_slice %arg7[%dma_start3A_60, %dma_start3A_61] : memref<3x80xi32, #tpu.memory_space<vmem>> -> memref<1x80xi32, #tpu.memory_space<vmem>>
    %dma_start3A_63 = tpu.memref_squeeze %dma_start3A_62 : memref<1x80xi32, #tpu.memory_space<vmem>> -> memref<80xi32, #tpu.memory_space<vmem>>
    %dma_start3A_64 = tpu.memref_slice %arg2[%add3A_59] : memref<320000xi32, #tpu.memory_space<hbm>> -> memref<80xi32, #tpu.memory_space<hbm>>
    %dma_start3A_65 = arith.constant 0 : i32
    %dma_start3A_66 = tpu.memref_slice %arg7[%dma_start3A_60, %dma_start3A_65] : memref<3x80xi32, #tpu.memory_space<vmem>> -> memref<1x80xi32, #tpu.memory_space<vmem>>
    %dma_start3A_67 = tpu.memref_squeeze %dma_start3A_66 : memref<1x80xi32, #tpu.memory_space<vmem>> -> memref<80xi32, #tpu.memory_space<vmem>>
    %dma_start3A_68 = tpu.memref_slice %arg2[%add3A_59] : memref<320000xi32, #tpu.memory_space<hbm>> -> memref<80xi32, #tpu.memory_space<hbm>>
    tpu.enqueue_dma source(%dma_start3A_68 : memref<80xi32, #tpu.memory_space<hbm>>) target(%dma_start3A_67 : memref<80xi32, #tpu.memory_space<vmem>>) target_semaphore(%arg17 : memref<!tpu.dma_semaphore, #tpu.memory_space<semaphore_mem>>)
    %dma_start3A_69 = arith.constant 2 : i32
    %dma_start3A_70 = arith.constant 0 : i32
    %dma_start3A_71 = tpu.memref_slice %arg8[%dma_start3A_69, %dma_start3A_70] : memref<3x80xi32, #tpu.memory_space<vmem>> -> memref<1x80xi32, #tpu.memory_space<vmem>>
    %dma_start3A_72 = tpu.memref_squeeze %dma_start3A_71 : memref<1x80xi32, #tpu.memory_space<vmem>> -> memref<80xi32, #tpu.memory_space<vmem>>
    %dma_start3A_73 = tpu.memref_slice %arg3[%add3A_59] : memref<320000xi32, #tpu.memory_space<hbm>> -> memref<80xi32, #tpu.memory_space<hbm>>
    %dma_start3A_74 = arith.constant 0 : i32
    %dma_start3A_75 = tpu.memref_slice %arg8[%dma_start3A_69, %dma_start3A_74] : memref<3x80xi32, #tpu.memory_space<vmem>> -> memref<1x80xi32, #tpu.memory_space<vmem>>
    %dma_start3A_76 = tpu.memref_squeeze %dma_start3A_75 : memref<1x80xi32, #tpu.memory_space<vmem>> -> memref<80xi32, #tpu.memory_space<vmem>>
    %dma_start3A_77 = tpu.memref_slice %arg3[%add3A_59] : memref<320000xi32, #tpu.memory_space<hbm>> -> memref<80xi32, #tpu.memory_space<hbm>>
    tpu.enqueue_dma source(%dma_start3A_77 : memref<80xi32, #tpu.memory_space<hbm>>) target(%dma_start3A_76 : memref<80xi32, #tpu.memory_space<vmem>>) target_semaphore(%arg17 : memref<!tpu.dma_semaphore, #tpu.memory_space<semaphore_mem>>)
    %add3A_78 = arith.constant 0 : i32
    %add3A_79 = arith.addi %mul3A_17, %add3A_78 : i32
    %dma_wait3A = arith.constant 0 : i32
    %dma_wait3A_80 = arith.constant 0 : i32
    %dma_wait3A_81 = tpu.memref_slice %arg7[%dma_wait3A, %dma_wait3A_80] : memref<3x80xi32, #tpu.memory_space<vmem>> -> memref<1x80xi32, #tpu.memory_space<vmem>>
    %dma_wait3A_82 = tpu.memref_squeeze %dma_wait3A_81 : memref<1x80xi32, #tpu.memory_space<vmem>> -> memref<80xi32, #tpu.memory_space<vmem>>
    %dma_wait3A_83 = tpu.memref_slice %arg2[%add3A_79] : memref<320000xi32, #tpu.memory_space<hbm>> -> memref<80xi32, #tpu.memory_space<hbm>>
    %dma_wait3A_84 = arith.constant 0 : i32
    %dma_wait3A_85 = tpu.memref_slice %arg7[%dma_wait3A, %dma_wait3A_84] : memref<3x80xi32, #tpu.memory_space<vmem>> -> memref<1x80xi32, #tpu.memory_space<vmem>>
    %dma_wait3A_86 = tpu.memref_squeeze %dma_wait3A_85 : memref<1x80xi32, #tpu.memory_space<vmem>> -> memref<80xi32, #tpu.memory_space<vmem>>
    %dma_wait3A_87 = tpu.memref_slice %arg2[%add3A_79] : memref<320000xi32, #tpu.memory_space<hbm>> -> memref<80xi32, #tpu.memory_space<hbm>>
    tpu.wait_dma2 semaphore(%arg15 : memref<!tpu.dma_semaphore, #tpu.memory_space<semaphore_mem>>) src(%dma_wait3A_87 : memref<80xi32, #tpu.memory_space<hbm>>) dst(%dma_wait3A_86 : memref<80xi32, #tpu.memory_space<vmem>>)
    %dma_wait3A_88 = arith.constant 0 : i32
    %dma_wait3A_89 = arith.constant 0 : i32
    %dma_wait3A_90 = tpu.memref_slice %arg8[%dma_wait3A_88, %dma_wait3A_89] : memref<3x80xi32, #tpu.memory_space<vmem>> -> memref<1x80xi32, #tpu.memory_space<vmem>>
    %dma_wait3A_91 = tpu.memref_squeeze %dma_wait3A_90 : memref<1x80xi32, #tpu.memory_space<vmem>> -> memref<80xi32, #tpu.memory_space<vmem>>
    %dma_wait3A_92 = tpu.memref_slice %arg3[%add3A_79] : memref<320000xi32, #tpu.memory_space<hbm>> -> memref<80xi32, #tpu.memory_space<hbm>>
    %dma_wait3A_93 = arith.constant 0 : i32
    %dma_wait3A_94 = tpu.memref_slice %arg8[%dma_wait3A_88, %dma_wait3A_93] : memref<3x80xi32, #tpu.memory_space<vmem>> -> memref<1x80xi32, #tpu.memory_space<vmem>>
    %dma_wait3A_95 = tpu.memref_squeeze %dma_wait3A_94 : memref<1x80xi32, #tpu.memory_space<vmem>> -> memref<80xi32, #tpu.memory_space<vmem>>
    %dma_wait3A_96 = tpu.memref_slice %arg3[%add3A_79] : memref<320000xi32, #tpu.memory_space<hbm>> -> memref<80xi32, #tpu.memory_space<hbm>>
    tpu.wait_dma2 semaphore(%arg15 : memref<!tpu.dma_semaphore, #tpu.memory_space<semaphore_mem>>) src(%dma_wait3A_96 : memref<80xi32, #tpu.memory_space<hbm>>) dst(%dma_wait3A_95 : memref<80xi32, #tpu.memory_space<vmem>>)
    %scan3A_97 = arith.constant 0 : i32
    %scan3A_98 = arith.constant 5 : i32
    %scan3A_99 = arith.addi %scan3A_97, %scan3A_98 : i32
    %scan3A_100 = arith.constant 1 : i32
    scf.for %scan3A_395 = %scan3A_97 to %scan3A_99 step %scan3A_100  : i32 {
      %mul3A_396 = arith.constant 16 : i32
      %mul3A_397 = arith.muli %scan3A_395, %mul3A_396 : i32
      %add3A_398 = arith.constant 0 : i32
      %add3A_399 = arith.addi %add3A_398, %mul3A_397 : i32
      %get3A = arith.constant 0 : i32
      %get3A_400 = arith.index_cast %get3A : i32 to index
      %get3A_401 = arith.index_cast %add3A_399 : i32 to index
      %get3A_402 = tpu.vector_load %arg8[%get3A_400, %get3A_401] {strides = array<i32>} : memref<3x80xi32, #tpu.memory_space<vmem>>, vector<16xi32>,
      %swap3A = arith.constant 0 : i32
      %swap3A_403 = arith.index_cast %swap3A : i32 to index
      %swap3A_404 = arith.index_cast %add3A_399 : i32 to index
      %swap3A_405 = tpu.vector_load %arg9[%swap3A_403, %swap3A_404] {strides = array<i32>} : memref<6x80xi32, #tpu.memory_space<vmem>>, vector<16xi32>,
      tpu.vector_store %arg9[%swap3A_403, %swap3A_404], %get3A_402 {strides = array<i32>} : memref<6x80xi32, #tpu.memory_space<vmem>>, vector<16xi32>,
      %shift_right_logical3A = arith.constant 7 : i32
      %shift_right_logical3A_406 = vector.broadcast %shift_right_logical3A : i32 to vector<16xi32>
      %shift_right_logical3A_407 = arith.shrui %get3A_402, %shift_right_logical3A_406 : vector<16xi32>
      %and3A = arith.constant 127 : i32
      %and3A_408 = vector.broadcast %and3A : i32 to vector<16xi32>
      %and3A_409 = arith.andi %get3A_402, %and3A_408 : vector<16xi32>
      tpu.vector_store_idx %arg13[%shift_right_logical3A_407, %and3A_409], %broadcast_in_dim3A_18 {add = true} : memref<80x128xf32, #tpu.memory_space<vmem>>[vector<16xi32>, vector<16xi32>], vector<16xf32>,
    }
    %scan3A_101 = arith.constant 5 : i32
    %dma_start3A_102 = arith.constant 0 : i32
    %dma_start3A_103 = arith.constant 0 : i32
    %dma_start3A_104 = tpu.memref_slice %arg7[%dma_start3A_102, %dma_start3A_103] : memref<3x80xi32, #tpu.memory_space<vmem>> -> memref<1x80xi32, #tpu.memory_space<vmem>>
    %dma_start3A_105 = tpu.memref_squeeze %dma_start3A_104 : memref<1x80xi32, #tpu.memory_space<vmem>> -> memref<80xi32, #tpu.memory_space<vmem>>
    %dma_start3A_106 = arith.constant 0 : i32
    %dma_start3A_107 = arith.constant 0 : i32
    %dma_start3A_108 = tpu.memref_slice %arg4[%dma_start3A_106, %dma_start3A_107] : memref<10000x128xf32, #tpu.memory_space<hbm>> -> memref<10000x128xf32, #tpu.memory_space<hbm>>
    tpu.enqueue_indirect_dma source(%dma_start3A_108 : memref<10000x128xf32, #tpu.memory_space<hbm>>) target(%arg10 : memref<80x128xf32, #tpu.memory_space<vmem>>) offsets(%dma_start3A_105 : memref<80xi32, #tpu.memory_space<vmem>>) semaphore(%arg18 : memref<!tpu.dma_semaphore, #tpu.memory_space<semaphore_mem>>)
    %add3A_109 = arith.constant 80 : i32
    %add3A_110 = arith.addi %mul3A_17, %add3A_109 : i32
    %dma_wait3A_111 = arith.constant 1 : i32
    %dma_wait3A_112 = arith.constant 0 : i32
    %dma_wait3A_113 = tpu.memref_slice %arg7[%dma_wait3A_111, %dma_wait3A_112] : memref<3x80xi32, #tpu.memory_space<vmem>> -> memref<1x80xi32, #tpu.memory_space<vmem>>
    %dma_wait3A_114 = tpu.memref_squeeze %dma_wait3A_113 : memref<1x80xi32, #tpu.memory_space<vmem>> -> memref<80xi32, #tpu.memory_space<vmem>>
    %dma_wait3A_115 = tpu.memref_slice %arg2[%add3A_110] : memref<320000xi32, #tpu.memory_space<hbm>> -> memref<80xi32, #tpu.memory_space<hbm>>
    %dma_wait3A_116 = arith.constant 0 : i32
    %dma_wait3A_117 = tpu.memref_slice %arg7[%dma_wait3A_111, %dma_wait3A_116] : memref<3x80xi32, #tpu.memory_space<vmem>> -> memref<1x80xi32, #tpu.memory_space<vmem>>
    %dma_wait3A_118 = tpu.memref_squeeze %dma_wait3A_117 : memref<1x80xi32, #tpu.memory_space<vmem>> -> memref<80xi32, #tpu.memory_space<vmem>>
    %dma_wait3A_119 = tpu.memref_slice %arg2[%add3A_110] : memref<320000xi32, #tpu.memory_space<hbm>> -> memref<80xi32, #tpu.memory_space<hbm>>
    tpu.wait_dma2 semaphore(%arg16 : memref<!tpu.dma_semaphore, #tpu.memory_space<semaphore_mem>>) src(%dma_wait3A_119 : memref<80xi32, #tpu.memory_space<hbm>>) dst(%dma_wait3A_118 : memref<80xi32, #tpu.memory_space<vmem>>)
    %dma_wait3A_120 = arith.constant 1 : i32
    %dma_wait3A_121 = arith.constant 0 : i32
    %dma_wait3A_122 = tpu.memref_slice %arg8[%dma_wait3A_120, %dma_wait3A_121] : memref<3x80xi32, #tpu.memory_space<vmem>> -> memref<1x80xi32, #tpu.memory_space<vmem>>
    %dma_wait3A_123 = tpu.memref_squeeze %dma_wait3A_122 : memref<1x80xi32, #tpu.memory_space<vmem>> -> memref<80xi32, #tpu.memory_space<vmem>>
    %dma_wait3A_124 = tpu.memref_slice %arg3[%add3A_110] : memref<320000xi32, #tpu.memory_space<hbm>> -> memref<80xi32, #tpu.memory_space<hbm>>
    %dma_wait3A_125 = arith.constant 0 : i32
    %dma_wait3A_126 = tpu.memref_slice %arg8[%dma_wait3A_120, %dma_wait3A_125] : memref<3x80xi32, #tpu.memory_space<vmem>> -> memref<1x80xi32, #tpu.memory_space<vmem>>
    %dma_wait3A_127 = tpu.memref_squeeze %dma_wait3A_126 : memref<1x80xi32, #tpu.memory_space<vmem>> -> memref<80xi32, #tpu.memory_space<vmem>>
    %dma_wait3A_128 = tpu.memref_slice %arg3[%add3A_110] : memref<320000xi32, #tpu.memory_space<hbm>> -> memref<80xi32, #tpu.memory_space<hbm>>
    tpu.wait_dma2 semaphore(%arg16 : memref<!tpu.dma_semaphore, #tpu.memory_space<semaphore_mem>>) src(%dma_wait3A_128 : memref<80xi32, #tpu.memory_space<hbm>>) dst(%dma_wait3A_127 : memref<80xi32, #tpu.memory_space<vmem>>)
    %scan3A_129 = arith.constant 0 : i32
    %scan3A_130 = arith.constant 5 : i32
    %scan3A_131 = arith.addi %scan3A_129, %scan3A_130 : i32
    %scan3A_132 = arith.constant 1 : i32
    scf.for %scan3A_395 = %scan3A_129 to %scan3A_131 step %scan3A_132  : i32 {
      %mul3A_396 = arith.constant 16 : i32
      %mul3A_397 = arith.muli %scan3A_395, %mul3A_396 : i32
      %add3A_398 = arith.constant 0 : i32
      %add3A_399 = arith.addi %add3A_398, %mul3A_397 : i32
      %get3A = arith.constant 1 : i32
      %get3A_400 = arith.index_cast %get3A : i32 to index
      %get3A_401 = arith.index_cast %add3A_399 : i32 to index
      %get3A_402 = tpu.vector_load %arg8[%get3A_400, %get3A_401] {strides = array<i32>} : memref<3x80xi32, #tpu.memory_space<vmem>>, vector<16xi32>,
      %swap3A = arith.constant 1 : i32
      %swap3A_403 = arith.index_cast %swap3A : i32 to index
      %swap3A_404 = arith.index_cast %add3A_399 : i32 to index
      %swap3A_405 = tpu.vector_load %arg9[%swap3A_403, %swap3A_404] {strides = array<i32>} : memref<6x80xi32, #tpu.memory_space<vmem>>, vector<16xi32>,
      tpu.vector_store %arg9[%swap3A_403, %swap3A_404], %get3A_402 {strides = array<i32>} : memref<6x80xi32, #tpu.memory_space<vmem>>, vector<16xi32>,
      %shift_right_logical3A = arith.constant 7 : i32
      %shift_right_logical3A_406 = vector.broadcast %shift_right_logical3A : i32 to vector<16xi32>
      %shift_right_logical3A_407 = arith.shrui %get3A_402, %shift_right_logical3A_406 : vector<16xi32>
      %and3A = arith.constant 127 : i32
      %and3A_408 = vector.broadcast %and3A : i32 to vector<16xi32>
      %and3A_409 = arith.andi %get3A_402, %and3A_408 : vector<16xi32>
      tpu.vector_store_idx %arg13[%shift_right_logical3A_407, %and3A_409], %broadcast_in_dim3A_18 {add = true} : memref<80x128xf32, #tpu.memory_space<vmem>>[vector<16xi32>, vector<16xi32>], vector<16xf32>,
    }
    %scan3A_133 = arith.constant 5 : i32
    %dma_start3A_134 = arith.constant 1 : i32
    %dma_start3A_135 = arith.constant 0 : i32
    %dma_start3A_136 = tpu.memref_slice %arg7[%dma_start3A_134, %dma_start3A_135] : memref<3x80xi32, #tpu.memory_space<vmem>> -> memref<1x80xi32, #tpu.memory_space<vmem>>
    %dma_start3A_137 = tpu.memref_squeeze %dma_start3A_136 : memref<1x80xi32, #tpu.memory_space<vmem>> -> memref<80xi32, #tpu.memory_space<vmem>>
    %dma_start3A_138 = arith.constant 0 : i32
    %dma_start3A_139 = arith.constant 0 : i32
    %dma_start3A_140 = tpu.memref_slice %arg4[%dma_start3A_138, %dma_start3A_139] : memref<10000x128xf32, #tpu.memory_space<hbm>> -> memref<10000x128xf32, #tpu.memory_space<hbm>>
    tpu.enqueue_indirect_dma source(%dma_start3A_140 : memref<10000x128xf32, #tpu.memory_space<hbm>>) target(%arg11 : memref<80x128xf32, #tpu.memory_space<vmem>>) offsets(%dma_start3A_137 : memref<80xi32, #tpu.memory_space<vmem>>) semaphore(%arg19 : memref<!tpu.dma_semaphore, #tpu.memory_space<semaphore_mem>>)
    %add3A_141 = arith.constant 160 : i32
    %add3A_142 = arith.addi %mul3A_17, %add3A_141 : i32
    %dma_wait3A_143 = arith.constant 2 : i32
    %dma_wait3A_144 = arith.constant 0 : i32
    %dma_wait3A_145 = tpu.memref_slice %arg7[%dma_wait3A_143, %dma_wait3A_144] : memref<3x80xi32, #tpu.memory_space<vmem>> -> memref<1x80xi32, #tpu.memory_space<vmem>>
    %dma_wait3A_146 = tpu.memref_squeeze %dma_wait3A_145 : memref<1x80xi32, #tpu.memory_space<vmem>> -> memref<80xi32, #tpu.memory_space<vmem>>
    %dma_wait3A_147 = tpu.memref_slice %arg2[%add3A_142] : memref<320000xi32, #tpu.memory_space<hbm>> -> memref<80xi32, #tpu.memory_space<hbm>>
    %dma_wait3A_148 = arith.constant 0 : i32
    %dma_wait3A_149 = tpu.memref_slice %arg7[%dma_wait3A_143, %dma_wait3A_148] : memref<3x80xi32, #tpu.memory_space<vmem>> -> memref<1x80xi32, #tpu.memory_space<vmem>>
    %dma_wait3A_150 = tpu.memref_squeeze %dma_wait3A_149 : memref<1x80xi32, #tpu.memory_space<vmem>> -> memref<80xi32, #tpu.memory_space<vmem>>
    %dma_wait3A_151 = tpu.memref_slice %arg2[%add3A_142] : memref<320000xi32, #tpu.memory_space<hbm>> -> memref<80xi32, #tpu.memory_space<hbm>>
    tpu.wait_dma2 semaphore(%arg17 : memref<!tpu.dma_semaphore, #tpu.memory_space<semaphore_mem>>) src(%dma_wait3A_151 : memref<80xi32, #tpu.memory_space<hbm>>) dst(%dma_wait3A_150 : memref<80xi32, #tpu.memory_space<vmem>>)
    %dma_wait3A_152 = arith.constant 2 : i32
    %dma_wait3A_153 = arith.constant 0 : i32
    %dma_wait3A_154 = tpu.memref_slice %arg8[%dma_wait3A_152, %dma_wait3A_153] : memref<3x80xi32, #tpu.memory_space<vmem>> -> memref<1x80xi32, #tpu.memory_space<vmem>>
    %dma_wait3A_155 = tpu.memref_squeeze %dma_wait3A_154 : memref<1x80xi32, #tpu.memory_space<vmem>> -> memref<80xi32, #tpu.memory_space<vmem>>
    %dma_wait3A_156 = tpu.memref_slice %arg3[%add3A_142] : memref<320000xi32, #tpu.memory_space<hbm>> -> memref<80xi32, #tpu.memory_space<hbm>>
    %dma_wait3A_157 = arith.constant 0 : i32
    %dma_wait3A_158 = tpu.memref_slice %arg8[%dma_wait3A_152, %dma_wait3A_157] : memref<3x80xi32, #tpu.memory_space<vmem>> -> memref<1x80xi32, #tpu.memory_space<vmem>>
    %dma_wait3A_159 = tpu.memref_squeeze %dma_wait3A_158 : memref<1x80xi32, #tpu.memory_space<vmem>> -> memref<80xi32, #tpu.memory_space<vmem>>
    %dma_wait3A_160 = tpu.memref_slice %arg3[%add3A_142] : memref<320000xi32, #tpu.memory_space<hbm>> -> memref<80xi32, #tpu.memory_space<hbm>>
    tpu.wait_dma2 semaphore(%arg17 : memref<!tpu.dma_semaphore, #tpu.memory_space<semaphore_mem>>) src(%dma_wait3A_160 : memref<80xi32, #tpu.memory_space<hbm>>) dst(%dma_wait3A_159 : memref<80xi32, #tpu.memory_space<vmem>>)
    %scan3A_161 = arith.constant 0 : i32
    %scan3A_162 = arith.constant 5 : i32
    %scan3A_163 = arith.addi %scan3A_161, %scan3A_162 : i32
    %scan3A_164 = arith.constant 1 : i32
    scf.for %scan3A_395 = %scan3A_161 to %scan3A_163 step %scan3A_164  : i32 {
      %mul3A_396 = arith.constant 16 : i32
      %mul3A_397 = arith.muli %scan3A_395, %mul3A_396 : i32
      %add3A_398 = arith.constant 0 : i32
      %add3A_399 = arith.addi %add3A_398, %mul3A_397 : i32
      %get3A = arith.constant 2 : i32
      %get3A_400 = arith.index_cast %get3A : i32 to index
      %get3A_401 = arith.index_cast %add3A_399 : i32 to index
      %get3A_402 = tpu.vector_load %arg8[%get3A_400, %get3A_401] {strides = array<i32>} : memref<3x80xi32, #tpu.memory_space<vmem>>, vector<16xi32>,
      %swap3A = arith.constant 2 : i32
      %swap3A_403 = arith.index_cast %swap3A : i32 to index
      %swap3A_404 = arith.index_cast %add3A_399 : i32 to index
      %swap3A_405 = tpu.vector_load %arg9[%swap3A_403, %swap3A_404] {strides = array<i32>} : memref<6x80xi32, #tpu.memory_space<vmem>>, vector<16xi32>,
      tpu.vector_store %arg9[%swap3A_403, %swap3A_404], %get3A_402 {strides = array<i32>} : memref<6x80xi32, #tpu.memory_space<vmem>>, vector<16xi32>,
      %shift_right_logical3A = arith.constant 7 : i32
      %shift_right_logical3A_406 = vector.broadcast %shift_right_logical3A : i32 to vector<16xi32>
      %shift_right_logical3A_407 = arith.shrui %get3A_402, %shift_right_logical3A_406 : vector<16xi32>
      %and3A = arith.constant 127 : i32
      %and3A_408 = vector.broadcast %and3A : i32 to vector<16xi32>
      %and3A_409 = arith.andi %get3A_402, %and3A_408 : vector<16xi32>
      tpu.vector_store_idx %arg13[%shift_right_logical3A_407, %and3A_409], %broadcast_in_dim3A_18 {add = true} : memref<80x128xf32, #tpu.memory_space<vmem>>[vector<16xi32>, vector<16xi32>], vector<16xf32>,
    }
    %scan3A_165 = arith.constant 5 : i32
    %dma_start3A_166 = arith.constant 2 : i32
    %dma_start3A_167 = arith.constant 0 : i32
    %dma_start3A_168 = tpu.memref_slice %arg7[%dma_start3A_166, %dma_start3A_167] : memref<3x80xi32, #tpu.memory_space<vmem>> -> memref<1x80xi32, #tpu.memory_space<vmem>>
    %dma_start3A_169 = tpu.memref_squeeze %dma_start3A_168 : memref<1x80xi32, #tpu.memory_space<vmem>> -> memref<80xi32, #tpu.memory_space<vmem>>
    %dma_start3A_170 = arith.constant 0 : i32
    %dma_start3A_171 = arith.constant 0 : i32
    %dma_start3A_172 = tpu.memref_slice %arg4[%dma_start3A_170, %dma_start3A_171] : memref<10000x128xf32, #tpu.memory_space<hbm>> -> memref<10000x128xf32, #tpu.memory_space<hbm>>
    tpu.enqueue_indirect_dma source(%dma_start3A_172 : memref<10000x128xf32, #tpu.memory_space<hbm>>) target(%arg12 : memref<80x128xf32, #tpu.memory_space<vmem>>) offsets(%dma_start3A_169 : memref<80xi32, #tpu.memory_space<vmem>>) semaphore(%arg20 : memref<!tpu.dma_semaphore, #tpu.memory_space<semaphore_mem>>)
    %barrier3A = arith.constant 0 : index
    tpu.barrier barrier_id(%barrier3A)
    %scan3A_173 = arith.constant 0 : i32
    %scan3A_174 = arith.constant 20 : i32
    %scan3A_175 = arith.addi %scan3A_173, %scan3A_174 : i32
    %scan3A_176 = arith.constant 1 : i32
    scf.for %scan3A_395 = %scan3A_173 to %scan3A_175 step %scan3A_176  : i32 {
      %mul3A_396 = arith.constant 6 : i32
      %mul3A_397 = arith.muli %scan3A_395, %mul3A_396 : i32
      %add3A_398 = arith.constant 3 : i32
      %add3A_399 = arith.addi %add3A_398, %mul3A_397 : i32
      %add3A_400 = arith.constant 0 : i32
      %add3A_401 = arith.addi %add3A_399, %add3A_400 : i32
      %add3A_402 = arith.constant 0 : i32
      %add3A_403 = arith.addi %add3A_401, %add3A_402 : i32
      %dma_wait3A_404 = arith.constant 0 : i32
      %dma_wait3A_405 = arith.constant 0 : i32
      %dma_wait3A_406 = tpu.memref_slice %arg7[%dma_wait3A_404, %dma_wait3A_405] : memref<3x80xi32, #tpu.memory_space<vmem>> -> memref<1x80xi32, #tpu.memory_space<vmem>>
      %dma_wait3A_407 = tpu.memref_squeeze %dma_wait3A_406 : memref<1x80xi32, #tpu.memory_space<vmem>> -> memref<80xi32, #tpu.memory_space<vmem>>
      %dma_wait3A_408 = arith.constant 0 : i32
      %dma_wait3A_409 = arith.constant 0 : i32
      %dma_wait3A_410 = tpu.memref_slice %arg4[%dma_wait3A_408, %dma_wait3A_409] : memref<10000x128xf32, #tpu.memory_space<hbm>> -> memref<10000x128xf32, #tpu.memory_space<hbm>>
      tpu.wait_indirect_dma semaphore(%arg18 : memref<!tpu.dma_semaphore, #tpu.memory_space<semaphore_mem>>) src(%dma_wait3A_410 : memref<10000x128xf32, #tpu.memory_space<hbm>>) dst(%arg10 : memref<80x128xf32, #tpu.memory_space<vmem>>)
      %dma_start3A_411 = arith.constant 0 : i32
      %dma_start3A_412 = arith.constant 0 : i32
      %dma_start3A_413 = tpu.memref_slice %arg9[%dma_start3A_411, %dma_start3A_412] : memref<6x80xi32, #tpu.memory_space<vmem>> -> memref<1x80xi32, #tpu.memory_space<vmem>>
      %dma_start3A_414 = tpu.memref_squeeze %dma_start3A_413 : memref<1x80xi32, #tpu.memory_space<vmem>> -> memref<80xi32, #tpu.memory_space<vmem>>
      %dma_start3A_415 = arith.constant 0 : i32
      %dma_start3A_416 = arith.constant 0 : i32
      %dma_start3A_417 = tpu.memref_slice %arg14[%dma_start3A_415, %dma_start3A_416] : memref<10000x128xf32, #tpu.memory_space<vmem_shared>> -> memref<10000x128xf32, #tpu.memory_space<vmem_shared>>
      tpu.enqueue_indirect_dma source(%arg10 : memref<80x128xf32, #tpu.memory_space<vmem>>) target(%dma_start3A_417 : memref<10000x128xf32, #tpu.memory_space<vmem_shared>>) offsets(%dma_start3A_414 : memref<80xi32, #tpu.memory_space<vmem>>) semaphore(%arg21 : memref<!tpu.dma_semaphore, #tpu.memory_space<semaphore_mem>>) {add = true}
      %mul3A_418 = arith.constant 80 : i32
      %mul3A_419 = arith.muli %add3A_403, %mul3A_418 : i32
      %add3A_420 = arith.addi %mul3A_17, %mul3A_419 : i32
      %dma_start3A_421 = arith.constant 0 : i32
      %dma_start3A_422 = arith.constant 0 : i32
      %dma_start3A_423 = tpu.memref_slice %arg7[%dma_start3A_421, %dma_start3A_422] : memref<3x80xi32, #tpu.memory_space<vmem>> -> memref<1x80xi32, #tpu.memory_space<vmem>>
      %dma_start3A_424 = tpu.memref_squeeze %dma_start3A_423 : memref<1x80xi32, #tpu.memory_space<vmem>> -> memref<80xi32, #tpu.memory_space<vmem>>
      %dma_start3A_425 = tpu.memref_slice %arg2[%add3A_420] : memref<320000xi32, #tpu.memory_space<hbm>> -> memref<80xi32, #tpu.memory_space<hbm>>
      %dma_start3A_426 = arith.constant 0 : i32
      %dma_start3A_427 = tpu.memref_slice %arg7[%dma_start3A_421, %dma_start3A_426] : memref<3x80xi32, #tpu.memory_space<vmem>> -> memref<1x80xi32, #tpu.memory_space<vmem>>
      %dma_start3A_428 = tpu.memref_squeeze %dma_start3A_427 : memref<1x80xi32, #tpu.memory_space<vmem>> -> memref<80xi32, #tpu.memory_space<vmem>>
      %dma_start3A_429 = tpu.memref_slice %arg2[%add3A_420] : memref<320000xi32, #tpu.memory_space<hbm>> -> memref<80xi32, #tpu.memory_space<hbm>>
      tpu.enqueue_dma source(%dma_start3A_429 : memref<80xi32, #tpu.memory_space<hbm>>) target(%dma_start3A_428 : memref<80xi32, #tpu.memory_space<vmem>>) target_semaphore(%arg15 : memref<!tpu.dma_semaphore, #tpu.memory_space<semaphore_mem>>)
      %dma_start3A_430 = arith.constant 0 : i32
      %dma_start3A_431 = arith.constant 0 : i32
      %dma_start3A_432 = tpu.memref_slice %arg8[%dma_start3A_430, %dma_start3A_431] : memref<3x80xi32, #tpu.memory_space<vmem>> -> memref<1x80xi32, #tpu.memory_space<vmem>>
      %dma_start3A_433 = tpu.memref_squeeze %dma_start3A_432 : memref<1x80xi32, #tpu.memory_space<vmem>> -> memref<80xi32, #tpu.memory_space<vmem>>
      %dma_start3A_434 = tpu.memref_slice %arg3[%add3A_420] : memref<320000xi32, #tpu.memory_space<hbm>> -> memref<80xi32, #tpu.memory_space<hbm>>
      %dma_start3A_435 = arith.constant 0 : i32
      %dma_start3A_436 = tpu.memref_slice %arg8[%dma_start3A_430, %dma_start3A_435] : memref<3x80xi32, #tpu.memory_space<vmem>> -> memref<1x80xi32, #tpu.memory_space<vmem>>
      %dma_start3A_437 = tpu.memref_squeeze %dma_start3A_436 : memref<1x80xi32, #tpu.memory_space<vmem>> -> memref<80xi32, #tpu.memory_space<vmem>>
      %dma_start3A_438 = tpu.memref_slice %arg3[%add3A_420] : memref<320000xi32, #tpu.memory_space<hbm>> -> memref<80xi32, #tpu.memory_space<hbm>>
      tpu.enqueue_dma source(%dma_start3A_438 : memref<80xi32, #tpu.memory_space<hbm>>) target(%dma_start3A_437 : memref<80xi32, #tpu.memory_space<vmem>>) target_semaphore(%arg15 : memref<!tpu.dma_semaphore, #tpu.memory_space<semaphore_mem>>)
      %mul3A_439 = arith.constant 80 : i32
      %mul3A_440 = arith.muli %add3A_403, %mul3A_439 : i32
      %add3A_441 = arith.addi %mul3A_17, %mul3A_440 : i32
      %dma_wait3A_442 = arith.constant 0 : i32
      %dma_wait3A_443 = arith.constant 0 : i32
      %dma_wait3A_444 = tpu.memref_slice %arg7[%dma_wait3A_442, %dma_wait3A_443] : memref<3x80xi32, #tpu.memory_space<vmem>> -> memref<1x80xi32, #tpu.memory_space<vmem>>
      %dma_wait3A_445 = tpu.memref_squeeze %dma_wait3A_444 : memref<1x80xi32, #tpu.memory_space<vmem>> -> memref<80xi32, #tpu.memory_space<vmem>>
      %dma_wait3A_446 = tpu.memref_slice %arg2[%add3A_441] : memref<320000xi32, #tpu.memory_space<hbm>> -> memref<80xi32, #tpu.memory_space<hbm>>
      %dma_wait3A_447 = arith.constant 0 : i32
      %dma_wait3A_448 = tpu.memref_slice %arg7[%dma_wait3A_442, %dma_wait3A_447] : memref<3x80xi32, #tpu.memory_space<vmem>> -> memref<1x80xi32, #tpu.memory_space<vmem>>
      %dma_wait3A_449 = tpu.memref_squeeze %dma_wait3A_448 : memref<1x80xi32, #tpu.memory_space<vmem>> -> memref<80xi32, #tpu.memory_space<vmem>>
      %dma_wait3A_450 = tpu.memref_slice %arg2[%add3A_441] : memref<320000xi32, #tpu.memory_space<hbm>> -> memref<80xi32, #tpu.memory_space<hbm>>
      tpu.wait_dma2 semaphore(%arg15 : memref<!tpu.dma_semaphore, #tpu.memory_space<semaphore_mem>>) src(%dma_wait3A_450 : memref<80xi32, #tpu.memory_space<hbm>>) dst(%dma_wait3A_449 : memref<80xi32, #tpu.memory_space<vmem>>)
      %dma_wait3A_451 = arith.constant 0 : i32
      %dma_wait3A_452 = arith.constant 0 : i32
      %dma_wait3A_453 = tpu.memref_slice %arg8[%dma_wait3A_451, %dma_wait3A_452] : memref<3x80xi32, #tpu.memory_space<vmem>> -> memref<1x80xi32, #tpu.memory_space<vmem>>
      %dma_wait3A_454 = tpu.memref_squeeze %dma_wait3A_453 : memref<1x80xi32, #tpu.memory_space<vmem>> -> memref<80xi32, #tpu.memory_space<vmem>>
      %dma_wait3A_455 = tpu.memref_slice %arg3[%add3A_441] : memref<320000xi32, #tpu.memory_space<hbm>> -> memref<80xi32, #tpu.memory_space<hbm>>
      %dma_wait3A_456 = arith.constant 0 : i32
      %dma_wait3A_457 = tpu.memref_slice %arg8[%dma_wait3A_451, %dma_wait3A_456] : memref<3x80xi32, #tpu.memory_space<vmem>> -> memref<1x80xi32, #tpu.memory_space<vmem>>
      %dma_wait3A_458 = tpu.memref_squeeze %dma_wait3A_457 : memref<1x80xi32, #tpu.memory_space<vmem>> -> memref<80xi32, #tpu.memory_space<vmem>>
      %dma_wait3A_459 = tpu.memref_slice %arg3[%add3A_441] : memref<320000xi32, #tpu.memory_space<hbm>> -> memref<80xi32, #tpu.memory_space<hbm>>
      tpu.wait_dma2 semaphore(%arg15 : memref<!tpu.dma_semaphore, #tpu.memory_space<semaphore_mem>>) src(%dma_wait3A_459 : memref<80xi32, #tpu.memory_space<hbm>>) dst(%dma_wait3A_458 : memref<80xi32, #tpu.memory_space<vmem>>)
      %scan3A_460 = arith.constant 0 : i32
      %scan3A_461 = arith.constant 5 : i32
      %scan3A_462 = arith.addi %scan3A_460, %scan3A_461 : i32
      %scan3A_463 = arith.constant 1 : i32
      scf.for %scan3A_874 = %scan3A_460 to %scan3A_462 step %scan3A_463  : i32 {
        %mul3A_875 = arith.constant 16 : i32
        %mul3A_876 = arith.muli %scan3A_874, %mul3A_875 : i32
        %add3A_877 = arith.constant 0 : i32
        %add3A_878 = arith.addi %add3A_877, %mul3A_876 : i32
        %get3A = arith.constant 0 : i32
        %get3A_879 = arith.index_cast %get3A : i32 to index
        %get3A_880 = arith.index_cast %add3A_878 : i32 to index
        %get3A_881 = tpu.vector_load %arg8[%get3A_879, %get3A_880] {strides = array<i32>} : memref<3x80xi32, #tpu.memory_space<vmem>>, vector<16xi32>,
        %swap3A = arith.constant 3 : i32
        %swap3A_882 = arith.index_cast %swap3A : i32 to index
        %swap3A_883 = arith.index_cast %add3A_878 : i32 to index
        %swap3A_884 = tpu.vector_load %arg9[%swap3A_882, %swap3A_883] {strides = array<i32>} : memref<6x80xi32, #tpu.memory_space<vmem>>, vector<16xi32>,
        tpu.vector_store %arg9[%swap3A_882, %swap3A_883], %get3A_881 {strides = array<i32>} : memref<6x80xi32, #tpu.memory_space<vmem>>, vector<16xi32>,
        %shift_right_logical3A = arith.constant 7 : i32
        %shift_right_logical3A_885 = vector.broadcast %shift_right_logical3A : i32 to vector<16xi32>
        %shift_right_logical3A_886 = arith.shrui %get3A_881, %shift_right_logical3A_885 : vector<16xi32>
        %and3A = arith.constant 127 : i32
        %and3A_887 = vector.broadcast %and3A : i32 to vector<16xi32>
        %and3A_888 = arith.andi %get3A_881, %and3A_887 : vector<16xi32>
        tpu.vector_store_idx %arg13[%shift_right_logical3A_886, %and3A_888], %broadcast_in_dim3A_18 {add = true} : memref<80x128xf32, #tpu.memory_space<vmem>>[vector<16xi32>, vector<16xi32>], vector<16xf32>,
      }
      %scan3A_464 = arith.constant 5 : i32
      %dma_wait3A_465 = arith.constant 0 : i32
      %dma_wait3A_466 = arith.constant 0 : i32
      %dma_wait3A_467 = tpu.memref_slice %arg9[%dma_wait3A_465, %dma_wait3A_466] : memref<6x80xi32, #tpu.memory_space<vmem>> -> memref<1x80xi32, #tpu.memory_space<vmem>>
      %dma_wait3A_468 = tpu.memref_squeeze %dma_wait3A_467 : memref<1x80xi32, #tpu.memory_space<vmem>> -> memref<80xi32, #tpu.memory_space<vmem>>
      %dma_wait3A_469 = arith.constant 0 : i32
      %dma_wait3A_470 = arith.constant 0 : i32
      %dma_wait3A_471 = tpu.memref_slice %arg14[%dma_wait3A_469, %dma_wait3A_470] : memref<10000x128xf32, #tpu.memory_space<vmem_shared>> -> memref<10000x128xf32, #tpu.memory_space<vmem_shared>>
      tpu.wait_indirect_dma semaphore(%arg21 : memref<!tpu.dma_semaphore, #tpu.memory_space<semaphore_mem>>) src(%arg10 : memref<80x128xf32, #tpu.memory_space<vmem>>) dst(%dma_wait3A_471 : memref<10000x128xf32, #tpu.memory_space<vmem_shared>>)
      %dma_start3A_472 = arith.constant 0 : i32
      %dma_start3A_473 = arith.constant 0 : i32
      %dma_start3A_474 = tpu.memref_slice %arg7[%dma_start3A_472, %dma_start3A_473] : memref<3x80xi32, #tpu.memory_space<vmem>> -> memref<1x80xi32, #tpu.memory_space<vmem>>
      %dma_start3A_475 = tpu.memref_squeeze %dma_start3A_474 : memref<1x80xi32, #tpu.memory_space<vmem>> -> memref<80xi32, #tpu.memory_space<vmem>>
      %dma_start3A_476 = arith.constant 0 : i32
      %dma_start3A_477 = arith.constant 0 : i32
      %dma_start3A_478 = tpu.memref_slice %arg4[%dma_start3A_476, %dma_start3A_477] : memref<10000x128xf32, #tpu.memory_space<hbm>> -> memref<10000x128xf32, #tpu.memory_space<hbm>>
      tpu.enqueue_indirect_dma source(%dma_start3A_478 : memref<10000x128xf32, #tpu.memory_space<hbm>>) target(%arg10 : memref<80x128xf32, #tpu.memory_space<vmem>>) offsets(%dma_start3A_475 : memref<80xi32, #tpu.memory_space<vmem>>) semaphore(%arg18 : memref<!tpu.dma_semaphore, #tpu.memory_space<semaphore_mem>>)
      %add3A_479 = arith.constant 0 : i32
      %add3A_480 = arith.addi %add3A_399, %add3A_479 : i32
      %add3A_481 = arith.constant 1 : i32
      %add3A_482 = arith.addi %add3A_480, %add3A_481 : i32
      %dma_wait3A_483 = arith.constant 1 : i32
      %dma_wait3A_484 = arith.constant 0 : i32
      %dma_wait3A_485 = tpu.memref_slice %arg7[%dma_wait3A_483, %dma_wait3A_484] : memref<3x80xi32, #tpu.memory_space<vmem>> -> memref<1x80xi32, #tpu.memory_space<vmem>>
      %dma_wait3A_486 = tpu.memref_squeeze %dma_wait3A_485 : memref<1x80xi32, #tpu.memory_space<vmem>> -> memref<80xi32, #tpu.memory_space<vmem>>
      %dma_wait3A_487 = arith.constant 0 : i32
      %dma_wait3A_488 = arith.constant 0 : i32
      %dma_wait3A_489 = tpu.memref_slice %arg4[%dma_wait3A_487, %dma_wait3A_488] : memref<10000x128xf32, #tpu.memory_space<hbm>> -> memref<10000x128xf32, #tpu.memory_space<hbm>>
      tpu.wait_indirect_dma semaphore(%arg19 : memref<!tpu.dma_semaphore, #tpu.memory_space<semaphore_mem>>) src(%dma_wait3A_489 : memref<10000x128xf32, #tpu.memory_space<hbm>>) dst(%arg11 : memref<80x128xf32, #tpu.memory_space<vmem>>)
      %dma_start3A_490 = arith.constant 1 : i32
      %dma_start3A_491 = arith.constant 0 : i32
      %dma_start3A_492 = tpu.memref_slice %arg9[%dma_start3A_490, %dma_start3A_491] : memref<6x80xi32, #tpu.memory_space<vmem>> -> memref<1x80xi32, #tpu.memory_space<vmem>>
      %dma_start3A_493 = tpu.memref_squeeze %dma_start3A_492 : memref<1x80xi32, #tpu.memory_space<vmem>> -> memref<80xi32, #tpu.memory_space<vmem>>
      %dma_start3A_494 = arith.constant 0 : i32
      %dma_start3A_495 = arith.constant 0 : i32
      %dma_start3A_496 = tpu.memref_slice %arg14[%dma_start3A_494, %dma_start3A_495] : memref<10000x128xf32, #tpu.memory_space<vmem_shared>> -> memref<10000x128xf32, #tpu.memory_space<vmem_shared>>
      tpu.enqueue_indirect_dma source(%arg11 : memref<80x128xf32, #tpu.memory_space<vmem>>) target(%dma_start3A_496 : memref<10000x128xf32, #tpu.memory_space<vmem_shared>>) offsets(%dma_start3A_493 : memref<80xi32, #tpu.memory_space<vmem>>) semaphore(%arg22 : memref<!tpu.dma_semaphore, #tpu.memory_space<semaphore_mem>>) {add = true}
      %mul3A_497 = arith.constant 80 : i32
      %mul3A_498 = arith.muli %add3A_482, %mul3A_497 : i32
      %add3A_499 = arith.addi %mul3A_17, %mul3A_498 : i32
      %dma_start3A_500 = arith.constant 1 : i32
      %dma_start3A_501 = arith.constant 0 : i32
      %dma_start3A_502 = tpu.memref_slice %arg7[%dma_start3A_500, %dma_start3A_501] : memref<3x80xi32, #tpu.memory_space<vmem>> -> memref<1x80xi32, #tpu.memory_space<vmem>>
      %dma_start3A_503 = tpu.memref_squeeze %dma_start3A_502 : memref<1x80xi32, #tpu.memory_space<vmem>> -> memref<80xi32, #tpu.memory_space<vmem>>
      %dma_start3A_504 = tpu.memref_slice %arg2[%add3A_499] : memref<320000xi32, #tpu.memory_space<hbm>> -> memref<80xi32, #tpu.memory_space<hbm>>
      %dma_start3A_505 = arith.constant 0 : i32
      %dma_start3A_506 = tpu.memref_slice %arg7[%dma_start3A_500, %dma_start3A_505] : memref<3x80xi32, #tpu.memory_space<vmem>> -> memref<1x80xi32, #tpu.memory_space<vmem>>
      %dma_start3A_507 = tpu.memref_squeeze %dma_start3A_506 : memref<1x80xi32, #tpu.memory_space<vmem>> -> memref<80xi32, #tpu.memory_space<vmem>>
      %dma_start3A_508 = tpu.memref_slice %arg2[%add3A_499] : memref<320000xi32, #tpu.memory_space<hbm>> -> memref<80xi32, #tpu.memory_space<hbm>>
      tpu.enqueue_dma source(%dma_start3A_508 : memref<80xi32, #tpu.memory_space<hbm>>) target(%dma_start3A_507 : memref<80xi32, #tpu.memory_space<vmem>>) target_semaphore(%arg16 : memref<!tpu.dma_semaphore, #tpu.memory_space<semaphore_mem>>)
      %dma_start3A_509 = arith.constant 1 : i32
      %dma_start3A_510 = arith.constant 0 : i32
      %dma_start3A_511 = tpu.memref_slice %arg8[%dma_start3A_509, %dma_start3A_510] : memref<3x80xi32, #tpu.memory_space<vmem>> -> memref<1x80xi32, #tpu.memory_space<vmem>>
      %dma_start3A_512 = tpu.memref_squeeze %dma_start3A_511 : memref<1x80xi32, #tpu.memory_space<vmem>> -> memref<80xi32, #tpu.memory_space<vmem>>
      %dma_start3A_513 = tpu.memref_slice %arg3[%add3A_499] : memref<320000xi32, #tpu.memory_space<hbm>> -> memref<80xi32, #tpu.memory_space<hbm>>
      %dma_start3A_514 = arith.constant 0 : i32
      %dma_start3A_515 = tpu.memref_slice %arg8[%dma_start3A_509, %dma_start3A_514] : memref<3x80xi32, #tpu.memory_space<vmem>> -> memref<1x80xi32, #tpu.memory_space<vmem>>
      %dma_start3A_516 = tpu.memref_squeeze %dma_start3A_515 : memref<1x80xi32, #tpu.memory_space<vmem>> -> memref<80xi32, #tpu.memory_space<vmem>>
      %dma_start3A_517 = tpu.memref_slice %arg3[%add3A_499] : memref<320000xi32, #tpu.memory_space<hbm>> -> memref<80xi32, #tpu.memory_space<hbm>>
      tpu.enqueue_dma source(%dma_start3A_517 : memref<80xi32, #tpu.memory_space<hbm>>) target(%dma_start3A_516 : memref<80xi32, #tpu.memory_space<vmem>>) target_semaphore(%arg16 : memref<!tpu.dma_semaphore, #tpu.memory_space<semaphore_mem>>)
      %mul3A_518 = arith.constant 80 : i32
      %mul3A_519 = arith.muli %add3A_482, %mul3A_518 : i32
      %add3A_520 = arith.addi %mul3A_17, %mul3A_519 : i32
      %dma_wait3A_521 = arith.constant 1 : i32
      %dma_wait3A_522 = arith.constant 0 : i32
      %dma_wait3A_523 = tpu.memref_slice %arg7[%dma_wait3A_521, %dma_wait3A_522] : memref<3x80xi32, #tpu.memory_space<vmem>> -> memref<1x80xi32, #tpu.memory_space<vmem>>
      %dma_wait3A_524 = tpu.memref_squeeze %dma_wait3A_523 : memref<1x80xi32, #tpu.memory_space<vmem>> -> memref<80xi32, #tpu.memory_space<vmem>>
      %dma_wait3A_525 = tpu.memref_slice %arg2[%add3A_520] : memref<320000xi32, #tpu.memory_space<hbm>> -> memref<80xi32, #tpu.memory_space<hbm>>
      %dma_wait3A_526 = arith.constant 0 : i32
      %dma_wait3A_527 = tpu.memref_slice %arg7[%dma_wait3A_521, %dma_wait3A_526] : memref<3x80xi32, #tpu.memory_space<vmem>> -> memref<1x80xi32, #tpu.memory_space<vmem>>
      %dma_wait3A_528 = tpu.memref_squeeze %dma_wait3A_527 : memref<1x80xi32, #tpu.memory_space<vmem>> -> memref<80xi32, #tpu.memory_space<vmem>>
      %dma_wait3A_529 = tpu.memref_slice %arg2[%add3A_520] : memref<320000xi32, #tpu.memory_space<hbm>> -> memref<80xi32, #tpu.memory_space<hbm>>
      tpu.wait_dma2 semaphore(%arg16 : memref<!tpu.dma_semaphore, #tpu.memory_space<semaphore_mem>>) src(%dma_wait3A_529 : memref<80xi32, #tpu.memory_space<hbm>>) dst(%dma_wait3A_528 : memref<80xi32, #tpu.memory_space<vmem>>)
      %dma_wait3A_530 = arith.constant 1 : i32
      %dma_wait3A_531 = arith.constant 0 : i32
      %dma_wait3A_532 = tpu.memref_slice %arg8[%dma_wait3A_530, %dma_wait3A_531] : memref<3x80xi32, #tpu.memory_space<vmem>> -> memref<1x80xi32, #tpu.memory_space<vmem>>
      %dma_wait3A_533 = tpu.memref_squeeze %dma_wait3A_532 : memref<1x80xi32, #tpu.memory_space<vmem>> -> memref<80xi32, #tpu.memory_space<vmem>>
      %dma_wait3A_534 = tpu.memref_slice %arg3[%add3A_520] : memref<320000xi32, #tpu.memory_space<hbm>> -> memref<80xi32, #tpu.memory_space<hbm>>
      %dma_wait3A_535 = arith.constant 0 : i32
      %dma_wait3A_536 = tpu.memref_slice %arg8[%dma_wait3A_530, %dma_wait3A_535] : memref<3x80xi32, #tpu.memory_space<vmem>> -> memref<1x80xi32, #tpu.memory_space<vmem>>
      %dma_wait3A_537 = tpu.memref_squeeze %dma_wait3A_536 : memref<1x80xi32, #tpu.memory_space<vmem>> -> memref<80xi32, #tpu.memory_space<vmem>>
      %dma_wait3A_538 = tpu.memref_slice %arg3[%add3A_520] : memref<320000xi32, #tpu.memory_space<hbm>> -> memref<80xi32, #tpu.memory_space<hbm>>
      tpu.wait_dma2 semaphore(%arg16 : memref<!tpu.dma_semaphore, #tpu.memory_space<semaphore_mem>>) src(%dma_wait3A_538 : memref<80xi32, #tpu.memory_space<hbm>>) dst(%dma_wait3A_537 : memref<80xi32, #tpu.memory_space<vmem>>)
      %scan3A_539 = arith.constant 0 : i32
      %scan3A_540 = arith.constant 5 : i32
      %scan3A_541 = arith.addi %scan3A_539, %scan3A_540 : i32
      %scan3A_542 = arith.constant 1 : i32
      scf.for %scan3A_874 = %scan3A_539 to %scan3A_541 step %scan3A_542  : i32 {
        %mul3A_875 = arith.constant 16 : i32
        %mul3A_876 = arith.muli %scan3A_874, %mul3A_875 : i32
        %add3A_877 = arith.constant 0 : i32
        %add3A_878 = arith.addi %add3A_877, %mul3A_876 : i32
        %get3A = arith.constant 1 : i32
        %get3A_879 = arith.index_cast %get3A : i32 to index
        %get3A_880 = arith.index_cast %add3A_878 : i32 to index
        %get3A_881 = tpu.vector_load %arg8[%get3A_879, %get3A_880] {strides = array<i32>} : memref<3x80xi32, #tpu.memory_space<vmem>>, vector<16xi32>,
        %swap3A = arith.constant 4 : i32
        %swap3A_882 = arith.index_cast %swap3A : i32 to index
        %swap3A_883 = arith.index_cast %add3A_878 : i32 to index
        %swap3A_884 = tpu.vector_load %arg9[%swap3A_882, %swap3A_883] {strides = array<i32>} : memref<6x80xi32, #tpu.memory_space<vmem>>, vector<16xi32>,
        tpu.vector_store %arg9[%swap3A_882, %swap3A_883], %get3A_881 {strides = array<i32>} : memref<6x80xi32, #tpu.memory_space<vmem>>, vector<16xi32>,
        %shift_right_logical3A = arith.constant 7 : i32
        %shift_right_logical3A_885 = vector.broadcast %shift_right_logical3A : i32 to vector<16xi32>
        %shift_right_logical3A_886 = arith.shrui %get3A_881, %shift_right_logical3A_885 : vector<16xi32>
        %and3A = arith.constant 127 : i32
        %and3A_887 = vector.broadcast %and3A : i32 to vector<16xi32>
        %and3A_888 = arith.andi %get3A_881, %and3A_887 : vector<16xi32>
        tpu.vector_store_idx %arg13[%shift_right_logical3A_886, %and3A_888], %broadcast_in_dim3A_18 {add = true} : memref<80x128xf32, #tpu.memory_space<vmem>>[vector<16xi32>, vector<16xi32>], vector<16xf32>,
      }
      %scan3A_543 = arith.constant 5 : i32
      %dma_wait3A_544 = arith.constant 1 : i32
      %dma_wait3A_545 = arith.constant 0 : i32
      %dma_wait3A_546 = tpu.memref_slice %arg9[%dma_wait3A_544, %dma_wait3A_545] : memref<6x80xi32, #tpu.memory_space<vmem>> -> memref<1x80xi32, #tpu.memory_space<vmem>>
      %dma_wait3A_547 = tpu.memref_squeeze %dma_wait3A_546 : memref<1x80xi32, #tpu.memory_space<vmem>> -> memref<80xi32, #tpu.memory_space<vmem>>
      %dma_wait3A_548 = arith.constant 0 : i32
      %dma_wait3A_549 = arith.constant 0 : i32
      %dma_wait3A_550 = tpu.memref_slice %arg14[%dma_wait3A_548, %dma_wait3A_549] : memref<10000x128xf32, #tpu.memory_space<vmem_shared>> -> memref<10000x128xf32, #tpu.memory_space<vmem_shared>>
      tpu.wait_indirect_dma semaphore(%arg22 : memref<!tpu.dma_semaphore, #tpu.memory_space<semaphore_mem>>) src(%arg11 : memref<80x128xf32, #tpu.memory_space<vmem>>) dst(%dma_wait3A_550 : memref<10000x128xf32, #tpu.memory_space<vmem_shared>>)
      %dma_start3A_551 = arith.constant 1 : i32
      %dma_start3A_552 = arith.constant 0 : i32
      %dma_start3A_553 = tpu.memref_slice %arg7[%dma_start3A_551, %dma_start3A_552] : memref<3x80xi32, #tpu.memory_space<vmem>> -> memref<1x80xi32, #tpu.memory_space<vmem>>
      %dma_start3A_554 = tpu.memref_squeeze %dma_start3A_553 : memref<1x80xi32, #tpu.memory_space<vmem>> -> memref<80xi32, #tpu.memory_space<vmem>>
      %dma_start3A_555 = arith.constant 0 : i32
      %dma_start3A_556 = arith.constant 0 : i32
      %dma_start3A_557 = tpu.memref_slice %arg4[%dma_start3A_555, %dma_start3A_556] : memref<10000x128xf32, #tpu.memory_space<hbm>> -> memref<10000x128xf32, #tpu.memory_space<hbm>>
      tpu.enqueue_indirect_dma source(%dma_start3A_557 : memref<10000x128xf32, #tpu.memory_space<hbm>>) target(%arg11 : memref<80x128xf32, #tpu.memory_space<vmem>>) offsets(%dma_start3A_554 : memref<80xi32, #tpu.memory_space<vmem>>) semaphore(%arg19 : memref<!tpu.dma_semaphore, #tpu.memory_space<semaphore_mem>>)
      %add3A_558 = arith.constant 0 : i32
      %add3A_559 = arith.addi %add3A_399, %add3A_558 : i32
      %add3A_560 = arith.constant 2 : i32
      %add3A_561 = arith.addi %add3A_559, %add3A_560 : i32
      %dma_wait3A_562 = arith.constant 2 : i32
      %dma_wait3A_563 = arith.constant 0 : i32
      %dma_wait3A_564 = tpu.memref_slice %arg7[%dma_wait3A_562, %dma_wait3A_563] : memref<3x80xi32, #tpu.memory_space<vmem>> -> memref<1x80xi32, #tpu.memory_space<vmem>>
      %dma_wait3A_565 = tpu.memref_squeeze %dma_wait3A_564 : memref<1x80xi32, #tpu.memory_space<vmem>> -> memref<80xi32, #tpu.memory_space<vmem>>
      %dma_wait3A_566 = arith.constant 0 : i32
      %dma_wait3A_567 = arith.constant 0 : i32
      %dma_wait3A_568 = tpu.memref_slice %arg4[%dma_wait3A_566, %dma_wait3A_567] : memref<10000x128xf32, #tpu.memory_space<hbm>> -> memref<10000x128xf32, #tpu.memory_space<hbm>>
      tpu.wait_indirect_dma semaphore(%arg20 : memref<!tpu.dma_semaphore, #tpu.memory_space<semaphore_mem>>) src(%dma_wait3A_568 : memref<10000x128xf32, #tpu.memory_space<hbm>>) dst(%arg12 : memref<80x128xf32, #tpu.memory_space<vmem>>)
      %dma_start3A_569 = arith.constant 2 : i32
      %dma_start3A_570 = arith.constant 0 : i32
      %dma_start3A_571 = tpu.memref_slice %arg9[%dma_start3A_569, %dma_start3A_570] : memref<6x80xi32, #tpu.memory_space<vmem>> -> memref<1x80xi32, #tpu.memory_space<vmem>>
      %dma_start3A_572 = tpu.memref_squeeze %dma_start3A_571 : memref<1x80xi32, #tpu.memory_space<vmem>> -> memref<80xi32, #tpu.memory_space<vmem>>
      %dma_start3A_573 = arith.constant 0 : i32
      %dma_start3A_574 = arith.constant 0 : i32
      %dma_start3A_575 = tpu.memref_slice %arg14[%dma_start3A_573, %dma_start3A_574] : memref<10000x128xf32, #tpu.memory_space<vmem_shared>> -> memref<10000x128xf32, #tpu.memory_space<vmem_shared>>
      tpu.enqueue_indirect_dma source(%arg12 : memref<80x128xf32, #tpu.memory_space<vmem>>) target(%dma_start3A_575 : memref<10000x128xf32, #tpu.memory_space<vmem_shared>>) offsets(%dma_start3A_572 : memref<80xi32, #tpu.memory_space<vmem>>) semaphore(%arg23 : memref<!tpu.dma_semaphore, #tpu.memory_space<semaphore_mem>>) {add = true}
      %mul3A_576 = arith.constant 80 : i32
      %mul3A_577 = arith.muli %add3A_561, %mul3A_576 : i32
      %add3A_578 = arith.addi %mul3A_17, %mul3A_577 : i32
      %dma_start3A_579 = arith.constant 2 : i32
      %dma_start3A_580 = arith.constant 0 : i32
      %dma_start3A_581 = tpu.memref_slice %arg7[%dma_start3A_579, %dma_start3A_580] : memref<3x80xi32, #tpu.memory_space<vmem>> -> memref<1x80xi32, #tpu.memory_space<vmem>>
      %dma_start3A_582 = tpu.memref_squeeze %dma_start3A_581 : memref<1x80xi32, #tpu.memory_space<vmem>> -> memref<80xi32, #tpu.memory_space<vmem>>
      %dma_start3A_583 = tpu.memref_slice %arg2[%add3A_578] : memref<320000xi32, #tpu.memory_space<hbm>> -> memref<80xi32, #tpu.memory_space<hbm>>
      %dma_start3A_584 = arith.constant 0 : i32
      %dma_start3A_585 = tpu.memref_slice %arg7[%dma_start3A_579, %dma_start3A_584] : memref<3x80xi32, #tpu.memory_space<vmem>> -> memref<1x80xi32, #tpu.memory_space<vmem>>
      %dma_start3A_586 = tpu.memref_squeeze %dma_start3A_585 : memref<1x80xi32, #tpu.memory_space<vmem>> -> memref<80xi32, #tpu.memory_space<vmem>>
      %dma_start3A_587 = tpu.memref_slice %arg2[%add3A_578] : memref<320000xi32, #tpu.memory_space<hbm>> -> memref<80xi32, #tpu.memory_space<hbm>>
      tpu.enqueue_dma source(%dma_start3A_587 : memref<80xi32, #tpu.memory_space<hbm>>) target(%dma_start3A_586 : memref<80xi32, #tpu.memory_space<vmem>>) target_semaphore(%arg17 : memref<!tpu.dma_semaphore, #tpu.memory_space<semaphore_mem>>)
      %dma_start3A_588 = arith.constant 2 : i32
      %dma_start3A_589 = arith.constant 0 : i32
      %dma_start3A_590 = tpu.memref_slice %arg8[%dma_start3A_588, %dma_start3A_589] : memref<3x80xi32, #tpu.memory_space<vmem>> -> memref<1x80xi32, #tpu.memory_space<vmem>>
      %dma_start3A_591 = tpu.memref_squeeze %dma_start3A_590 : memref<1x80xi32, #tpu.memory_space<vmem>> -> memref<80xi32, #tpu.memory_space<vmem>>
      %dma_start3A_592 = tpu.memref_slice %arg3[%add3A_578] : memref<320000xi32, #tpu.memory_space<hbm>> -> memref<80xi32, #tpu.memory_space<hbm>>
      %dma_start3A_593 = arith.constant 0 : i32
      %dma_start3A_594 = tpu.memref_slice %arg8[%dma_start3A_588, %dma_start3A_593] : memref<3x80xi32, #tpu.memory_space<vmem>> -> memref<1x80xi32, #tpu.memory_space<vmem>>
      %dma_start3A_595 = tpu.memref_squeeze %dma_start3A_594 : memref<1x80xi32, #tpu.memory_space<vmem>> -> memref<80xi32, #tpu.memory_space<vmem>>
      %dma_start3A_596 = tpu.memref_slice %arg3[%add3A_578] : memref<320000xi32, #tpu.memory_space<hbm>> -> memref<80xi32, #tpu.memory_space<hbm>>
      tpu.enqueue_dma source(%dma_start3A_596 : memref<80xi32, #tpu.memory_space<hbm>>) target(%dma_start3A_595 : memref<80xi32, #tpu.memory_space<vmem>>) target_semaphore(%arg17 : memref<!tpu.dma_semaphore, #tpu.memory_space<semaphore_mem>>)
      %mul3A_597 = arith.constant 80 : i32
      %mul3A_598 = arith.muli %add3A_561, %mul3A_597 : i32
      %add3A_599 = arith.addi %mul3A_17, %mul3A_598 : i32
      %dma_wait3A_600 = arith.constant 2 : i32
      %dma_wait3A_601 = arith.constant 0 : i32
      %dma_wait3A_602 = tpu.memref_slice %arg7[%dma_wait3A_600, %dma_wait3A_601] : memref<3x80xi32, #tpu.memory_space<vmem>> -> memref<1x80xi32, #tpu.memory_space<vmem>>
      %dma_wait3A_603 = tpu.memref_squeeze %dma_wait3A_602 : memref<1x80xi32, #tpu.memory_space<vmem>> -> memref<80xi32, #tpu.memory_space<vmem>>
      %dma_wait3A_604 = tpu.memref_slice %arg2[%add3A_599] : memref<320000xi32, #tpu.memory_space<hbm>> -> memref<80xi32, #tpu.memory_space<hbm>>
      %dma_wait3A_605 = arith.constant 0 : i32
      %dma_wait3A_606 = tpu.memref_slice %arg7[%dma_wait3A_600, %dma_wait3A_605] : memref<3x80xi32, #tpu.memory_space<vmem>> -> memref<1x80xi32, #tpu.memory_space<vmem>>
      %dma_wait3A_607 = tpu.memref_squeeze %dma_wait3A_606 : memref<1x80xi32, #tpu.memory_space<vmem>> -> memref<80xi32, #tpu.memory_space<vmem>>
      %dma_wait3A_608 = tpu.memref_slice %arg2[%add3A_599] : memref<320000xi32, #tpu.memory_space<hbm>> -> memref<80xi32, #tpu.memory_space<hbm>>
      tpu.wait_dma2 semaphore(%arg17 : memref<!tpu.dma_semaphore, #tpu.memory_space<semaphore_mem>>) src(%dma_wait3A_608 : memref<80xi32, #tpu.memory_space<hbm>>) dst(%dma_wait3A_607 : memref<80xi32, #tpu.memory_space<vmem>>)
      %dma_wait3A_609 = arith.constant 2 : i32
      %dma_wait3A_610 = arith.constant 0 : i32
      %dma_wait3A_611 = tpu.memref_slice %arg8[%dma_wait3A_609, %dma_wait3A_610] : memref<3x80xi32, #tpu.memory_space<vmem>> -> memref<1x80xi32, #tpu.memory_space<vmem>>
      %dma_wait3A_612 = tpu.memref_squeeze %dma_wait3A_611 : memref<1x80xi32, #tpu.memory_space<vmem>> -> memref<80xi32, #tpu.memory_space<vmem>>
      %dma_wait3A_613 = tpu.memref_slice %arg3[%add3A_599] : memref<320000xi32, #tpu.memory_space<hbm>> -> memref<80xi32, #tpu.memory_space<hbm>>
      %dma_wait3A_614 = arith.constant 0 : i32
      %dma_wait3A_615 = tpu.memref_slice %arg8[%dma_wait3A_609, %dma_wait3A_614] : memref<3x80xi32, #tpu.memory_space<vmem>> -> memref<1x80xi32, #tpu.memory_space<vmem>>
      %dma_wait3A_616 = tpu.memref_squeeze %dma_wait3A_615 : memref<1x80xi32, #tpu.memory_space<vmem>> -> memref<80xi32, #tpu.memory_space<vmem>>
      %dma_wait3A_617 = tpu.memref_slice %arg3[%add3A_599] : memref<320000xi32, #tpu.memory_space<hbm>> -> memref<80xi32, #tpu.memory_space<hbm>>
      tpu.wait_dma2 semaphore(%arg17 : memref<!tpu.dma_semaphore, #tpu.memory_space<semaphore_mem>>) src(%dma_wait3A_617 : memref<80xi32, #tpu.memory_space<hbm>>) dst(%dma_wait3A_616 : memref<80xi32, #tpu.memory_space<vmem>>)
      %scan3A_618 = arith.constant 0 : i32
      %scan3A_619 = arith.constant 5 : i32
      %scan3A_620 = arith.addi %scan3A_618, %scan3A_619 : i32
      %scan3A_621 = arith.constant 1 : i32
      scf.for %scan3A_874 = %scan3A_618 to %scan3A_620 step %scan3A_621  : i32 {
        %mul3A_875 = arith.constant 16 : i32
        %mul3A_876 = arith.muli %scan3A_874, %mul3A_875 : i32
        %add3A_877 = arith.constant 0 : i32
        %add3A_878 = arith.addi %add3A_877, %mul3A_876 : i32
        %get3A = arith.constant 2 : i32
        %get3A_879 = arith.index_cast %get3A : i32 to index
        %get3A_880 = arith.index_cast %add3A_878 : i32 to index
        %get3A_881 = tpu.vector_load %arg8[%get3A_879, %get3A_880] {strides = array<i32>} : memref<3x80xi32, #tpu.memory_space<vmem>>, vector<16xi32>,
        %swap3A = arith.constant 5 : i32
        %swap3A_882 = arith.index_cast %swap3A : i32 to index
        %swap3A_883 = arith.index_cast %add3A_878 : i32 to index
        %swap3A_884 = tpu.vector_load %arg9[%swap3A_882, %swap3A_883] {strides = array<i32>} : memref<6x80xi32, #tpu.memory_space<vmem>>, vector<16xi32>,
        tpu.vector_store %arg9[%swap3A_882, %swap3A_883], %get3A_881 {strides = array<i32>} : memref<6x80xi32, #tpu.memory_space<vmem>>, vector<16xi32>,
        %shift_right_logical3A = arith.constant 7 : i32
        %shift_right_logical3A_885 = vector.broadcast %shift_right_logical3A : i32 to vector<16xi32>
        %shift_right_logical3A_886 = arith.shrui %get3A_881, %shift_right_logical3A_885 : vector<16xi32>
        %and3A = arith.constant 127 : i32
        %and3A_887 = vector.broadcast %and3A : i32 to vector<16xi32>
        %and3A_888 = arith.andi %get3A_881, %and3A_887 : vector<16xi32>
        tpu.vector_store_idx %arg13[%shift_right_logical3A_886, %and3A_888], %broadcast_in_dim3A_18 {add = true} : memref<80x128xf32, #tpu.memory_space<vmem>>[vector<16xi32>, vector<16xi32>], vector<16xf32>,
      }
      %scan3A_622 = arith.constant 5 : i32
      %dma_wait3A_623 = arith.constant 2 : i32
      %dma_wait3A_624 = arith.constant 0 : i32
      %dma_wait3A_625 = tpu.memref_slice %arg9[%dma_wait3A_623, %dma_wait3A_624] : memref<6x80xi32, #tpu.memory_space<vmem>> -> memref<1x80xi32, #tpu.memory_space<vmem>>
      %dma_wait3A_626 = tpu.memref_squeeze %dma_wait3A_625 : memref<1x80xi32, #tpu.memory_space<vmem>> -> memref<80xi32, #tpu.memory_space<vmem>>
      %dma_wait3A_627 = arith.constant 0 : i32
      %dma_wait3A_628 = arith.constant 0 : i32
      %dma_wait3A_629 = tpu.memref_slice %arg14[%dma_wait3A_627, %dma_wait3A_628] : memref<10000x128xf32, #tpu.memory_space<vmem_shared>> -> memref<10000x128xf32, #tpu.memory_space<vmem_shared>>
      tpu.wait_indirect_dma semaphore(%arg23 : memref<!tpu.dma_semaphore, #tpu.memory_space<semaphore_mem>>) src(%arg12 : memref<80x128xf32, #tpu.memory_space<vmem>>) dst(%dma_wait3A_629 : memref<10000x128xf32, #tpu.memory_space<vmem_shared>>)
      %dma_start3A_630 = arith.constant 2 : i32
      %dma_start3A_631 = arith.constant 0 : i32
      %dma_start3A_632 = tpu.memref_slice %arg7[%dma_start3A_630, %dma_start3A_631] : memref<3x80xi32, #tpu.memory_space<vmem>> -> memref<1x80xi32, #tpu.memory_space<vmem>>
      %dma_start3A_633 = tpu.memref_squeeze %dma_start3A_632 : memref<1x80xi32, #tpu.memory_space<vmem>> -> memref<80xi32, #tpu.memory_space<vmem>>
      %dma_start3A_634 = arith.constant 0 : i32
      %dma_start3A_635 = arith.constant 0 : i32
      %dma_start3A_636 = tpu.memref_slice %arg4[%dma_start3A_634, %dma_start3A_635] : memref<10000x128xf32, #tpu.memory_space<hbm>> -> memref<10000x128xf32, #tpu.memory_space<hbm>>
      tpu.enqueue_indirect_dma source(%dma_start3A_636 : memref<10000x128xf32, #tpu.memory_space<hbm>>) target(%arg12 : memref<80x128xf32, #tpu.memory_space<vmem>>) offsets(%dma_start3A_633 : memref<80xi32, #tpu.memory_space<vmem>>) semaphore(%arg20 : memref<!tpu.dma_semaphore, #tpu.memory_space<semaphore_mem>>)
      %add3A_637 = arith.constant 3 : i32
      %add3A_638 = arith.addi %add3A_399, %add3A_637 : i32
      %add3A_639 = arith.constant 0 : i32
      %add3A_640 = arith.addi %add3A_638, %add3A_639 : i32
      %dma_wait3A_641 = arith.constant 0 : i32
      %dma_wait3A_642 = arith.constant 0 : i32
      %dma_wait3A_643 = tpu.memref_slice %arg7[%dma_wait3A_641, %dma_wait3A_642] : memref<3x80xi32, #tpu.memory_space<vmem>> -> memref<1x80xi32, #tpu.memory_space<vmem>>
      %dma_wait3A_644 = tpu.memref_squeeze %dma_wait3A_643 : memref<1x80xi32, #tpu.memory_space<vmem>> -> memref<80xi32, #tpu.memory_space<vmem>>
      %dma_wait3A_645 = arith.constant 0 : i32
      %dma_wait3A_646 = arith.constant 0 : i32
      %dma_wait3A_647 = tpu.memref_slice %arg4[%dma_wait3A_645, %dma_wait3A_646] : memref<10000x128xf32, #tpu.memory_space<hbm>> -> memref<10000x128xf32, #tpu.memory_space<hbm>>
      tpu.wait_indirect_dma semaphore(%arg18 : memref<!tpu.dma_semaphore, #tpu.memory_space<semaphore_mem>>) src(%dma_wait3A_647 : memref<10000x128xf32, #tpu.memory_space<hbm>>) dst(%arg10 : memref<80x128xf32, #tpu.memory_space<vmem>>)
      %dma_start3A_648 = arith.constant 3 : i32
      %dma_start3A_649 = arith.constant 0 : i32
      %dma_start3A_650 = tpu.memref_slice %arg9[%dma_start3A_648, %dma_start3A_649] : memref<6x80xi32, #tpu.memory_space<vmem>> -> memref<1x80xi32, #tpu.memory_space<vmem>>
      %dma_start3A_651 = tpu.memref_squeeze %dma_start3A_650 : memref<1x80xi32, #tpu.memory_space<vmem>> -> memref<80xi32, #tpu.memory_space<vmem>>
      %dma_start3A_652 = arith.constant 0 : i32
      %dma_start3A_653 = arith.constant 0 : i32
      %dma_start3A_654 = tpu.memref_slice %arg14[%dma_start3A_652, %dma_start3A_653] : memref<10000x128xf32, #tpu.memory_space<vmem_shared>> -> memref<10000x128xf32, #tpu.memory_space<vmem_shared>>
      tpu.enqueue_indirect_dma source(%arg10 : memref<80x128xf32, #tpu.memory_space<vmem>>) target(%dma_start3A_654 : memref<10000x128xf32, #tpu.memory_space<vmem_shared>>) offsets(%dma_start3A_651 : memref<80xi32, #tpu.memory_space<vmem>>) semaphore(%arg21 : memref<!tpu.dma_semaphore, #tpu.memory_space<semaphore_mem>>) {add = true}
      %mul3A_655 = arith.constant 80 : i32
      %mul3A_656 = arith.muli %add3A_640, %mul3A_655 : i32
      %add3A_657 = arith.addi %mul3A_17, %mul3A_656 : i32
      %dma_start3A_658 = arith.constant 0 : i32
      %dma_start3A_659 = arith.constant 0 : i32
      %dma_start3A_660 = tpu.memref_slice %arg7[%dma_start3A_658, %dma_start3A_659] : memref<3x80xi32, #tpu.memory_space<vmem>> -> memref<1x80xi32, #tpu.memory_space<vmem>>
      %dma_start3A_661 = tpu.memref_squeeze %dma_start3A_660 : memref<1x80xi32, #tpu.memory_space<vmem>> -> memref<80xi32, #tpu.memory_space<vmem>>
      %dma_start3A_662 = tpu.memref_slice %arg2[%add3A_657] : memref<320000xi32, #tpu.memory_space<hbm>> -> memref<80xi32, #tpu.memory_space<hbm>>
      %dma_start3A_663 = arith.constant 0 : i32
      %dma_start3A_664 = tpu.memref_slice %arg7[%dma_start3A_658, %dma_start3A_663] : memref<3x80xi32, #tpu.memory_space<vmem>> -> memref<1x80xi32, #tpu.memory_space<vmem>>
      %dma_start3A_665 = tpu.memref_squeeze %dma_start3A_664 : memref<1x80xi32, #tpu.memory_space<vmem>> -> memref<80xi32, #tpu.memory_space<vmem>>
      %dma_start3A_666 = tpu.memref_slice %arg2[%add3A_657] : memref<320000xi32, #tpu.memory_space<hbm>> -> memref<80xi32, #tpu.memory_space<hbm>>
      tpu.enqueue_dma source(%dma_start3A_666 : memref<80xi32, #tpu.memory_space<hbm>>) target(%dma_start3A_665 : memref<80xi32, #tpu.memory_space<vmem>>) target_semaphore(%arg15 : memref<!tpu.dma_semaphore, #tpu.memory_space<semaphore_mem>>)
      %dma_start3A_667 = arith.constant 0 : i32
      %dma_start3A_668 = arith.constant 0 : i32
      %dma_start3A_669 = tpu.memref_slice %arg8[%dma_start3A_667, %dma_start3A_668] : memref<3x80xi32, #tpu.memory_space<vmem>> -> memref<1x80xi32, #tpu.memory_space<vmem>>
      %dma_start3A_670 = tpu.memref_squeeze %dma_start3A_669 : memref<1x80xi32, #tpu.memory_space<vmem>> -> memref<80xi32, #tpu.memory_space<vmem>>
      %dma_start3A_671 = tpu.memref_slice %arg3[%add3A_657] : memref<320000xi32, #tpu.memory_space<hbm>> -> memref<80xi32, #tpu.memory_space<hbm>>
      %dma_start3A_672 = arith.constant 0 : i32
      %dma_start3A_673 = tpu.memref_slice %arg8[%dma_start3A_667, %dma_start3A_672] : memref<3x80xi32, #tpu.memory_space<vmem>> -> memref<1x80xi32, #tpu.memory_space<vmem>>
      %dma_start3A_674 = tpu.memref_squeeze %dma_start3A_673 : memref<1x80xi32, #tpu.memory_space<vmem>> -> memref<80xi32, #tpu.memory_space<vmem>>
      %dma_start3A_675 = tpu.memref_slice %arg3[%add3A_657] : memref<320000xi32, #tpu.memory_space<hbm>> -> memref<80xi32, #tpu.memory_space<hbm>>
      tpu.enqueue_dma source(%dma_start3A_675 : memref<80xi32, #tpu.memory_space<hbm>>) target(%dma_start3A_674 : memref<80xi32, #tpu.memory_space<vmem>>) target_semaphore(%arg15 : memref<!tpu.dma_semaphore, #tpu.memory_space<semaphore_mem>>)
      %mul3A_676 = arith.constant 80 : i32
      %mul3A_677 = arith.muli %add3A_640, %mul3A_676 : i32
      %add3A_678 = arith.addi %mul3A_17, %mul3A_677 : i32
      %dma_wait3A_679 = arith.constant 0 : i32
      %dma_wait3A_680 = arith.constant 0 : i32
      %dma_wait3A_681 = tpu.memref_slice %arg7[%dma_wait3A_679, %dma_wait3A_680] : memref<3x80xi32, #tpu.memory_space<vmem>> -> memref<1x80xi32, #tpu.memory_space<vmem>>
      %dma_wait3A_682 = tpu.memref_squeeze %dma_wait3A_681 : memref<1x80xi32, #tpu.memory_space<vmem>> -> memref<80xi32, #tpu.memory_space<vmem>>
      %dma_wait3A_683 = tpu.memref_slice %arg2[%add3A_678] : memref<320000xi32, #tpu.memory_space<hbm>> -> memref<80xi32, #tpu.memory_space<hbm>>
      %dma_wait3A_684 = arith.constant 0 : i32
      %dma_wait3A_685 = tpu.memref_slice %arg7[%dma_wait3A_679, %dma_wait3A_684] : memref<3x80xi32, #tpu.memory_space<vmem>> -> memref<1x80xi32, #tpu.memory_space<vmem>>
      %dma_wait3A_686 = tpu.memref_squeeze %dma_wait3A_685 : memref<1x80xi32, #tpu.memory_space<vmem>> -> memref<80xi32, #tpu.memory_space<vmem>>
      %dma_wait3A_687 = tpu.memref_slice %arg2[%add3A_678] : memref<320000xi32, #tpu.memory_space<hbm>> -> memref<80xi32, #tpu.memory_space<hbm>>
      tpu.wait_dma2 semaphore(%arg15 : memref<!tpu.dma_semaphore, #tpu.memory_space<semaphore_mem>>) src(%dma_wait3A_687 : memref<80xi32, #tpu.memory_space<hbm>>) dst(%dma_wait3A_686 : memref<80xi32, #tpu.memory_space<vmem>>)
      %dma_wait3A_688 = arith.constant 0 : i32
      %dma_wait3A_689 = arith.constant 0 : i32
      %dma_wait3A_690 = tpu.memref_slice %arg8[%dma_wait3A_688, %dma_wait3A_689] : memref<3x80xi32, #tpu.memory_space<vmem>> -> memref<1x80xi32, #tpu.memory_space<vmem>>
      %dma_wait3A_691 = tpu.memref_squeeze %dma_wait3A_690 : memref<1x80xi32, #tpu.memory_space<vmem>> -> memref<80xi32, #tpu.memory_space<vmem>>
      %dma_wait3A_692 = tpu.memref_slice %arg3[%add3A_678] : memref<320000xi32, #tpu.memory_space<hbm>> -> memref<80xi32, #tpu.memory_space<hbm>>
      %dma_wait3A_693 = arith.constant 0 : i32
      %dma_wait3A_694 = tpu.memref_slice %arg8[%dma_wait3A_688, %dma_wait3A_693] : memref<3x80xi32, #tpu.memory_space<vmem>> -> memref<1x80xi32, #tpu.memory_space<vmem>>
      %dma_wait3A_695 = tpu.memref_squeeze %dma_wait3A_694 : memref<1x80xi32, #tpu.memory_space<vmem>> -> memref<80xi32, #tpu.memory_space<vmem>>
      %dma_wait3A_696 = tpu.memref_slice %arg3[%add3A_678] : memref<320000xi32, #tpu.memory_space<hbm>> -> memref<80xi32, #tpu.memory_space<hbm>>
      tpu.wait_dma2 semaphore(%arg15 : memref<!tpu.dma_semaphore, #tpu.memory_space<semaphore_mem>>) src(%dma_wait3A_696 : memref<80xi32, #tpu.memory_space<hbm>>) dst(%dma_wait3A_695 : memref<80xi32, #tpu.memory_space<vmem>>)
      %scan3A_697 = arith.constant 0 : i32
      %scan3A_698 = arith.constant 5 : i32
      %scan3A_699 = arith.addi %scan3A_697, %scan3A_698 : i32
      %scan3A_700 = arith.constant 1 : i32
      scf.for %scan3A_874 = %scan3A_697 to %scan3A_699 step %scan3A_700  : i32 {
        %mul3A_875 = arith.constant 16 : i32
        %mul3A_876 = arith.muli %scan3A_874, %mul3A_875 : i32
        %add3A_877 = arith.constant 0 : i32
        %add3A_878 = arith.addi %add3A_877, %mul3A_876 : i32
        %get3A = arith.constant 0 : i32
        %get3A_879 = arith.index_cast %get3A : i32 to index
        %get3A_880 = arith.index_cast %add3A_878 : i32 to index
        %get3A_881 = tpu.vector_load %arg8[%get3A_879, %get3A_880] {strides = array<i32>} : memref<3x80xi32, #tpu.memory_space<vmem>>, vector<16xi32>,
        %swap3A = arith.constant 0 : i32
        %swap3A_882 = arith.index_cast %swap3A : i32 to index
        %swap3A_883 = arith.index_cast %add3A_878 : i32 to index
        %swap3A_884 = tpu.vector_load %arg9[%swap3A_882, %swap3A_883] {strides = array<i32>} : memref<6x80xi32, #tpu.memory_space<vmem>>, vector<16xi32>,
        tpu.vector_store %arg9[%swap3A_882, %swap3A_883], %get3A_881 {strides = array<i32>} : memref<6x80xi32, #tpu.memory_space<vmem>>, vector<16xi32>,
        %shift_right_logical3A = arith.constant 7 : i32
        %shift_right_logical3A_885 = vector.broadcast %shift_right_logical3A : i32 to vector<16xi32>
        %shift_right_logical3A_886 = arith.shrui %get3A_881, %shift_right_logical3A_885 : vector<16xi32>
        %and3A = arith.constant 127 : i32
        %and3A_887 = vector.broadcast %and3A : i32 to vector<16xi32>
        %and3A_888 = arith.andi %get3A_881, %and3A_887 : vector<16xi32>
        tpu.vector_store_idx %arg13[%shift_right_logical3A_886, %and3A_888], %broadcast_in_dim3A_18 {add = true} : memref<80x128xf32, #tpu.memory_space<vmem>>[vector<16xi32>, vector<16xi32>], vector<16xf32>,
      }
      %scan3A_701 = arith.constant 5 : i32
      %dma_wait3A_702 = arith.constant 3 : i32
      %dma_wait3A_703 = arith.constant 0 : i32
      %dma_wait3A_704 = tpu.memref_slice %arg9[%dma_wait3A_702, %dma_wait3A_703] : memref<6x80xi32, #tpu.memory_space<vmem>> -> memref<1x80xi32, #tpu.memory_space<vmem>>
      %dma_wait3A_705 = tpu.memref_squeeze %dma_wait3A_704 : memref<1x80xi32, #tpu.memory_space<vmem>> -> memref<80xi32, #tpu.memory_space<vmem>>
      %dma_wait3A_706 = arith.constant 0 : i32
      %dma_wait3A_707 = arith.constant 0 : i32
      %dma_wait3A_708 = tpu.memref_slice %arg14[%dma_wait3A_706, %dma_wait3A_707] : memref<10000x128xf32, #tpu.memory_space<vmem_shared>> -> memref<10000x128xf32, #tpu.memory_space<vmem_shared>>
      tpu.wait_indirect_dma semaphore(%arg21 : memref<!tpu.dma_semaphore, #tpu.memory_space<semaphore_mem>>) src(%arg10 : memref<80x128xf32, #tpu.memory_space<vmem>>) dst(%dma_wait3A_708 : memref<10000x128xf32, #tpu.memory_space<vmem_shared>>)
      %dma_start3A_709 = arith.constant 0 : i32
      %dma_start3A_710 = arith.constant 0 : i32
      %dma_start3A_711 = tpu.memref_slice %arg7[%dma_start3A_709, %dma_start3A_710] : memref<3x80xi32, #tpu.memory_space<vmem>> -> memref<1x80xi32, #tpu.memory_space<vmem>>
      %dma_start3A_712 = tpu.memref_squeeze %dma_start3A_711 : memref<1x80xi32, #tpu.memory_space<vmem>> -> memref<80xi32, #tpu.memory_space<vmem>>
      %dma_start3A_713 = arith.constant 0 : i32
      %dma_start3A_714 = arith.constant 0 : i32
      %dma_start3A_715 = tpu.memref_slice %arg4[%dma_start3A_713, %dma_start3A_714] : memref<10000x128xf32, #tpu.memory_space<hbm>> -> memref<10000x128xf32, #tpu.memory_space<hbm>>
      tpu.enqueue_indirect_dma source(%dma_start3A_715 : memref<10000x128xf32, #tpu.memory_space<hbm>>) target(%arg10 : memref<80x128xf32, #tpu.memory_space<vmem>>) offsets(%dma_start3A_712 : memref<80xi32, #tpu.memory_space<vmem>>) semaphore(%arg18 : memref<!tpu.dma_semaphore, #tpu.memory_space<semaphore_mem>>)
      %add3A_716 = arith.constant 3 : i32
      %add3A_717 = arith.addi %add3A_399, %add3A_716 : i32
      %add3A_718 = arith.constant 1 : i32
      %add3A_719 = arith.addi %add3A_717, %add3A_718 : i32
      %dma_wait3A_720 = arith.constant 1 : i32
      %dma_wait3A_721 = arith.constant 0 : i32
      %dma_wait3A_722 = tpu.memref_slice %arg7[%dma_wait3A_720, %dma_wait3A_721] : memref<3x80xi32, #tpu.memory_space<vmem>> -> memref<1x80xi32, #tpu.memory_space<vmem>>
      %dma_wait3A_723 = tpu.memref_squeeze %dma_wait3A_722 : memref<1x80xi32, #tpu.memory_space<vmem>> -> memref<80xi32, #tpu.memory_space<vmem>>
      %dma_wait3A_724 = arith.constant 0 : i32
      %dma_wait3A_725 = arith.constant 0 : i32
      %dma_wait3A_726 = tpu.memref_slice %arg4[%dma_wait3A_724, %dma_wait3A_725] : memref<10000x128xf32, #tpu.memory_space<hbm>> -> memref<10000x128xf32, #tpu.memory_space<hbm>>
      tpu.wait_indirect_dma semaphore(%arg19 : memref<!tpu.dma_semaphore, #tpu.memory_space<semaphore_mem>>) src(%dma_wait3A_726 : memref<10000x128xf32, #tpu.memory_space<hbm>>) dst(%arg11 : memref<80x128xf32, #tpu.memory_space<vmem>>)
      %dma_start3A_727 = arith.constant 4 : i32
      %dma_start3A_728 = arith.constant 0 : i32
      %dma_start3A_729 = tpu.memref_slice %arg9[%dma_start3A_727, %dma_start3A_728] : memref<6x80xi32, #tpu.memory_space<vmem>> -> memref<1x80xi32, #tpu.memory_space<vmem>>
      %dma_start3A_730 = tpu.memref_squeeze %dma_start3A_729 : memref<1x80xi32, #tpu.memory_space<vmem>> -> memref<80xi32, #tpu.memory_space<vmem>>
      %dma_start3A_731 = arith.constant 0 : i32
      %dma_start3A_732 = arith.constant 0 : i32
      %dma_start3A_733 = tpu.memref_slice %arg14[%dma_start3A_731, %dma_start3A_732] : memref<10000x128xf32, #tpu.memory_space<vmem_shared>> -> memref<10000x128xf32, #tpu.memory_space<vmem_shared>>
      tpu.enqueue_indirect_dma source(%arg11 : memref<80x128xf32, #tpu.memory_space<vmem>>) target(%dma_start3A_733 : memref<10000x128xf32, #tpu.memory_space<vmem_shared>>) offsets(%dma_start3A_730 : memref<80xi32, #tpu.memory_space<vmem>>) semaphore(%arg22 : memref<!tpu.dma_semaphore, #tpu.memory_space<semaphore_mem>>) {add = true}
      %mul3A_734 = arith.constant 80 : i32
      %mul3A_735 = arith.muli %add3A_719, %mul3A_734 : i32
      %add3A_736 = arith.addi %mul3A_17, %mul3A_735 : i32
      %dma_start3A_737 = arith.constant 1 : i32
      %dma_start3A_738 = arith.constant 0 : i32
      %dma_start3A_739 = tpu.memref_slice %arg7[%dma_start3A_737, %dma_start3A_738] : memref<3x80xi32, #tpu.memory_space<vmem>> -> memref<1x80xi32, #tpu.memory_space<vmem>>
      %dma_start3A_740 = tpu.memref_squeeze %dma_start3A_739 : memref<1x80xi32, #tpu.memory_space<vmem>> -> memref<80xi32, #tpu.memory_space<vmem>>
      %dma_start3A_741 = tpu.memref_slice %arg2[%add3A_736] : memref<320000xi32, #tpu.memory_space<hbm>> -> memref<80xi32, #tpu.memory_space<hbm>>
      %dma_start3A_742 = arith.constant 0 : i32
      %dma_start3A_743 = tpu.memref_slice %arg7[%dma_start3A_737, %dma_start3A_742] : memref<3x80xi32, #tpu.memory_space<vmem>> -> memref<1x80xi32, #tpu.memory_space<vmem>>
      %dma_start3A_744 = tpu.memref_squeeze %dma_start3A_743 : memref<1x80xi32, #tpu.memory_space<vmem>> -> memref<80xi32, #tpu.memory_space<vmem>>
      %dma_start3A_745 = tpu.memref_slice %arg2[%add3A_736] : memref<320000xi32, #tpu.memory_space<hbm>> -> memref<80xi32, #tpu.memory_space<hbm>>
      tpu.enqueue_dma source(%dma_start3A_745 : memref<80xi32, #tpu.memory_space<hbm>>) target(%dma_start3A_744 : memref<80xi32, #tpu.memory_space<vmem>>) target_semaphore(%arg16 : memref<!tpu.dma_semaphore, #tpu.memory_space<semaphore_mem>>)
      %dma_start3A_746 = arith.constant 1 : i32
      %dma_start3A_747 = arith.constant 0 : i32
      %dma_start3A_748 = tpu.memref_slice %arg8[%dma_start3A_746, %dma_start3A_747] : memref<3x80xi32, #tpu.memory_space<vmem>> -> memref<1x80xi32, #tpu.memory_space<vmem>>
      %dma_start3A_749 = tpu.memref_squeeze %dma_start3A_748 : memref<1x80xi32, #tpu.memory_space<vmem>> -> memref<80xi32, #tpu.memory_space<vmem>>
      %dma_start3A_750 = tpu.memref_slice %arg3[%add3A_736] : memref<320000xi32, #tpu.memory_space<hbm>> -> memref<80xi32, #tpu.memory_space<hbm>>
      %dma_start3A_751 = arith.constant 0 : i32
      %dma_start3A_752 = tpu.memref_slice %arg8[%dma_start3A_746, %dma_start3A_751] : memref<3x80xi32, #tpu.memory_space<vmem>> -> memref<1x80xi32, #tpu.memory_space<vmem>>
      %dma_start3A_753 = tpu.memref_squeeze %dma_start3A_752 : memref<1x80xi32, #tpu.memory_space<vmem>> -> memref<80xi32, #tpu.memory_space<vmem>>
      %dma_start3A_754 = tpu.memref_slice %arg3[%add3A_736] : memref<320000xi32, #tpu.memory_space<hbm>> -> memref<80xi32, #tpu.memory_space<hbm>>
      tpu.enqueue_dma source(%dma_start3A_754 : memref<80xi32, #tpu.memory_space<hbm>>) target(%dma_start3A_753 : memref<80xi32, #tpu.memory_space<vmem>>) target_semaphore(%arg16 : memref<!tpu.dma_semaphore, #tpu.memory_space<semaphore_mem>>)
      %mul3A_755 = arith.constant 80 : i32
      %mul3A_756 = arith.muli %add3A_719, %mul3A_755 : i32
      %add3A_757 = arith.addi %mul3A_17, %mul3A_756 : i32
      %dma_wait3A_758 = arith.constant 1 : i32
      %dma_wait3A_759 = arith.constant 0 : i32
      %dma_wait3A_760 = tpu.memref_slice %arg7[%dma_wait3A_758, %dma_wait3A_759] : memref<3x80xi32, #tpu.memory_space<vmem>> -> memref<1x80xi32, #tpu.memory_space<vmem>>
      %dma_wait3A_761 = tpu.memref_squeeze %dma_wait3A_760 : memref<1x80xi32, #tpu.memory_space<vmem>> -> memref<80xi32, #tpu.memory_space<vmem>>
      %dma_wait3A_762 = tpu.memref_slice %arg2[%add3A_757] : memref<320000xi32, #tpu.memory_space<hbm>> -> memref<80xi32, #tpu.memory_space<hbm>>
      %dma_wait3A_763 = arith.constant 0 : i32
      %dma_wait3A_764 = tpu.memref_slice %arg7[%dma_wait3A_758, %dma_wait3A_763] : memref<3x80xi32, #tpu.memory_space<vmem>> -> memref<1x80xi32, #tpu.memory_space<vmem>>
      %dma_wait3A_765 = tpu.memref_squeeze %dma_wait3A_764 : memref<1x80xi32, #tpu.memory_space<vmem>> -> memref<80xi32, #tpu.memory_space<vmem>>
      %dma_wait3A_766 = tpu.memref_slice %arg2[%add3A_757] : memref<320000xi32, #tpu.memory_space<hbm>> -> memref<80xi32, #tpu.memory_space<hbm>>
      tpu.wait_dma2 semaphore(%arg16 : memref<!tpu.dma_semaphore, #tpu.memory_space<semaphore_mem>>) src(%dma_wait3A_766 : memref<80xi32, #tpu.memory_space<hbm>>) dst(%dma_wait3A_765 : memref<80xi32, #tpu.memory_space<vmem>>)
      %dma_wait3A_767 = arith.constant 1 : i32
      %dma_wait3A_768 = arith.constant 0 : i32
      %dma_wait3A_769 = tpu.memref_slice %arg8[%dma_wait3A_767, %dma_wait3A_768] : memref<3x80xi32, #tpu.memory_space<vmem>> -> memref<1x80xi32, #tpu.memory_space<vmem>>
      %dma_wait3A_770 = tpu.memref_squeeze %dma_wait3A_769 : memref<1x80xi32, #tpu.memory_space<vmem>> -> memref<80xi32, #tpu.memory_space<vmem>>
      %dma_wait3A_771 = tpu.memref_slice %arg3[%add3A_757] : memref<320000xi32, #tpu.memory_space<hbm>> -> memref<80xi32, #tpu.memory_space<hbm>>
      %dma_wait3A_772 = arith.constant 0 : i32
      %dma_wait3A_773 = tpu.memref_slice %arg8[%dma_wait3A_767, %dma_wait3A_772] : memref<3x80xi32, #tpu.memory_space<vmem>> -> memref<1x80xi32, #tpu.memory_space<vmem>>
      %dma_wait3A_774 = tpu.memref_squeeze %dma_wait3A_773 : memref<1x80xi32, #tpu.memory_space<vmem>> -> memref<80xi32, #tpu.memory_space<vmem>>
      %dma_wait3A_775 = tpu.memref_slice %arg3[%add3A_757] : memref<320000xi32, #tpu.memory_space<hbm>> -> memref<80xi32, #tpu.memory_space<hbm>>
      tpu.wait_dma2 semaphore(%arg16 : memref<!tpu.dma_semaphore, #tpu.memory_space<semaphore_mem>>) src(%dma_wait3A_775 : memref<80xi32, #tpu.memory_space<hbm>>) dst(%dma_wait3A_774 : memref<80xi32, #tpu.memory_space<vmem>>)
      %scan3A_776 = arith.constant 0 : i32
      %scan3A_777 = arith.constant 5 : i32
      %scan3A_778 = arith.addi %scan3A_776, %scan3A_777 : i32
      %scan3A_779 = arith.constant 1 : i32
      scf.for %scan3A_874 = %scan3A_776 to %scan3A_778 step %scan3A_779  : i32 {
        %mul3A_875 = arith.constant 16 : i32
        %mul3A_876 = arith.muli %scan3A_874, %mul3A_875 : i32
        %add3A_877 = arith.constant 0 : i32
        %add3A_878 = arith.addi %add3A_877, %mul3A_876 : i32
        %get3A = arith.constant 1 : i32
        %get3A_879 = arith.index_cast %get3A : i32 to index
        %get3A_880 = arith.index_cast %add3A_878 : i32 to index
        %get3A_881 = tpu.vector_load %arg8[%get3A_879, %get3A_880] {strides = array<i32>} : memref<3x80xi32, #tpu.memory_space<vmem>>, vector<16xi32>,
        %swap3A = arith.constant 1 : i32
        %swap3A_882 = arith.index_cast %swap3A : i32 to index
        %swap3A_883 = arith.index_cast %add3A_878 : i32 to index
        %swap3A_884 = tpu.vector_load %arg9[%swap3A_882, %swap3A_883] {strides = array<i32>} : memref<6x80xi32, #tpu.memory_space<vmem>>, vector<16xi32>,
        tpu.vector_store %arg9[%swap3A_882, %swap3A_883], %get3A_881 {strides = array<i32>} : memref<6x80xi32, #tpu.memory_space<vmem>>, vector<16xi32>,
        %shift_right_logical3A = arith.constant 7 : i32
        %shift_right_logical3A_885 = vector.broadcast %shift_right_logical3A : i32 to vector<16xi32>
        %shift_right_logical3A_886 = arith.shrui %get3A_881, %shift_right_logical3A_885 : vector<16xi32>
        %and3A = arith.constant 127 : i32
        %and3A_887 = vector.broadcast %and3A : i32 to vector<16xi32>
        %and3A_888 = arith.andi %get3A_881, %and3A_887 : vector<16xi32>
        tpu.vector_store_idx %arg13[%shift_right_logical3A_886, %and3A_888], %broadcast_in_dim3A_18 {add = true} : memref<80x128xf32, #tpu.memory_space<vmem>>[vector<16xi32>, vector<16xi32>], vector<16xf32>,
      }
      %scan3A_780 = arith.constant 5 : i32
      %dma_wait3A_781 = arith.constant 4 : i32
      %dma_wait3A_782 = arith.constant 0 : i32
      %dma_wait3A_783 = tpu.memref_slice %arg9[%dma_wait3A_781, %dma_wait3A_782] : memref<6x80xi32, #tpu.memory_space<vmem>> -> memref<1x80xi32, #tpu.memory_space<vmem>>
      %dma_wait3A_784 = tpu.memref_squeeze %dma_wait3A_783 : memref<1x80xi32, #tpu.memory_space<vmem>> -> memref<80xi32, #tpu.memory_space<vmem>>
      %dma_wait3A_785 = arith.constant 0 : i32
      %dma_wait3A_786 = arith.constant 0 : i32
      %dma_wait3A_787 = tpu.memref_slice %arg14[%dma_wait3A_785, %dma_wait3A_786] : memref<10000x128xf32, #tpu.memory_space<vmem_shared>> -> memref<10000x128xf32, #tpu.memory_space<vmem_shared>>
      tpu.wait_indirect_dma semaphore(%arg22 : memref<!tpu.dma_semaphore, #tpu.memory_space<semaphore_mem>>) src(%arg11 : memref<80x128xf32, #tpu.memory_space<vmem>>) dst(%dma_wait3A_787 : memref<10000x128xf32, #tpu.memory_space<vmem_shared>>)
      %dma_start3A_788 = arith.constant 1 : i32
      %dma_start3A_789 = arith.constant 0 : i32
      %dma_start3A_790 = tpu.memref_slice %arg7[%dma_start3A_788, %dma_start3A_789] : memref<3x80xi32, #tpu.memory_space<vmem>> -> memref<1x80xi32, #tpu.memory_space<vmem>>
      %dma_start3A_791 = tpu.memref_squeeze %dma_start3A_790 : memref<1x80xi32, #tpu.memory_space<vmem>> -> memref<80xi32, #tpu.memory_space<vmem>>
      %dma_start3A_792 = arith.constant 0 : i32
      %dma_start3A_793 = arith.constant 0 : i32
      %dma_start3A_794 = tpu.memref_slice %arg4[%dma_start3A_792, %dma_start3A_793] : memref<10000x128xf32, #tpu.memory_space<hbm>> -> memref<10000x128xf32, #tpu.memory_space<hbm>>
      tpu.enqueue_indirect_dma source(%dma_start3A_794 : memref<10000x128xf32, #tpu.memory_space<hbm>>) target(%arg11 : memref<80x128xf32, #tpu.memory_space<vmem>>) offsets(%dma_start3A_791 : memref<80xi32, #tpu.memory_space<vmem>>) semaphore(%arg19 : memref<!tpu.dma_semaphore, #tpu.memory_space<semaphore_mem>>)
      %add3A_795 = arith.constant 3 : i32
      %add3A_796 = arith.addi %add3A_399, %add3A_795 : i32
      %add3A_797 = arith.constant 2 : i32
      %add3A_798 = arith.addi %add3A_796, %add3A_797 : i32
      %dma_wait3A_799 = arith.constant 2 : i32
      %dma_wait3A_800 = arith.constant 0 : i32
      %dma_wait3A_801 = tpu.memref_slice %arg7[%dma_wait3A_799, %dma_wait3A_800] : memref<3x80xi32, #tpu.memory_space<vmem>> -> memref<1x80xi32, #tpu.memory_space<vmem>>
      %dma_wait3A_802 = tpu.memref_squeeze %dma_wait3A_801 : memref<1x80xi32, #tpu.memory_space<vmem>> -> memref<80xi32, #tpu.memory_space<vmem>>
      %dma_wait3A_803 = arith.constant 0 : i32
      %dma_wait3A_804 = arith.constant 0 : i32
      %dma_wait3A_805 = tpu.memref_slice %arg4[%dma_wait3A_803, %dma_wait3A_804] : memref<10000x128xf32, #tpu.memory_space<hbm>> -> memref<10000x128xf32, #tpu.memory_space<hbm>>
      tpu.wait_indirect_dma semaphore(%arg20 : memref<!tpu.dma_semaphore, #tpu.memory_space<semaphore_mem>>) src(%dma_wait3A_805 : memref<10000x128xf32, #tpu.memory_space<hbm>>) dst(%arg12 : memref<80x128xf32, #tpu.memory_space<vmem>>)
      %dma_start3A_806 = arith.constant 5 : i32
      %dma_start3A_807 = arith.constant 0 : i32
      %dma_start3A_808 = tpu.memref_slice %arg9[%dma_start3A_806, %dma_start3A_807] : memref<6x80xi32, #tpu.memory_space<vmem>> -> memref<1x80xi32, #tpu.memory_space<vmem>>
      %dma_start3A_809 = tpu.memref_squeeze %dma_start3A_808 : memref<1x80xi32, #tpu.memory_space<vmem>> -> memref<80xi32, #tpu.memory_space<vmem>>
      %dma_start3A_810 = arith.constant 0 : i32
      %dma_start3A_811 = arith.constant 0 : i32
      %dma_start3A_812 = tpu.memref_slice %arg14[%dma_start3A_810, %dma_start3A_811] : memref<10000x128xf32, #tpu.memory_space<vmem_shared>> -> memref<10000x128xf32, #tpu.memory_space<vmem_shared>>
      tpu.enqueue_indirect_dma source(%arg12 : memref<80x128xf32, #tpu.memory_space<vmem>>) target(%dma_start3A_812 : memref<10000x128xf32, #tpu.memory_space<vmem_shared>>) offsets(%dma_start3A_809 : memref<80xi32, #tpu.memory_space<vmem>>) semaphore(%arg23 : memref<!tpu.dma_semaphore, #tpu.memory_space<semaphore_mem>>) {add = true}
      %mul3A_813 = arith.constant 80 : i32
      %mul3A_814 = arith.muli %add3A_798, %mul3A_813 : i32
      %add3A_815 = arith.addi %mul3A_17, %mul3A_814 : i32
      %dma_start3A_816 = arith.constant 2 : i32
      %dma_start3A_817 = arith.constant 0 : i32
      %dma_start3A_818 = tpu.memref_slice %arg7[%dma_start3A_816, %dma_start3A_817] : memref<3x80xi32, #tpu.memory_space<vmem>> -> memref<1x80xi32, #tpu.memory_space<vmem>>
      %dma_start3A_819 = tpu.memref_squeeze %dma_start3A_818 : memref<1x80xi32, #tpu.memory_space<vmem>> -> memref<80xi32, #tpu.memory_space<vmem>>
      %dma_start3A_820 = tpu.memref_slice %arg2[%add3A_815] : memref<320000xi32, #tpu.memory_space<hbm>> -> memref<80xi32, #tpu.memory_space<hbm>>
      %dma_start3A_821 = arith.constant 0 : i32
      %dma_start3A_822 = tpu.memref_slice %arg7[%dma_start3A_816, %dma_start3A_821] : memref<3x80xi32, #tpu.memory_space<vmem>> -> memref<1x80xi32, #tpu.memory_space<vmem>>
      %dma_start3A_823 = tpu.memref_squeeze %dma_start3A_822 : memref<1x80xi32, #tpu.memory_space<vmem>> -> memref<80xi32, #tpu.memory_space<vmem>>
      %dma_start3A_824 = tpu.memref_slice %arg2[%add3A_815] : memref<320000xi32, #tpu.memory_space<hbm>> -> memref<80xi32, #tpu.memory_space<hbm>>
      tpu.enqueue_dma source(%dma_start3A_824 : memref<80xi32, #tpu.memory_space<hbm>>) target(%dma_start3A_823 : memref<80xi32, #tpu.memory_space<vmem>>) target_semaphore(%arg17 : memref<!tpu.dma_semaphore, #tpu.memory_space<semaphore_mem>>)
      %dma_start3A_825 = arith.constant 2 : i32
      %dma_start3A_826 = arith.constant 0 : i32
      %dma_start3A_827 = tpu.memref_slice %arg8[%dma_start3A_825, %dma_start3A_826] : memref<3x80xi32, #tpu.memory_space<vmem>> -> memref<1x80xi32, #tpu.memory_space<vmem>>
      %dma_start3A_828 = tpu.memref_squeeze %dma_start3A_827 : memref<1x80xi32, #tpu.memory_space<vmem>> -> memref<80xi32, #tpu.memory_space<vmem>>
      %dma_start3A_829 = tpu.memref_slice %arg3[%add3A_815] : memref<320000xi32, #tpu.memory_space<hbm>> -> memref<80xi32, #tpu.memory_space<hbm>>
      %dma_start3A_830 = arith.constant 0 : i32
      %dma_start3A_831 = tpu.memref_slice %arg8[%dma_start3A_825, %dma_start3A_830] : memref<3x80xi32, #tpu.memory_space<vmem>> -> memref<1x80xi32, #tpu.memory_space<vmem>>
      %dma_start3A_832 = tpu.memref_squeeze %dma_start3A_831 : memref<1x80xi32, #tpu.memory_space<vmem>> -> memref<80xi32, #tpu.memory_space<vmem>>
      %dma_start3A_833 = tpu.memref_slice %arg3[%add3A_815] : memref<320000xi32, #tpu.memory_space<hbm>> -> memref<80xi32, #tpu.memory_space<hbm>>
      tpu.enqueue_dma source(%dma_start3A_833 : memref<80xi32, #tpu.memory_space<hbm>>) target(%dma_start3A_832 : memref<80xi32, #tpu.memory_space<vmem>>) target_semaphore(%arg17 : memref<!tpu.dma_semaphore, #tpu.memory_space<semaphore_mem>>)
      %mul3A_834 = arith.constant 80 : i32
      %mul3A_835 = arith.muli %add3A_798, %mul3A_834 : i32
      %add3A_836 = arith.addi %mul3A_17, %mul3A_835 : i32
      %dma_wait3A_837 = arith.constant 2 : i32
      %dma_wait3A_838 = arith.constant 0 : i32
      %dma_wait3A_839 = tpu.memref_slice %arg7[%dma_wait3A_837, %dma_wait3A_838] : memref<3x80xi32, #tpu.memory_space<vmem>> -> memref<1x80xi32, #tpu.memory_space<vmem>>
      %dma_wait3A_840 = tpu.memref_squeeze %dma_wait3A_839 : memref<1x80xi32, #tpu.memory_space<vmem>> -> memref<80xi32, #tpu.memory_space<vmem>>
      %dma_wait3A_841 = tpu.memref_slice %arg2[%add3A_836] : memref<320000xi32, #tpu.memory_space<hbm>> -> memref<80xi32, #tpu.memory_space<hbm>>
      %dma_wait3A_842 = arith.constant 0 : i32
      %dma_wait3A_843 = tpu.memref_slice %arg7[%dma_wait3A_837, %dma_wait3A_842] : memref<3x80xi32, #tpu.memory_space<vmem>> -> memref<1x80xi32, #tpu.memory_space<vmem>>
      %dma_wait3A_844 = tpu.memref_squeeze %dma_wait3A_843 : memref<1x80xi32, #tpu.memory_space<vmem>> -> memref<80xi32, #tpu.memory_space<vmem>>
      %dma_wait3A_845 = tpu.memref_slice %arg2[%add3A_836] : memref<320000xi32, #tpu.memory_space<hbm>> -> memref<80xi32, #tpu.memory_space<hbm>>
      tpu.wait_dma2 semaphore(%arg17 : memref<!tpu.dma_semaphore, #tpu.memory_space<semaphore_mem>>) src(%dma_wait3A_845 : memref<80xi32, #tpu.memory_space<hbm>>) dst(%dma_wait3A_844 : memref<80xi32, #tpu.memory_space<vmem>>)
      %dma_wait3A_846 = arith.constant 2 : i32
      %dma_wait3A_847 = arith.constant 0 : i32
      %dma_wait3A_848 = tpu.memref_slice %arg8[%dma_wait3A_846, %dma_wait3A_847] : memref<3x80xi32, #tpu.memory_space<vmem>> -> memref<1x80xi32, #tpu.memory_space<vmem>>
      %dma_wait3A_849 = tpu.memref_squeeze %dma_wait3A_848 : memref<1x80xi32, #tpu.memory_space<vmem>> -> memref<80xi32, #tpu.memory_space<vmem>>
      %dma_wait3A_850 = tpu.memref_slice %arg3[%add3A_836] : memref<320000xi32, #tpu.memory_space<hbm>> -> memref<80xi32, #tpu.memory_space<hbm>>
      %dma_wait3A_851 = arith.constant 0 : i32
      %dma_wait3A_852 = tpu.memref_slice %arg8[%dma_wait3A_846, %dma_wait3A_851] : memref<3x80xi32, #tpu.memory_space<vmem>> -> memref<1x80xi32, #tpu.memory_space<vmem>>
      %dma_wait3A_853 = tpu.memref_squeeze %dma_wait3A_852 : memref<1x80xi32, #tpu.memory_space<vmem>> -> memref<80xi32, #tpu.memory_space<vmem>>
      %dma_wait3A_854 = tpu.memref_slice %arg3[%add3A_836] : memref<320000xi32, #tpu.memory_space<hbm>> -> memref<80xi32, #tpu.memory_space<hbm>>
      tpu.wait_dma2 semaphore(%arg17 : memref<!tpu.dma_semaphore, #tpu.memory_space<semaphore_mem>>) src(%dma_wait3A_854 : memref<80xi32, #tpu.memory_space<hbm>>) dst(%dma_wait3A_853 : memref<80xi32, #tpu.memory_space<vmem>>)
      %scan3A_855 = arith.constant 0 : i32
      %scan3A_856 = arith.constant 5 : i32
      %scan3A_857 = arith.addi %scan3A_855, %scan3A_856 : i32
      %scan3A_858 = arith.constant 1 : i32
      scf.for %scan3A_874 = %scan3A_855 to %scan3A_857 step %scan3A_858  : i32 {
        %mul3A_875 = arith.constant 16 : i32
        %mul3A_876 = arith.muli %scan3A_874, %mul3A_875 : i32
        %add3A_877 = arith.constant 0 : i32
        %add3A_878 = arith.addi %add3A_877, %mul3A_876 : i32
        %get3A = arith.constant 2 : i32
        %get3A_879 = arith.index_cast %get3A : i32 to index
        %get3A_880 = arith.index_cast %add3A_878 : i32 to index
        %get3A_881 = tpu.vector_load %arg8[%get3A_879, %get3A_880] {strides = array<i32>} : memref<3x80xi32, #tpu.memory_space<vmem>>, vector<16xi32>,
        %swap3A = arith.constant 2 : i32
        %swap3A_882 = arith.index_cast %swap3A : i32 to index
        %swap3A_883 = arith.index_cast %add3A_878 : i32 to index
        %swap3A_884 = tpu.vector_load %arg9[%swap3A_882, %swap3A_883] {strides = array<i32>} : memref<6x80xi32, #tpu.memory_space<vmem>>, vector<16xi32>,
        tpu.vector_store %arg9[%swap3A_882, %swap3A_883], %get3A_881 {strides = array<i32>} : memref<6x80xi32, #tpu.memory_space<vmem>>, vector<16xi32>,
        %shift_right_logical3A = arith.constant 7 : i32
        %shift_right_logical3A_885 = vector.broadcast %shift_right_logical3A : i32 to vector<16xi32>
        %shift_right_logical3A_886 = arith.shrui %get3A_881, %shift_right_logical3A_885 : vector<16xi32>
        %and3A = arith.constant 127 : i32
        %and3A_887 = vector.broadcast %and3A : i32 to vector<16xi32>
        %and3A_888 = arith.andi %get3A_881, %and3A_887 : vector<16xi32>
        tpu.vector_store_idx %arg13[%shift_right_logical3A_886, %and3A_888], %broadcast_in_dim3A_18 {add = true} : memref<80x128xf32, #tpu.memory_space<vmem>>[vector<16xi32>, vector<16xi32>], vector<16xf32>,
      }
      %scan3A_859 = arith.constant 5 : i32
      %dma_wait3A_860 = arith.constant 5 : i32
      %dma_wait3A_861 = arith.constant 0 : i32
      %dma_wait3A_862 = tpu.memref_slice %arg9[%dma_wait3A_860, %dma_wait3A_861] : memref<6x80xi32, #tpu.memory_space<vmem>> -> memref<1x80xi32, #tpu.memory_space<vmem>>
      %dma_wait3A_863 = tpu.memref_squeeze %dma_wait3A_862 : memref<1x80xi32, #tpu.memory_space<vmem>> -> memref<80xi32, #tpu.memory_space<vmem>>
      %dma_wait3A_864 = arith.constant 0 : i32
      %dma_wait3A_865 = arith.constant 0 : i32
      %dma_wait3A_866 = tpu.memref_slice %arg14[%dma_wait3A_864, %dma_wait3A_865] : memref<10000x128xf32, #tpu.memory_space<vmem_shared>> -> memref<10000x128xf32, #tpu.memory_space<vmem_shared>>
      tpu.wait_indirect_dma semaphore(%arg23 : memref<!tpu.dma_semaphore, #tpu.memory_space<semaphore_mem>>) src(%arg12 : memref<80x128xf32, #tpu.memory_space<vmem>>) dst(%dma_wait3A_866 : memref<10000x128xf32, #tpu.memory_space<vmem_shared>>)
      %dma_start3A_867 = arith.constant 2 : i32
      %dma_start3A_868 = arith.constant 0 : i32
      %dma_start3A_869 = tpu.memref_slice %arg7[%dma_start3A_867, %dma_start3A_868] : memref<3x80xi32, #tpu.memory_space<vmem>> -> memref<1x80xi32, #tpu.memory_space<vmem>>
      %dma_start3A_870 = tpu.memref_squeeze %dma_start3A_869 : memref<1x80xi32, #tpu.memory_space<vmem>> -> memref<80xi32, #tpu.memory_space<vmem>>
      %dma_start3A_871 = arith.constant 0 : i32
      %dma_start3A_872 = arith.constant 0 : i32
      %dma_start3A_873 = tpu.memref_slice %arg4[%dma_start3A_871, %dma_start3A_872] : memref<10000x128xf32, #tpu.memory_space<hbm>> -> memref<10000x128xf32, #tpu.memory_space<hbm>>
      tpu.enqueue_indirect_dma source(%dma_start3A_873 : memref<10000x128xf32, #tpu.memory_space<hbm>>) target(%arg12 : memref<80x128xf32, #tpu.memory_space<vmem>>) offsets(%dma_start3A_870 : memref<80xi32, #tpu.memory_space<vmem>>) semaphore(%arg20 : memref<!tpu.dma_semaphore, #tpu.memory_space<semaphore_mem>>)
    }
    %scan3A_177 = arith.constant 20 : i32
    %dma_wait3A_178 = arith.constant 0 : i32
    %dma_wait3A_179 = arith.constant 0 : i32
    %dma_wait3A_180 = tpu.memref_slice %arg7[%dma_wait3A_178, %dma_wait3A_179] : memref<3x80xi32, #tpu.memory_space<vmem>> -> memref<1x80xi32, #tpu.memory_space<vmem>>
    %dma_wait3A_181 = tpu.memref_squeeze %dma_wait3A_180 : memref<1x80xi32, #tpu.memory_space<vmem>> -> memref<80xi32, #tpu.memory_space<vmem>>
    %dma_wait3A_182 = arith.constant 0 : i32
    %dma_wait3A_183 = arith.constant 0 : i32
    %dma_wait3A_184 = tpu.memref_slice %arg4[%dma_wait3A_182, %dma_wait3A_183] : memref<10000x128xf32, #tpu.memory_space<hbm>> -> memref<10000x128xf32, #tpu.memory_space<hbm>>
    tpu.wait_indirect_dma semaphore(%arg18 : memref<!tpu.dma_semaphore, #tpu.memory_space<semaphore_mem>>) src(%dma_wait3A_184 : memref<10000x128xf32, #tpu.memory_space<hbm>>) dst(%arg10 : memref<80x128xf32, #tpu.memory_space<vmem>>)
    %dma_start3A_185 = arith.constant 0 : i32
    %dma_start3A_186 = arith.constant 0 : i32
    %dma_start3A_187 = tpu.memref_slice %arg9[%dma_start3A_185, %dma_start3A_186] : memref<6x80xi32, #tpu.memory_space<vmem>> -> memref<1x80xi32, #tpu.memory_space<vmem>>
    %dma_start3A_188 = tpu.memref_squeeze %dma_start3A_187 : memref<1x80xi32, #tpu.memory_space<vmem>> -> memref<80xi32, #tpu.memory_space<vmem>>
    %dma_start3A_189 = arith.constant 0 : i32
    %dma_start3A_190 = arith.constant 0 : i32
    %dma_start3A_191 = tpu.memref_slice %arg14[%dma_start3A_189, %dma_start3A_190] : memref<10000x128xf32, #tpu.memory_space<vmem_shared>> -> memref<10000x128xf32, #tpu.memory_space<vmem_shared>>
    tpu.enqueue_indirect_dma source(%arg10 : memref<80x128xf32, #tpu.memory_space<vmem>>) target(%dma_start3A_191 : memref<10000x128xf32, #tpu.memory_space<vmem_shared>>) offsets(%dma_start3A_188 : memref<80xi32, #tpu.memory_space<vmem>>) semaphore(%arg21 : memref<!tpu.dma_semaphore, #tpu.memory_space<semaphore_mem>>) {add = true}
    %add3A_192 = arith.constant 9840 : i32
    %add3A_193 = arith.addi %mul3A_17, %add3A_192 : i32
    %dma_start3A_194 = arith.constant 0 : i32
    %dma_start3A_195 = arith.constant 0 : i32
    %dma_start3A_196 = tpu.memref_slice %arg7[%dma_start3A_194, %dma_start3A_195] : memref<3x80xi32, #tpu.memory_space<vmem>> -> memref<1x80xi32, #tpu.memory_space<vmem>>
    %dma_start3A_197 = tpu.memref_squeeze %dma_start3A_196 : memref<1x80xi32, #tpu.memory_space<vmem>> -> memref<80xi32, #tpu.memory_space<vmem>>
    %dma_start3A_198 = tpu.memref_slice %arg2[%add3A_193] : memref<320000xi32, #tpu.memory_space<hbm>> -> memref<80xi32, #tpu.memory_space<hbm>>
    %dma_start3A_199 = arith.constant 0 : i32
    %dma_start3A_200 = tpu.memref_slice %arg7[%dma_start3A_194, %dma_start3A_199] : memref<3x80xi32, #tpu.memory_space<vmem>> -> memref<1x80xi32, #tpu.memory_space<vmem>>
    %dma_start3A_201 = tpu.memref_squeeze %dma_start3A_200 : memref<1x80xi32, #tpu.memory_space<vmem>> -> memref<80xi32, #tpu.memory_space<vmem>>
    %dma_start3A_202 = tpu.memref_slice %arg2[%add3A_193] : memref<320000xi32, #tpu.memory_space<hbm>> -> memref<80xi32, #tpu.memory_space<hbm>>
    tpu.enqueue_dma source(%dma_start3A_202 : memref<80xi32, #tpu.memory_space<hbm>>) target(%dma_start3A_201 : memref<80xi32, #tpu.memory_space<vmem>>) target_semaphore(%arg15 : memref<!tpu.dma_semaphore, #tpu.memory_space<semaphore_mem>>)
    %dma_start3A_203 = arith.constant 0 : i32
    %dma_start3A_204 = arith.constant 0 : i32
    %dma_start3A_205 = tpu.memref_slice %arg8[%dma_start3A_203, %dma_start3A_204] : memref<3x80xi32, #tpu.memory_space<vmem>> -> memref<1x80xi32, #tpu.memory_space<vmem>>
    %dma_start3A_206 = tpu.memref_squeeze %dma_start3A_205 : memref<1x80xi32, #tpu.memory_space<vmem>> -> memref<80xi32, #tpu.memory_space<vmem>>
    %dma_start3A_207 = tpu.memref_slice %arg3[%add3A_193] : memref<320000xi32, #tpu.memory_space<hbm>> -> memref<80xi32, #tpu.memory_space<hbm>>
    %dma_start3A_208 = arith.constant 0 : i32
    %dma_start3A_209 = tpu.memref_slice %arg8[%dma_start3A_203, %dma_start3A_208] : memref<3x80xi32, #tpu.memory_space<vmem>> -> memref<1x80xi32, #tpu.memory_space<vmem>>
    %dma_start3A_210 = tpu.memref_squeeze %dma_start3A_209 : memref<1x80xi32, #tpu.memory_space<vmem>> -> memref<80xi32, #tpu.memory_space<vmem>>
    %dma_start3A_211 = tpu.memref_slice %arg3[%add3A_193] : memref<320000xi32, #tpu.memory_space<hbm>> -> memref<80xi32, #tpu.memory_space<hbm>>
    tpu.enqueue_dma source(%dma_start3A_211 : memref<80xi32, #tpu.memory_space<hbm>>) target(%dma_start3A_210 : memref<80xi32, #tpu.memory_space<vmem>>) target_semaphore(%arg15 : memref<!tpu.dma_semaphore, #tpu.memory_space<semaphore_mem>>)
    %add3A_212 = arith.constant 9840 : i32
    %add3A_213 = arith.addi %mul3A_17, %add3A_212 : i32
    %dma_wait3A_214 = arith.constant 0 : i32
    %dma_wait3A_215 = arith.constant 0 : i32
    %dma_wait3A_216 = tpu.memref_slice %arg7[%dma_wait3A_214, %dma_wait3A_215] : memref<3x80xi32, #tpu.memory_space<vmem>> -> memref<1x80xi32, #tpu.memory_space<vmem>>
    %dma_wait3A_217 = tpu.memref_squeeze %dma_wait3A_216 : memref<1x80xi32, #tpu.memory_space<vmem>> -> memref<80xi32, #tpu.memory_space<vmem>>
    %dma_wait3A_218 = tpu.memref_slice %arg2[%add3A_213] : memref<320000xi32, #tpu.memory_space<hbm>> -> memref<80xi32, #tpu.memory_space<hbm>>
    %dma_wait3A_219 = arith.constant 0 : i32
    %dma_wait3A_220 = tpu.memref_slice %arg7[%dma_wait3A_214, %dma_wait3A_219] : memref<3x80xi32, #tpu.memory_space<vmem>> -> memref<1x80xi32, #tpu.memory_space<vmem>>
    %dma_wait3A_221 = tpu.memref_squeeze %dma_wait3A_220 : memref<1x80xi32, #tpu.memory_space<vmem>> -> memref<80xi32, #tpu.memory_space<vmem>>
    %dma_wait3A_222 = tpu.memref_slice %arg2[%add3A_213] : memref<320000xi32, #tpu.memory_space<hbm>> -> memref<80xi32, #tpu.memory_space<hbm>>
    tpu.wait_dma2 semaphore(%arg15 : memref<!tpu.dma_semaphore, #tpu.memory_space<semaphore_mem>>) src(%dma_wait3A_222 : memref<80xi32, #tpu.memory_space<hbm>>) dst(%dma_wait3A_221 : memref<80xi32, #tpu.memory_space<vmem>>)
    %dma_wait3A_223 = arith.constant 0 : i32
    %dma_wait3A_224 = arith.constant 0 : i32
    %dma_wait3A_225 = tpu.memref_slice %arg8[%dma_wait3A_223, %dma_wait3A_224] : memref<3x80xi32, #tpu.memory_space<vmem>> -> memref<1x80xi32, #tpu.memory_space<vmem>>
    %dma_wait3A_226 = tpu.memref_squeeze %dma_wait3A_225 : memref<1x80xi32, #tpu.memory_space<vmem>> -> memref<80xi32, #tpu.memory_space<vmem>>
    %dma_wait3A_227 = tpu.memref_slice %arg3[%add3A_213] : memref<320000xi32, #tpu.memory_space<hbm>> -> memref<80xi32, #tpu.memory_space<hbm>>
    %dma_wait3A_228 = arith.constant 0 : i32
    %dma_wait3A_229 = tpu.memref_slice %arg8[%dma_wait3A_223, %dma_wait3A_228] : memref<3x80xi32, #tpu.memory_space<vmem>> -> memref<1x80xi32, #tpu.memory_space<vmem>>
    %dma_wait3A_230 = tpu.memref_squeeze %dma_wait3A_229 : memref<1x80xi32, #tpu.memory_space<vmem>> -> memref<80xi32, #tpu.memory_space<vmem>>
    %dma_wait3A_231 = tpu.memref_slice %arg3[%add3A_213] : memref<320000xi32, #tpu.memory_space<hbm>> -> memref<80xi32, #tpu.memory_space<hbm>>
    tpu.wait_dma2 semaphore(%arg15 : memref<!tpu.dma_semaphore, #tpu.memory_space<semaphore_mem>>) src(%dma_wait3A_231 : memref<80xi32, #tpu.memory_space<hbm>>) dst(%dma_wait3A_230 : memref<80xi32, #tpu.memory_space<vmem>>)
    %scan3A_232 = arith.constant 0 : i32
    %scan3A_233 = arith.constant 5 : i32
    %scan3A_234 = arith.addi %scan3A_232, %scan3A_233 : i32
    %scan3A_235 = arith.constant 1 : i32
    scf.for %scan3A_395 = %scan3A_232 to %scan3A_234 step %scan3A_235  : i32 {
      %mul3A_396 = arith.constant 16 : i32
      %mul3A_397 = arith.muli %scan3A_395, %mul3A_396 : i32
      %add3A_398 = arith.constant 0 : i32
      %add3A_399 = arith.addi %add3A_398, %mul3A_397 : i32
      %get3A = arith.constant 0 : i32
      %get3A_400 = arith.index_cast %get3A : i32 to index
      %get3A_401 = arith.index_cast %add3A_399 : i32 to index
      %get3A_402 = tpu.vector_load %arg8[%get3A_400, %get3A_401] {strides = array<i32>} : memref<3x80xi32, #tpu.memory_space<vmem>>, vector<16xi32>,
      %swap3A = arith.constant 3 : i32
      %swap3A_403 = arith.index_cast %swap3A : i32 to index
      %swap3A_404 = arith.index_cast %add3A_399 : i32 to index
      %swap3A_405 = tpu.vector_load %arg9[%swap3A_403, %swap3A_404] {strides = array<i32>} : memref<6x80xi32, #tpu.memory_space<vmem>>, vector<16xi32>,
      tpu.vector_store %arg9[%swap3A_403, %swap3A_404], %get3A_402 {strides = array<i32>} : memref<6x80xi32, #tpu.memory_space<vmem>>, vector<16xi32>,
      %shift_right_logical3A = arith.constant 7 : i32
      %shift_right_logical3A_406 = vector.broadcast %shift_right_logical3A : i32 to vector<16xi32>
      %shift_right_logical3A_407 = arith.shrui %get3A_402, %shift_right_logical3A_406 : vector<16xi32>
      %and3A = arith.constant 127 : i32
      %and3A_408 = vector.broadcast %and3A : i32 to vector<16xi32>
      %and3A_409 = arith.andi %get3A_402, %and3A_408 : vector<16xi32>
      tpu.vector_store_idx %arg13[%shift_right_logical3A_407, %and3A_409], %broadcast_in_dim3A_18 {add = true} : memref<80x128xf32, #tpu.memory_space<vmem>>[vector<16xi32>, vector<16xi32>], vector<16xf32>,
    }
    %scan3A_236 = arith.constant 5 : i32
    %dma_wait3A_237 = arith.constant 0 : i32
    %dma_wait3A_238 = arith.constant 0 : i32
    %dma_wait3A_239 = tpu.memref_slice %arg9[%dma_wait3A_237, %dma_wait3A_238] : memref<6x80xi32, #tpu.memory_space<vmem>> -> memref<1x80xi32, #tpu.memory_space<vmem>>
    %dma_wait3A_240 = tpu.memref_squeeze %dma_wait3A_239 : memref<1x80xi32, #tpu.memory_space<vmem>> -> memref<80xi32, #tpu.memory_space<vmem>>
    %dma_wait3A_241 = arith.constant 0 : i32
    %dma_wait3A_242 = arith.constant 0 : i32
    %dma_wait3A_243 = tpu.memref_slice %arg14[%dma_wait3A_241, %dma_wait3A_242] : memref<10000x128xf32, #tpu.memory_space<vmem_shared>> -> memref<10000x128xf32, #tpu.memory_space<vmem_shared>>
    tpu.wait_indirect_dma semaphore(%arg21 : memref<!tpu.dma_semaphore, #tpu.memory_space<semaphore_mem>>) src(%arg10 : memref<80x128xf32, #tpu.memory_space<vmem>>) dst(%dma_wait3A_243 : memref<10000x128xf32, #tpu.memory_space<vmem_shared>>)
    %dma_start3A_244 = arith.constant 0 : i32
    %dma_start3A_245 = arith.constant 0 : i32
    %dma_start3A_246 = tpu.memref_slice %arg7[%dma_start3A_244, %dma_start3A_245] : memref<3x80xi32, #tpu.memory_space<vmem>> -> memref<1x80xi32, #tpu.memory_space<vmem>>
    %dma_start3A_247 = tpu.memref_squeeze %dma_start3A_246 : memref<1x80xi32, #tpu.memory_space<vmem>> -> memref<80xi32, #tpu.memory_space<vmem>>
    %dma_start3A_248 = arith.constant 0 : i32
    %dma_start3A_249 = arith.constant 0 : i32
    %dma_start3A_250 = tpu.memref_slice %arg4[%dma_start3A_248, %dma_start3A_249] : memref<10000x128xf32, #tpu.memory_space<hbm>> -> memref<10000x128xf32, #tpu.memory_space<hbm>>
    tpu.enqueue_indirect_dma source(%dma_start3A_250 : memref<10000x128xf32, #tpu.memory_space<hbm>>) target(%arg10 : memref<80x128xf32, #tpu.memory_space<vmem>>) offsets(%dma_start3A_247 : memref<80xi32, #tpu.memory_space<vmem>>) semaphore(%arg18 : memref<!tpu.dma_semaphore, #tpu.memory_space<semaphore_mem>>)
    %dma_wait3A_251 = arith.constant 1 : i32
    %dma_wait3A_252 = arith.constant 0 : i32
    %dma_wait3A_253 = tpu.memref_slice %arg7[%dma_wait3A_251, %dma_wait3A_252] : memref<3x80xi32, #tpu.memory_space<vmem>> -> memref<1x80xi32, #tpu.memory_space<vmem>>
    %dma_wait3A_254 = tpu.memref_squeeze %dma_wait3A_253 : memref<1x80xi32, #tpu.memory_space<vmem>> -> memref<80xi32, #tpu.memory_space<vmem>>
    %dma_wait3A_255 = arith.constant 0 : i32
    %dma_wait3A_256 = arith.constant 0 : i32
    %dma_wait3A_257 = tpu.memref_slice %arg4[%dma_wait3A_255, %dma_wait3A_256] : memref<10000x128xf32, #tpu.memory_space<hbm>> -> memref<10000x128xf32, #tpu.memory_space<hbm>>
    tpu.wait_indirect_dma semaphore(%arg19 : memref<!tpu.dma_semaphore, #tpu.memory_space<semaphore_mem>>) src(%dma_wait3A_257 : memref<10000x128xf32, #tpu.memory_space<hbm>>) dst(%arg11 : memref<80x128xf32, #tpu.memory_space<vmem>>)
    %dma_start3A_258 = arith.constant 1 : i32
    %dma_start3A_259 = arith.constant 0 : i32
    %dma_start3A_260 = tpu.memref_slice %arg9[%dma_start3A_258, %dma_start3A_259] : memref<6x80xi32, #tpu.memory_space<vmem>> -> memref<1x80xi32, #tpu.memory_space<vmem>>
    %dma_start3A_261 = tpu.memref_squeeze %dma_start3A_260 : memref<1x80xi32, #tpu.memory_space<vmem>> -> memref<80xi32, #tpu.memory_space<vmem>>
    %dma_start3A_262 = arith.constant 0 : i32
    %dma_start3A_263 = arith.constant 0 : i32
    %dma_start3A_264 = tpu.memref_slice %arg14[%dma_start3A_262, %dma_start3A_263] : memref<10000x128xf32, #tpu.memory_space<vmem_shared>> -> memref<10000x128xf32, #tpu.memory_space<vmem_shared>>
    tpu.enqueue_indirect_dma source(%arg11 : memref<80x128xf32, #tpu.memory_space<vmem>>) target(%dma_start3A_264 : memref<10000x128xf32, #tpu.memory_space<vmem_shared>>) offsets(%dma_start3A_261 : memref<80xi32, #tpu.memory_space<vmem>>) semaphore(%arg22 : memref<!tpu.dma_semaphore, #tpu.memory_space<semaphore_mem>>) {add = true}
    %add3A_265 = arith.constant 9920 : i32
    %add3A_266 = arith.addi %mul3A_17, %add3A_265 : i32
    %dma_start3A_267 = arith.constant 1 : i32
    %dma_start3A_268 = arith.constant 0 : i32
    %dma_start3A_269 = tpu.memref_slice %arg7[%dma_start3A_267, %dma_start3A_268] : memref<3x80xi32, #tpu.memory_space<vmem>> -> memref<1x80xi32, #tpu.memory_space<vmem>>
    %dma_start3A_270 = tpu.memref_squeeze %dma_start3A_269 : memref<1x80xi32, #tpu.memory_space<vmem>> -> memref<80xi32, #tpu.memory_space<vmem>>
    %dma_start3A_271 = tpu.memref_slice %arg2[%add3A_266] : memref<320000xi32, #tpu.memory_space<hbm>> -> memref<80xi32, #tpu.memory_space<hbm>>
    %dma_start3A_272 = arith.constant 0 : i32
    %dma_start3A_273 = tpu.memref_slice %arg7[%dma_start3A_267, %dma_start3A_272] : memref<3x80xi32, #tpu.memory_space<vmem>> -> memref<1x80xi32, #tpu.memory_space<vmem>>
    %dma_start3A_274 = tpu.memref_squeeze %dma_start3A_273 : memref<1x80xi32, #tpu.memory_space<vmem>> -> memref<80xi32, #tpu.memory_space<vmem>>
    %dma_start3A_275 = tpu.memref_slice %arg2[%add3A_266] : memref<320000xi32, #tpu.memory_space<hbm>> -> memref<80xi32, #tpu.memory_space<hbm>>
    tpu.enqueue_dma source(%dma_start3A_275 : memref<80xi32, #tpu.memory_space<hbm>>) target(%dma_start3A_274 : memref<80xi32, #tpu.memory_space<vmem>>) target_semaphore(%arg16 : memref<!tpu.dma_semaphore, #tpu.memory_space<semaphore_mem>>)
    %dma_start3A_276 = arith.constant 1 : i32
    %dma_start3A_277 = arith.constant 0 : i32
    %dma_start3A_278 = tpu.memref_slice %arg8[%dma_start3A_276, %dma_start3A_277] : memref<3x80xi32, #tpu.memory_space<vmem>> -> memref<1x80xi32, #tpu.memory_space<vmem>>
    %dma_start3A_279 = tpu.memref_squeeze %dma_start3A_278 : memref<1x80xi32, #tpu.memory_space<vmem>> -> memref<80xi32, #tpu.memory_space<vmem>>
    %dma_start3A_280 = tpu.memref_slice %arg3[%add3A_266] : memref<320000xi32, #tpu.memory_space<hbm>> -> memref<80xi32, #tpu.memory_space<hbm>>
    %dma_start3A_281 = arith.constant 0 : i32
    %dma_start3A_282 = tpu.memref_slice %arg8[%dma_start3A_276, %dma_start3A_281] : memref<3x80xi32, #tpu.memory_space<vmem>> -> memref<1x80xi32, #tpu.memory_space<vmem>>
    %dma_start3A_283 = tpu.memref_squeeze %dma_start3A_282 : memref<1x80xi32, #tpu.memory_space<vmem>> -> memref<80xi32, #tpu.memory_space<vmem>>
    %dma_start3A_284 = tpu.memref_slice %arg3[%add3A_266] : memref<320000xi32, #tpu.memory_space<hbm>> -> memref<80xi32, #tpu.memory_space<hbm>>
    tpu.enqueue_dma source(%dma_start3A_284 : memref<80xi32, #tpu.memory_space<hbm>>) target(%dma_start3A_283 : memref<80xi32, #tpu.memory_space<vmem>>) target_semaphore(%arg16 : memref<!tpu.dma_semaphore, #tpu.memory_space<semaphore_mem>>)
    %add3A_285 = arith.constant 9920 : i32
    %add3A_286 = arith.addi %mul3A_17, %add3A_285 : i32
    %dma_wait3A_287 = arith.constant 1 : i32
    %dma_wait3A_288 = arith.constant 0 : i32
    %dma_wait3A_289 = tpu.memref_slice %arg7[%dma_wait3A_287, %dma_wait3A_288] : memref<3x80xi32, #tpu.memory_space<vmem>> -> memref<1x80xi32, #tpu.memory_space<vmem>>
    %dma_wait3A_290 = tpu.memref_squeeze %dma_wait3A_289 : memref<1x80xi32, #tpu.memory_space<vmem>> -> memref<80xi32, #tpu.memory_space<vmem>>
    %dma_wait3A_291 = tpu.memref_slice %arg2[%add3A_286] : memref<320000xi32, #tpu.memory_space<hbm>> -> memref<80xi32, #tpu.memory_space<hbm>>
    %dma_wait3A_292 = arith.constant 0 : i32
    %dma_wait3A_293 = tpu.memref_slice %arg7[%dma_wait3A_287, %dma_wait3A_292] : memref<3x80xi32, #tpu.memory_space<vmem>> -> memref<1x80xi32, #tpu.memory_space<vmem>>
    %dma_wait3A_294 = tpu.memref_squeeze %dma_wait3A_293 : memref<1x80xi32, #tpu.memory_space<vmem>> -> memref<80xi32, #tpu.memory_space<vmem>>
    %dma_wait3A_295 = tpu.memref_slice %arg2[%add3A_286] : memref<320000xi32, #tpu.memory_space<hbm>> -> memref<80xi32, #tpu.memory_space<hbm>>
    tpu.wait_dma2 semaphore(%arg16 : memref<!tpu.dma_semaphore, #tpu.memory_space<semaphore_mem>>) src(%dma_wait3A_295 : memref<80xi32, #tpu.memory_space<hbm>>) dst(%dma_wait3A_294 : memref<80xi32, #tpu.memory_space<vmem>>)
    %dma_wait3A_296 = arith.constant 1 : i32
    %dma_wait3A_297 = arith.constant 0 : i32
    %dma_wait3A_298 = tpu.memref_slice %arg8[%dma_wait3A_296, %dma_wait3A_297] : memref<3x80xi32, #tpu.memory_space<vmem>> -> memref<1x80xi32, #tpu.memory_space<vmem>>
    %dma_wait3A_299 = tpu.memref_squeeze %dma_wait3A_298 : memref<1x80xi32, #tpu.memory_space<vmem>> -> memref<80xi32, #tpu.memory_space<vmem>>
    %dma_wait3A_300 = tpu.memref_slice %arg3[%add3A_286] : memref<320000xi32, #tpu.memory_space<hbm>> -> memref<80xi32, #tpu.memory_space<hbm>>
    %dma_wait3A_301 = arith.constant 0 : i32
    %dma_wait3A_302 = tpu.memref_slice %arg8[%dma_wait3A_296, %dma_wait3A_301] : memref<3x80xi32, #tpu.memory_space<vmem>> -> memref<1x80xi32, #tpu.memory_space<vmem>>
    %dma_wait3A_303 = tpu.memref_squeeze %dma_wait3A_302 : memref<1x80xi32, #tpu.memory_space<vmem>> -> memref<80xi32, #tpu.memory_space<vmem>>
    %dma_wait3A_304 = tpu.memref_slice %arg3[%add3A_286] : memref<320000xi32, #tpu.memory_space<hbm>> -> memref<80xi32, #tpu.memory_space<hbm>>
    tpu.wait_dma2 semaphore(%arg16 : memref<!tpu.dma_semaphore, #tpu.memory_space<semaphore_mem>>) src(%dma_wait3A_304 : memref<80xi32, #tpu.memory_space<hbm>>) dst(%dma_wait3A_303 : memref<80xi32, #tpu.memory_space<vmem>>)
    %scan3A_305 = arith.constant 0 : i32
    %scan3A_306 = arith.constant 5 : i32
    %scan3A_307 = arith.addi %scan3A_305, %scan3A_306 : i32
    %scan3A_308 = arith.constant 1 : i32
    scf.for %scan3A_395 = %scan3A_305 to %scan3A_307 step %scan3A_308  : i32 {
      %mul3A_396 = arith.constant 16 : i32
      %mul3A_397 = arith.muli %scan3A_395, %mul3A_396 : i32
      %add3A_398 = arith.constant 0 : i32
      %add3A_399 = arith.addi %add3A_398, %mul3A_397 : i32
      %get3A = arith.constant 1 : i32
      %get3A_400 = arith.index_cast %get3A : i32 to index
      %get3A_401 = arith.index_cast %add3A_399 : i32 to index
      %get3A_402 = tpu.vector_load %arg8[%get3A_400, %get3A_401] {strides = array<i32>} : memref<3x80xi32, #tpu.memory_space<vmem>>, vector<16xi32>,
      %swap3A = arith.constant 4 : i32
      %swap3A_403 = arith.index_cast %swap3A : i32 to index
      %swap3A_404 = arith.index_cast %add3A_399 : i32 to index
      %swap3A_405 = tpu.vector_load %arg9[%swap3A_403, %swap3A_404] {strides = array<i32>} : memref<6x80xi32, #tpu.memory_space<vmem>>, vector<16xi32>,
      tpu.vector_store %arg9[%swap3A_403, %swap3A_404], %get3A_402 {strides = array<i32>} : memref<6x80xi32, #tpu.memory_space<vmem>>, vector<16xi32>,
      %shift_right_logical3A = arith.constant 7 : i32
      %shift_right_logical3A_406 = vector.broadcast %shift_right_logical3A : i32 to vector<16xi32>
      %shift_right_logical3A_407 = arith.shrui %get3A_402, %shift_right_logical3A_406 : vector<16xi32>
      %and3A = arith.constant 127 : i32
      %and3A_408 = vector.broadcast %and3A : i32 to vector<16xi32>
      %and3A_409 = arith.andi %get3A_402, %and3A_408 : vector<16xi32>
      tpu.vector_store_idx %arg13[%shift_right_logical3A_407, %and3A_409], %broadcast_in_dim3A_18 {add = true} : memref<80x128xf32, #tpu.memory_space<vmem>>[vector<16xi32>, vector<16xi32>], vector<16xf32>,
    }
    %scan3A_309 = arith.constant 5 : i32
    %dma_wait3A_310 = arith.constant 1 : i32
    %dma_wait3A_311 = arith.constant 0 : i32
    %dma_wait3A_312 = tpu.memref_slice %arg9[%dma_wait3A_310, %dma_wait3A_311] : memref<6x80xi32, #tpu.memory_space<vmem>> -> memref<1x80xi32, #tpu.memory_space<vmem>>
    %dma_wait3A_313 = tpu.memref_squeeze %dma_wait3A_312 : memref<1x80xi32, #tpu.memory_space<vmem>> -> memref<80xi32, #tpu.memory_space<vmem>>
    %dma_wait3A_314 = arith.constant 0 : i32
    %dma_wait3A_315 = arith.constant 0 : i32
    %dma_wait3A_316 = tpu.memref_slice %arg14[%dma_wait3A_314, %dma_wait3A_315] : memref<10000x128xf32, #tpu.memory_space<vmem_shared>> -> memref<10000x128xf32, #tpu.memory_space<vmem_shared>>
    tpu.wait_indirect_dma semaphore(%arg22 : memref<!tpu.dma_semaphore, #tpu.memory_space<semaphore_mem>>) src(%arg11 : memref<80x128xf32, #tpu.memory_space<vmem>>) dst(%dma_wait3A_316 : memref<10000x128xf32, #tpu.memory_space<vmem_shared>>)
    %dma_start3A_317 = arith.constant 1 : i32
    %dma_start3A_318 = arith.constant 0 : i32
    %dma_start3A_319 = tpu.memref_slice %arg7[%dma_start3A_317, %dma_start3A_318] : memref<3x80xi32, #tpu.memory_space<vmem>> -> memref<1x80xi32, #tpu.memory_space<vmem>>
    %dma_start3A_320 = tpu.memref_squeeze %dma_start3A_319 : memref<1x80xi32, #tpu.memory_space<vmem>> -> memref<80xi32, #tpu.memory_space<vmem>>
    %dma_start3A_321 = arith.constant 0 : i32
    %dma_start3A_322 = arith.constant 0 : i32
    %dma_start3A_323 = tpu.memref_slice %arg4[%dma_start3A_321, %dma_start3A_322] : memref<10000x128xf32, #tpu.memory_space<hbm>> -> memref<10000x128xf32, #tpu.memory_space<hbm>>
    tpu.enqueue_indirect_dma source(%dma_start3A_323 : memref<10000x128xf32, #tpu.memory_space<hbm>>) target(%arg11 : memref<80x128xf32, #tpu.memory_space<vmem>>) offsets(%dma_start3A_320 : memref<80xi32, #tpu.memory_space<vmem>>) semaphore(%arg19 : memref<!tpu.dma_semaphore, #tpu.memory_space<semaphore_mem>>)
    %dma_wait3A_324 = arith.constant 2 : i32
    %dma_wait3A_325 = arith.constant 0 : i32
    %dma_wait3A_326 = tpu.memref_slice %arg7[%dma_wait3A_324, %dma_wait3A_325] : memref<3x80xi32, #tpu.memory_space<vmem>> -> memref<1x80xi32, #tpu.memory_space<vmem>>
    %dma_wait3A_327 = tpu.memref_squeeze %dma_wait3A_326 : memref<1x80xi32, #tpu.memory_space<vmem>> -> memref<80xi32, #tpu.memory_space<vmem>>
    %dma_wait3A_328 = arith.constant 0 : i32
    %dma_wait3A_329 = arith.constant 0 : i32
    %dma_wait3A_330 = tpu.memref_slice %arg4[%dma_wait3A_328, %dma_wait3A_329] : memref<10000x128xf32, #tpu.memory_space<hbm>> -> memref<10000x128xf32, #tpu.memory_space<hbm>>
    tpu.wait_indirect_dma semaphore(%arg20 : memref<!tpu.dma_semaphore, #tpu.memory_space<semaphore_mem>>) src(%dma_wait3A_330 : memref<10000x128xf32, #tpu.memory_space<hbm>>) dst(%arg12 : memref<80x128xf32, #tpu.memory_space<vmem>>)
    %dma_start3A_331 = arith.constant 2 : i32
    %dma_start3A_332 = arith.constant 0 : i32
    %dma_start3A_333 = tpu.memref_slice %arg9[%dma_start3A_331, %dma_start3A_332] : memref<6x80xi32, #tpu.memory_space<vmem>> -> memref<1x80xi32, #tpu.memory_space<vmem>>
    %dma_start3A_334 = tpu.memref_squeeze %dma_start3A_333 : memref<1x80xi32, #tpu.memory_space<vmem>> -> memref<80xi32, #tpu.memory_space<vmem>>
    %dma_start3A_335 = arith.constant 0 : i32
    %dma_start3A_336 = arith.constant 0 : i32
    %dma_start3A_337 = tpu.memref_slice %arg14[%dma_start3A_335, %dma_start3A_336] : memref<10000x128xf32, #tpu.memory_space<vmem_shared>> -> memref<10000x128xf32, #tpu.memory_space<vmem_shared>>
    tpu.enqueue_indirect_dma source(%arg12 : memref<80x128xf32, #tpu.memory_space<vmem>>) target(%dma_start3A_337 : memref<10000x128xf32, #tpu.memory_space<vmem_shared>>) offsets(%dma_start3A_334 : memref<80xi32, #tpu.memory_space<vmem>>) semaphore(%arg23 : memref<!tpu.dma_semaphore, #tpu.memory_space<semaphore_mem>>) {add = true}
    %dma_wait3A_338 = arith.constant 0 : i32
    %dma_wait3A_339 = arith.constant 0 : i32
    %dma_wait3A_340 = tpu.memref_slice %arg7[%dma_wait3A_338, %dma_wait3A_339] : memref<3x80xi32, #tpu.memory_space<vmem>> -> memref<1x80xi32, #tpu.memory_space<vmem>>
    %dma_wait3A_341 = tpu.memref_squeeze %dma_wait3A_340 : memref<1x80xi32, #tpu.memory_space<vmem>> -> memref<80xi32, #tpu.memory_space<vmem>>
    %dma_wait3A_342 = arith.constant 0 : i32
    %dma_wait3A_343 = arith.constant 0 : i32
    %dma_wait3A_344 = tpu.memref_slice %arg4[%dma_wait3A_342, %dma_wait3A_343] : memref<10000x128xf32, #tpu.memory_space<hbm>> -> memref<10000x128xf32, #tpu.memory_space<hbm>>
    tpu.wait_indirect_dma semaphore(%arg18 : memref<!tpu.dma_semaphore, #tpu.memory_space<semaphore_mem>>) src(%dma_wait3A_344 : memref<10000x128xf32, #tpu.memory_space<hbm>>) dst(%arg10 : memref<80x128xf32, #tpu.memory_space<vmem>>)
    %dma_start3A_345 = arith.constant 3 : i32
    %dma_start3A_346 = arith.constant 0 : i32
    %dma_start3A_347 = tpu.memref_slice %arg9[%dma_start3A_345, %dma_start3A_346] : memref<6x80xi32, #tpu.memory_space<vmem>> -> memref<1x80xi32, #tpu.memory_space<vmem>>
    %dma_start3A_348 = tpu.memref_squeeze %dma_start3A_347 : memref<1x80xi32, #tpu.memory_space<vmem>> -> memref<80xi32, #tpu.memory_space<vmem>>
    %dma_start3A_349 = arith.constant 0 : i32
    %dma_start3A_350 = arith.constant 0 : i32
    %dma_start3A_351 = tpu.memref_slice %arg14[%dma_start3A_349, %dma_start3A_350] : memref<10000x128xf32, #tpu.memory_space<vmem_shared>> -> memref<10000x128xf32, #tpu.memory_space<vmem_shared>>
    tpu.enqueue_indirect_dma source(%arg10 : memref<80x128xf32, #tpu.memory_space<vmem>>) target(%dma_start3A_351 : memref<10000x128xf32, #tpu.memory_space<vmem_shared>>) offsets(%dma_start3A_348 : memref<80xi32, #tpu.memory_space<vmem>>) semaphore(%arg21 : memref<!tpu.dma_semaphore, #tpu.memory_space<semaphore_mem>>) {add = true}
    %dma_wait3A_352 = arith.constant 1 : i32
    %dma_wait3A_353 = arith.constant 0 : i32
    %dma_wait3A_354 = tpu.memref_slice %arg7[%dma_wait3A_352, %dma_wait3A_353] : memref<3x80xi32, #tpu.memory_space<vmem>> -> memref<1x80xi32, #tpu.memory_space<vmem>>
    %dma_wait3A_355 = tpu.memref_squeeze %dma_wait3A_354 : memref<1x80xi32, #tpu.memory_space<vmem>> -> memref<80xi32, #tpu.memory_space<vmem>>
    %dma_wait3A_356 = arith.constant 0 : i32
    %dma_wait3A_357 = arith.constant 0 : i32
    %dma_wait3A_358 = tpu.memref_slice %arg4[%dma_wait3A_356, %dma_wait3A_357] : memref<10000x128xf32, #tpu.memory_space<hbm>> -> memref<10000x128xf32, #tpu.memory_space<hbm>>
    tpu.wait_indirect_dma semaphore(%arg19 : memref<!tpu.dma_semaphore, #tpu.memory_space<semaphore_mem>>) src(%dma_wait3A_358 : memref<10000x128xf32, #tpu.memory_space<hbm>>) dst(%arg11 : memref<80x128xf32, #tpu.memory_space<vmem>>)
    %dma_start3A_359 = arith.constant 4 : i32
    %dma_start3A_360 = arith.constant 0 : i32
    %dma_start3A_361 = tpu.memref_slice %arg9[%dma_start3A_359, %dma_start3A_360] : memref<6x80xi32, #tpu.memory_space<vmem>> -> memref<1x80xi32, #tpu.memory_space<vmem>>
    %dma_start3A_362 = tpu.memref_squeeze %dma_start3A_361 : memref<1x80xi32, #tpu.memory_space<vmem>> -> memref<80xi32, #tpu.memory_space<vmem>>
    %dma_start3A_363 = arith.constant 0 : i32
    %dma_start3A_364 = arith.constant 0 : i32
    %dma_start3A_365 = tpu.memref_slice %arg14[%dma_start3A_363, %dma_start3A_364] : memref<10000x128xf32, #tpu.memory_space<vmem_shared>> -> memref<10000x128xf32, #tpu.memory_space<vmem_shared>>
    tpu.enqueue_indirect_dma source(%arg11 : memref<80x128xf32, #tpu.memory_space<vmem>>) target(%dma_start3A_365 : memref<10000x128xf32, #tpu.memory_space<vmem_shared>>) offsets(%dma_start3A_362 : memref<80xi32, #tpu.memory_space<vmem>>) semaphore(%arg22 : memref<!tpu.dma_semaphore, #tpu.memory_space<semaphore_mem>>) {add = true}
    %dma_wait3A_366 = arith.constant 2 : i32
    %dma_wait3A_367 = arith.constant 0 : i32
    %dma_wait3A_368 = tpu.memref_slice %arg9[%dma_wait3A_366, %dma_wait3A_367] : memref<6x80xi32, #tpu.memory_space<vmem>> -> memref<1x80xi32, #tpu.memory_space<vmem>>
    %dma_wait3A_369 = tpu.memref_squeeze %dma_wait3A_368 : memref<1x80xi32, #tpu.memory_space<vmem>> -> memref<80xi32, #tpu.memory_space<vmem>>
    %dma_wait3A_370 = arith.constant 0 : i32
    %dma_wait3A_371 = arith.constant 0 : i32
    %dma_wait3A_372 = tpu.memref_slice %arg14[%dma_wait3A_370, %dma_wait3A_371] : memref<10000x128xf32, #tpu.memory_space<vmem_shared>> -> memref<10000x128xf32, #tpu.memory_space<vmem_shared>>
    tpu.wait_indirect_dma semaphore(%arg23 : memref<!tpu.dma_semaphore, #tpu.memory_space<semaphore_mem>>) src(%arg12 : memref<80x128xf32, #tpu.memory_space<vmem>>) dst(%dma_wait3A_372 : memref<10000x128xf32, #tpu.memory_space<vmem_shared>>)
    %dma_wait3A_373 = arith.constant 3 : i32
    %dma_wait3A_374 = arith.constant 0 : i32
    %dma_wait3A_375 = tpu.memref_slice %arg9[%dma_wait3A_373, %dma_wait3A_374] : memref<6x80xi32, #tpu.memory_space<vmem>> -> memref<1x80xi32, #tpu.memory_space<vmem>>
    %dma_wait3A_376 = tpu.memref_squeeze %dma_wait3A_375 : memref<1x80xi32, #tpu.memory_space<vmem>> -> memref<80xi32, #tpu.memory_space<vmem>>
    %dma_wait3A_377 = arith.constant 0 : i32
    %dma_wait3A_378 = arith.constant 0 : i32
    %dma_wait3A_379 = tpu.memref_slice %arg14[%dma_wait3A_377, %dma_wait3A_378] : memref<10000x128xf32, #tpu.memory_space<vmem_shared>> -> memref<10000x128xf32, #tpu.memory_space<vmem_shared>>
    tpu.wait_indirect_dma semaphore(%arg21 : memref<!tpu.dma_semaphore, #tpu.memory_space<semaphore_mem>>) src(%arg10 : memref<80x128xf32, #tpu.memory_space<vmem>>) dst(%dma_wait3A_379 : memref<10000x128xf32, #tpu.memory_space<vmem_shared>>)
    %dma_wait3A_380 = arith.constant 4 : i32
    %dma_wait3A_381 = arith.constant 0 : i32
    %dma_wait3A_382 = tpu.memref_slice %arg9[%dma_wait3A_380, %dma_wait3A_381] : memref<6x80xi32, #tpu.memory_space<vmem>> -> memref<1x80xi32, #tpu.memory_space<vmem>>
    %dma_wait3A_383 = tpu.memref_squeeze %dma_wait3A_382 : memref<1x80xi32, #tpu.memory_space<vmem>> -> memref<80xi32, #tpu.memory_space<vmem>>
    %dma_wait3A_384 = arith.constant 0 : i32
    %dma_wait3A_385 = arith.constant 0 : i32
    %dma_wait3A_386 = tpu.memref_slice %arg14[%dma_wait3A_384, %dma_wait3A_385] : memref<10000x128xf32, #tpu.memory_space<vmem_shared>> -> memref<10000x128xf32, #tpu.memory_space<vmem_shared>>
    tpu.wait_indirect_dma semaphore(%arg22 : memref<!tpu.dma_semaphore, #tpu.memory_space<semaphore_mem>>) src(%arg11 : memref<80x128xf32, #tpu.memory_space<vmem>>) dst(%dma_wait3A_386 : memref<10000x128xf32, #tpu.memory_space<vmem_shared>>)
    %barrier3A_387 = arith.constant 0 : index
    tpu.barrier barrier_id(%barrier3A_387)
    "tpu.region"() ({
      %run_scoped3A = tpu.sem_alloc : memref<!tpu.dma_semaphore, #tpu.memory_space<semaphore_mem>>
      %dma_start3A_395 = arith.constant 0 : i32
      %dma_start3A_396 = arith.constant 0 : i32
      %dma_start3A_397 = tpu.memref_slice %arg6[%add3A, %dma_start3A_395, %dma_start3A_396] : memref<32x80x128xf32, #tpu.memory_space<hbm>> -> memref<1x80x128xf32, #tpu.memory_space<hbm>>
      %dma_start3A_398 = tpu.memref_squeeze %dma_start3A_397 : memref<1x80x128xf32, #tpu.memory_space<hbm>> -> memref<80x128xf32, #tpu.memory_space<hbm>>
      %dma_start3A_399 = arith.constant 0 : i32
      %dma_start3A_400 = arith.constant 0 : i32
      %dma_start3A_401 = tpu.memref_slice %arg6[%add3A, %dma_start3A_399, %dma_start3A_400] : memref<32x80x128xf32, #tpu.memory_space<hbm>> -> memref<1x80x128xf32, #tpu.memory_space<hbm>>
      %dma_start3A_402 = tpu.memref_squeeze %dma_start3A_401 : memref<1x80x128xf32, #tpu.memory_space<hbm>> -> memref<80x128xf32, #tpu.memory_space<hbm>>
      tpu.enqueue_dma source(%arg13 : memref<80x128xf32, #tpu.memory_space<vmem>>) target(%dma_start3A_402 : memref<80x128xf32, #tpu.memory_space<hbm>>) target_semaphore(%run_scoped3A : memref<!tpu.dma_semaphore, #tpu.memory_space<semaphore_mem>>)
      %dma_wait3A_403 = arith.constant 0 : i32
      %dma_wait3A_404 = arith.constant 0 : i32
      %dma_wait3A_405 = tpu.memref_slice %arg6[%add3A, %dma_wait3A_403, %dma_wait3A_404] : memref<32x80x128xf32, #tpu.memory_space<hbm>> -> memref<1x80x128xf32, #tpu.memory_space<hbm>>
      %dma_wait3A_406 = tpu.memref_squeeze %dma_wait3A_405 : memref<1x80x128xf32, #tpu.memory_space<hbm>> -> memref<80x128xf32, #tpu.memory_space<hbm>>
      %dma_wait3A_407 = arith.constant 0 : i32
      %dma_wait3A_408 = arith.constant 0 : i32
      %dma_wait3A_409 = tpu.memref_slice %arg6[%add3A, %dma_wait3A_407, %dma_wait3A_408] : memref<32x80x128xf32, #tpu.memory_space<hbm>> -> memref<1x80x128xf32, #tpu.memory_space<hbm>>
      %dma_wait3A_410 = tpu.memref_squeeze %dma_wait3A_409 : memref<1x80x128xf32, #tpu.memory_space<hbm>> -> memref<80x128xf32, #tpu.memory_space<hbm>>
      tpu.wait_dma2 semaphore(%run_scoped3A : memref<!tpu.dma_semaphore, #tpu.memory_space<semaphore_mem>>) src(%arg13 : memref<80x128xf32, #tpu.memory_space<vmem>>) dst(%dma_wait3A_410 : memref<80x128xf32, #tpu.memory_space<hbm>>)
      tpu.yield
    }) : () -> ()
    %mul3A_388 = arith.constant 624 : i32
    %mul3A_389 = arith.muli %arg1, %mul3A_388 : i32
    "tpu.region"() ({
      %run_scoped3A = tpu.sem_alloc : memref<!tpu.dma_semaphore, #tpu.memory_space<semaphore_mem>>
      %dma_start3A_395 = arith.constant 0 : i32
      %dma_start3A_396 = arith.constant 0 : i32
      %dma_start3A_397 = tpu.memref_slice %arg5[%arg0, %dma_start3A_395, %dma_start3A_396] : memref<2x10000x128xf32, #tpu.memory_space<hbm>> -> memref<1x10000x128xf32, #tpu.memory_space<hbm>>
      %dma_start3A_398 = tpu.memref_squeeze %dma_start3A_397 : memref<1x10000x128xf32, #tpu.memory_space<hbm>> -> memref<10000x128xf32, #tpu.memory_space<hbm>>
      %dma_start3A_399 = arith.constant 0 : i32
      %dma_start3A_400 = tpu.memref_slice %dma_start3A_398[%mul3A_389, %dma_start3A_399] : memref<10000x128xf32, #tpu.memory_space<hbm>> -> memref<624x128xf32, #tpu.memory_space<hbm>>
      %dma_start3A_401 = arith.constant 0 : i32
      %dma_start3A_402 = tpu.memref_slice %arg14[%mul3A_389, %dma_start3A_401] : memref<10000x128xf32, #tpu.memory_space<vmem_shared>> -> memref<624x128xf32, #tpu.memory_space<vmem_shared>>
      tpu.enqueue_dma source(%dma_start3A_402 : memref<624x128xf32, #tpu.memory_space<vmem_shared>>) target(%dma_start3A_400 : memref<624x128xf32, #tpu.memory_space<hbm>>) target_semaphore(%run_scoped3A : memref<!tpu.dma_semaphore, #tpu.memory_space<semaphore_mem>>)
      %dma_wait3A_403 = arith.constant 0 : i32
      %dma_wait3A_404 = arith.constant 0 : i32
      %dma_wait3A_405 = tpu.memref_slice %arg5[%arg0, %dma_wait3A_403, %dma_wait3A_404] : memref<2x10000x128xf32, #tpu.memory_space<hbm>> -> memref<1x10000x128xf32, #tpu.memory_space<hbm>>
      %dma_wait3A_406 = tpu.memref_squeeze %dma_wait3A_405 : memref<1x10000x128xf32, #tpu.memory_space<hbm>> -> memref<10000x128xf32, #tpu.memory_space<hbm>>
      %dma_wait3A_407 = arith.constant 0 : i32
      %dma_wait3A_408 = tpu.memref_slice %dma_wait3A_406[%mul3A_389, %dma_wait3A_407] : memref<10000x128xf32, #tpu.memory_space<hbm>> -> memref<624x128xf32, #tpu.memory_space<hbm>>
      %dma_wait3A_409 = arith.constant 0 : i32
      %dma_wait3A_410 = tpu.memref_slice %arg14[%mul3A_389, %dma_wait3A_409] : memref<10000x128xf32, #tpu.memory_space<vmem_shared>> -> memref<624x128xf32, #tpu.memory_space<vmem_shared>>
      tpu.wait_dma2 semaphore(%run_scoped3A : memref<!tpu.dma_semaphore, #tpu.memory_space<semaphore_mem>>) src(%dma_wait3A_410 : memref<624x128xf32, #tpu.memory_space<vmem_shared>>) dst(%dma_wait3A_408 : memref<624x128xf32, #tpu.memory_space<hbm>>)
      tpu.yield
    }) : () -> ()
    %eq3A_390 = arith.constant 0 : i32
    %eq3A_391 = arith.cmpi eq, %arg1, %eq3A_390 : i32
    %convert_element_type3A_392 = arith.extui %eq3A_391 : i1 to i32
    %cond3A_393 = arith.constant 0 : i32
    %cond3A_394 = arith.cmpi ne, %convert_element_type3A_392, %cond3A_393 : i32
    scf.if %cond3A_394 {
      "tpu.region"() ({
        %run_scoped3A = tpu.sem_alloc : memref<!tpu.dma_semaphore, #tpu.memory_space<semaphore_mem>>
        %dma_start3A_395 = arith.constant 0 : i32
        %dma_start3A_396 = arith.constant 0 : i32
        %dma_start3A_397 = tpu.memref_slice %arg5[%arg0, %dma_start3A_395, %dma_start3A_396] : memref<2x10000x128xf32, #tpu.memory_space<hbm>> -> memref<1x10000x128xf32, #tpu.memory_space<hbm>>
        %dma_start3A_398 = tpu.memref_squeeze %dma_start3A_397 : memref<1x10000x128xf32, #tpu.memory_space<hbm>> -> memref<10000x128xf32, #tpu.memory_space<hbm>>
        %dma_start3A_399 = arith.constant 9984 : i32
        %dma_start3A_400 = arith.constant 0 : i32
        %dma_start3A_401 = tpu.memref_slice %dma_start3A_398[%dma_start3A_399, %dma_start3A_400] : memref<10000x128xf32, #tpu.memory_space<hbm>> -> memref<16x128xf32, #tpu.memory_space<hbm>>
        %dma_start3A_402 = arith.constant 9984 : i32
        %dma_start3A_403 = arith.constant 0 : i32
        %dma_start3A_404 = tpu.memref_slice %arg14[%dma_start3A_402, %dma_start3A_403] : memref<10000x128xf32, #tpu.memory_space<vmem_shared>> -> memref<16x128xf32, #tpu.memory_space<vmem_shared>>
        tpu.enqueue_dma source(%dma_start3A_404 : memref<16x128xf32, #tpu.memory_space<vmem_shared>>) target(%dma_start3A_401 : memref<16x128xf32, #tpu.memory_space<hbm>>) target_semaphore(%run_scoped3A : memref<!tpu.dma_semaphore, #tpu.memory_space<semaphore_mem>>)
        %dma_wait3A_405 = arith.constant 0 : i32
        %dma_wait3A_406 = arith.constant 0 : i32
        %dma_wait3A_407 = tpu.memref_slice %arg5[%arg0, %dma_wait3A_405, %dma_wait3A_406] : memref<2x10000x128xf32, #tpu.memory_space<hbm>> -> memref<1x10000x128xf32, #tpu.memory_space<hbm>>
        %dma_wait3A_408 = tpu.memref_squeeze %dma_wait3A_407 : memref<1x10000x128xf32, #tpu.memory_space<hbm>> -> memref<10000x128xf32, #tpu.memory_space<hbm>>
        %dma_wait3A_409 = arith.constant 9984 : i32
        %dma_wait3A_410 = arith.constant 0 : i32
        %dma_wait3A_411 = tpu.memref_slice %dma_wait3A_408[%dma_wait3A_409, %dma_wait3A_410] : memref<10000x128xf32, #tpu.memory_space<hbm>> -> memref<16x128xf32, #tpu.memory_space<hbm>>
        %dma_wait3A_412 = arith.constant 9984 : i32
        %dma_wait3A_413 = arith.constant 0 : i32
        %dma_wait3A_414 = tpu.memref_slice %arg14[%dma_wait3A_412, %dma_wait3A_413] : memref<10000x128xf32, #tpu.memory_space<vmem_shared>> -> memref<16x128xf32, #tpu.memory_space<vmem_shared>>
        tpu.wait_dma2 semaphore(%run_scoped3A : memref<!tpu.dma_semaphore, #tpu.memory_space<semaphore_mem>>) src(%dma_wait3A_414 : memref<16x128xf32, #tpu.memory_space<vmem_shared>>) dst(%dma_wait3A_411 : memref<16x128xf32, #tpu.memory_space<hbm>>)
        tpu.yield
      }) : () -> ()
    } else {
    }
    return
  }
}

module attributes {stable_mosaic.version = 14 : i64} {
  func.func @body(%arg0: i32, %arg1: memref<1000x128xf32, #tpu.memory_space<vmem>>, %arg2: memref<128x128xf32, #tpu.memory_space<vmem>>, %arg3: memref<1x128xf32, #tpu.memory_space<vmem>>, %arg4: memref<1000x128xf32, #tpu.memory_space<vmem>>) attributes {dimension_semantics = [#tpu.dimension_semantics<arbitrary>], iteration_bounds = array<i64: 10>, scalar_prefetch = 0 : i64, scratch_operands = 0 : i64, tpu.core_type = #tpu.core_type<tc>, window_params = [{transform_indices = @transform_0, window_bounds = array<i64: 1000, 128>}, {pipeline_mode = #tpu.pipeline_mode<synchronous>, transform_indices = @transform_1, window_bounds = array<i64: 128, 128>}, {pipeline_mode = #tpu.pipeline_mode<synchronous>, transform_indices = @transform_2, window_bounds = array<i64: 1, 128>}, {transform_indices = @transform_3, window_bounds = array<i64: 1000, 128>}]} {
    %get3A = arith.constant 0 : index
    %get3A_0 = arith.constant 0 : index
    %get3A_1 = vector.load %arg1[%get3A, %get3A_0] : memref<1000x128xf32, #tpu.memory_space<vmem>>, vector<1000x128xf32>
    %get3A_2 = arith.constant 0 : index
    %get3A_3 = arith.constant 0 : index
    %get3A_4 = vector.load %arg2[%get3A_2, %get3A_3] : memref<128x128xf32, #tpu.memory_space<vmem>>, vector<128x128xf32>
    %dot_general3A = arith.constant dense<0.000000e+00> : vector<1000x128xf32>
    %dot_general3A_5 = tpu.matmul %get3A_1, %get3A_4, %dot_general3A {dimension_numbers = #tpu.dot_dimension_numbers<[1], [1], [0], [0], [0, 0, 1, 0], [], []>, transpose_lhs_hint = false} : vector<1000x128xf32>, vector<128x128xf32>, vector<1000x128xf32> -> vector<1000x128xf32>
    %get3A_6 = arith.constant 0 : index
    %get3A_7 = arith.constant 0 : index
    %get3A_8 = vector.load %arg3[%get3A_6, %get3A_7] : memref<1x128xf32, #tpu.memory_space<vmem>>, vector<1x128xf32>
    %add3A = vector.broadcast %get3A_8 : vector<1x128xf32> to vector<1000x128xf32>
    %add3A_9 = arith.addf %dot_general3A_5, %add3A : vector<1000x128xf32>
    %swap3A = arith.constant 0 : index
    %swap3A_10 = arith.constant 0 : index
    %swap3A_11 = vector.load %arg4[%swap3A, %swap3A_10] : memref<1000x128xf32, #tpu.memory_space<vmem>>, vector<1000x128xf32>
    tpu.vector_store %arg4[%swap3A, %swap3A_10], %add3A_9 {strides = array<i32>} : memref<1000x128xf32, #tpu.memory_space<vmem>>, vector<1000x128xf32>,
    return
  }
  func.func @transform_0(%arg0: i32) -> (i32, i32) {
    %c0_i32 = arith.constant 0 : i32
    %c0_i32_0 = arith.constant 0 : i32
    return %arg0, %c0_i32 : i32, i32
  }
  func.func @transform_1(%arg0: i32) -> (i32, i32) {
    %c0_i32 = arith.constant 0 : i32
    %c0_i32_0 = arith.constant 0 : i32
    %c0_i32_1 = arith.constant 0 : i32
    return %c0_i32, %c0_i32_0 : i32, i32
  }
  func.func @transform_2(%arg0: i32) -> (i32, i32) {
    %c0_i32 = arith.constant 0 : i32
    %c0_i32_0 = arith.constant 0 : i32
    %c0_i32_1 = arith.constant 0 : i32
    return %c0_i32, %c0_i32_0 : i32, i32
  }
  func.func @transform_3(%arg0: i32) -> (i32, i32) {
    %c0_i32 = arith.constant 0 : i32
    %c0_i32_0 = arith.constant 0 : i32
    return %arg0, %c0_i32 : i32, i32
  }
}

module attributes {stable_mosaic.version = 14 : i64} {
  func.func @body(%arg0: i32, %arg1: memref<2x1000x128xf32, #tpu.memory_space<vmem>>, %arg2: memref<1000x1xf32, #tpu.memory_space<vmem>>, %arg3: memref<1000x128xf32, #tpu.memory_space<vmem>>, %arg4: memref<128x128xf32, #tpu.memory_space<vmem>>, %arg5: memref<1000x128xf32, #tpu.memory_space<vmem>>) attributes {dimension_semantics = [#tpu.dimension_semantics<arbitrary>], iteration_bounds = array<i64: 10>, scalar_prefetch = 0 : i64, scratch_operands = 0 : i64, tpu.core_type = #tpu.core_type<tc>, window_params = [{transform_indices = @transform_0, window_bounds = array<i64: 2, 1000, 128>}, {transform_indices = @transform_1, window_bounds = array<i64: 1000, 1>}, {transform_indices = @transform_2, window_bounds = array<i64: 1000, 128>}, {pipeline_mode = #tpu.pipeline_mode<synchronous>, transform_indices = @transform_3, window_bounds = array<i64: 128, 128>}, {transform_indices = @transform_4, window_bounds = array<i64: 1000, 128>}]} {
    %get3A = arith.constant 0 : index
    %get3A_0 = arith.constant 0 : index
    %get3A_1 = arith.constant 0 : index
    %get3A_2 = vector.load %arg1[%get3A, %get3A_0, %get3A_1] : memref<2x1000x128xf32, #tpu.memory_space<vmem>>, vector<1x1000x128xf32>
    %get3A_3 = vector.shape_cast %get3A_2 : vector<1x1000x128xf32> to vector<1000x128xf32>
    %get3A_4 = arith.constant 1 : index
    %get3A_5 = arith.constant 0 : index
    %get3A_6 = arith.constant 0 : index
    %get3A_7 = vector.load %arg1[%get3A_4, %get3A_5, %get3A_6] : memref<2x1000x128xf32, #tpu.memory_space<vmem>>, vector<1x1000x128xf32>
    %get3A_8 = vector.shape_cast %get3A_7 : vector<1x1000x128xf32> to vector<1000x128xf32>
    %add3A = arith.addf %get3A_3, %get3A_8 : vector<1000x128xf32>
    %get3A_9 = arith.constant 0 : index
    %get3A_10 = arith.constant 0 : index
    %get3A_11 = vector.load %arg2[%get3A_9, %get3A_10] : memref<1000x1xf32, #tpu.memory_space<vmem>>, vector<1000x1xf32>
    %max3A = arith.constant 1.000000e+00 : f32
    %max3A_12 = vector.broadcast %max3A : f32 to vector<1000x1xf32>
    %max3A_13 = arith.maximumf %get3A_11, %max3A_12 : vector<1000x1xf32>
    %div3A = vector.broadcast %max3A_13 : vector<1000x1xf32> to vector<1000x128xf32>
    %div3A_14 = arith.divf %add3A, %div3A : vector<1000x128xf32>
    %get3A_15 = arith.constant 0 : index
    %get3A_16 = arith.constant 0 : index
    %get3A_17 = vector.load %arg4[%get3A_15, %get3A_16] : memref<128x128xf32, #tpu.memory_space<vmem>>, vector<128x128xf32>
    %dot_general3A = arith.constant dense<0.000000e+00> : vector<1000x128xf32>
    %dot_general3A_18 = tpu.matmul %div3A_14, %get3A_17, %dot_general3A {dimension_numbers = #tpu.dot_dimension_numbers<[1], [1], [0], [0], [0, 0, 1, 0], [], []>, transpose_lhs_hint = false} : vector<1000x128xf32>, vector<128x128xf32>, vector<1000x128xf32> -> vector<1000x128xf32>
    %get3A_19 = arith.constant 0 : index
    %get3A_20 = arith.constant 0 : index
    %get3A_21 = vector.load %arg3[%get3A_19, %get3A_20] : memref<1000x128xf32, #tpu.memory_space<vmem>>, vector<1000x128xf32>
    %add3A_22 = arith.addf %dot_general3A_18, %get3A_21 : vector<1000x128xf32>
    %swap3A = arith.constant 0 : index
    %swap3A_23 = arith.constant 0 : index
    %swap3A_24 = vector.load %arg5[%swap3A, %swap3A_23] : memref<1000x128xf32, #tpu.memory_space<vmem>>, vector<1000x128xf32>
    tpu.vector_store %arg5[%swap3A, %swap3A_23], %add3A_22 {strides = array<i32>} : memref<1000x128xf32, #tpu.memory_space<vmem>>, vector<1000x128xf32>,
    return
  }
  func.func @transform_0(%arg0: i32) -> (i32, i32, i32) {
    %c0_i32 = arith.constant 0 : i32
    %c0_i32_0 = arith.constant 0 : i32
    %c0_i32_1 = arith.constant 0 : i32
    return %c0_i32, %arg0, %c0_i32_0 : i32, i32, i32
  }
  func.func @transform_1(%arg0: i32) -> (i32, i32) {
    %c0_i32 = arith.constant 0 : i32
    %c0_i32_0 = arith.constant 0 : i32
    return %arg0, %c0_i32 : i32, i32
  }
  func.func @transform_2(%arg0: i32) -> (i32, i32) {
    %c0_i32 = arith.constant 0 : i32
    %c0_i32_0 = arith.constant 0 : i32
    return %arg0, %c0_i32 : i32, i32
  }
  func.func @transform_3(%arg0: i32) -> (i32, i32) {
    %c0_i32 = arith.constant 0 : i32
    %c0_i32_0 = arith.constant 0 : i32
    %c0_i32_1 = arith.constant 0 : i32
    return %c0_i32, %c0_i32_0 : i32, i32
  }
  func.func @transform_4(%arg0: i32) -> (i32, i32) {
    %c0_i32 = arith.constant 0 : i32
    %c0_i32_0 = arith.constant 0 : i32
    return %arg0, %c0_i32 : i32, i32
  }
}

</mosaic_0001>

<sc_bundles>
// kernel: kernel.5.cloned.1.call-start
scs
__scs_entry_jumppad:
0x0: {  	(pc) =	sbr.rel $0x88, $3  }
0x1: {  	(tag) =	ssettag $0x0;
	lr =	simm.s32 $0x1  }
0x2: {  	[smem:$0x3F9C] =	sst lr;
	_ =	strace $0xD0000000  }
0x3: {  	_ = 	snop  }
0x4: {  	_ = 	snop  }
0x5: {  	_ = 	snop  }
0x6: {  	_ = 	snop  }
0x7: {  	_ = 	snop  }
__scs_overlays_trampoline_lowered:
0x8: {  	[smem:$0x3FAB] =	sst s0  }
0x9: {  	[smem:$0x3FAC] =	sst s1  }
0xa: {  	[smem:$0x3FAD] =	sst s2  }
0xb: {  	[smem:$0x3FAE] =	sst s3  }
0xc: {  	[smem:$0x3FAF] =	sst s4  }
0xd: {  	[smem:$0x3FB0] =	sst s5  }
0xe: {  	[smem:$0x3FB1] =	sst s6  }
0xf: {  	[smem:$0x3FB2] =	sst s7  }
0x10: {  	[smem:$0x3FB3] =	sst s8  }
0x11: {  	[smem:$0x3FB4] =	sst s9;
	s0 =	simm.s32 @!p0 $0x0  }
0x12: {  	s1 =	sld [smem:$0x3F9A];
	s0 =	simm.s32 @p0 $0x1  }
0x13: {  	[smem:$0x3FB5] =	sst s0;
	s0 =	simm.s32 @!p1 $0x0  }
0x14: {  	s2 =	sld [smem:$0x3F99];
	s0 =	simm.s32 @p1 $0x1  }
0x15: {  	[smem:$0x3FB6] =	sst s0;
	s0 =	simm.s32 @!p2 $0x0  }
0x16: {  	s3 =	sld [smem:$0x3FDB];
	s0 =	simm.s32 @p2 $0x1  }
0x17: {  	s4 =	simm.s32 $0x1BF5;
	[smem:$0x3FB8] =	sst s0  }
0x18: {  	s0 =	sld [smem:$0x3F9B];
	_ =	swait.ge [sflag:s4], $0x0  }
0x19: {  	s7 =	sld [smem:$0x3F9C]  }
0x1a: {  	s8 =	sadd.s32 $0xFFFFE003, lr  }
0x1b: {  	s9 =	sadd.s32 $0xFFFFFEF7, lr;
	s5 =	simm.s32 $0xFFFFFFFF;
	p2 =	slt.u32 s8, $0xFFFFF086  }
0x1c: {  	p1 =	slt.u32 s9, $0xF7A;
	s5 =	simm.s32 @!p2 $0x0  }
0x1d: {  	s5 =	simm.s32 @p1 $0x1;
	p0 =	seq.s32 s7, s2  }
0x1e: {  	s7 =	smul.u32 @!p0 $0xF7A, s2;
	p2 =	seq.s32 @!p0 s5, $0x0  }
0x1f: {  	s9 =	smul.u32 $0xF7A, s1;
	s8 =	simm.s32 @!p0 $0x1BF5;
	p2 =	por !p2, p0  }
0x20: {  	[sflag:s8] =	ssyncset.s32 @!p0 $0xFFFFF086;
	s6 =	sadd.s32 @!p0 s3, s7;
	s7 =	simm.s32 @!p0 $0x108  }
0x21: {  	s3 =	sadd.s32 s3, s9;
	s6 =	sadd.s32 @!p0 $0x88, s6;
	s7 =	simm.s32 @p2 $0x1082  }
0x22: {  	[simem:s7], [sflag:s8] =	dma.local @!p0 [hbm:s6], $0xF7A  }
0x23: {  	s9 =	sor.u32 $0xD0000000, s2;
	s6 =	simm.s32 $0x108;
	_ =	swait.ge @!p0 [sflag:s8], $0x0  }
0x24: {  	s3 =	sadd.s32 $0x88, s3;
	s6 =	simm.s32 @!p1 $0x1082;
	[sflag:s4] =	ssyncset.s32 $0xFFFFF086  }
0x25: {  	[simem:s6], [sflag:s4] =	dma.local [hbm:s3], $0xF7A  }
0x26: {  	[smem:$0x3F9C] =	sst s1;
	(tag) =	ssettag s2;
	_ =	strace s9  }
0x27: {  	s1 =	sld [smem:$0x3FAC]  }
0x28: {  	s2 =	sld [smem:$0x3FAD]  }
0x29: {  	s4 =	sld [smem:$0x3FAF]  }
0x2a: {  	p0 =	seq.s32 s5, $0x0;
	s5 =	sld [smem:$0x3FB0]  }
0x2b: {  	s6 =	sld [smem:$0x3FB1]  }
0x2c: {  	s7 =	sld [smem:$0x3FB2]  }
0x2d: {  	s3 =	simm.s32 $0x108;
	s8 =	sld [smem:$0x3FB3]  }
0x2e: {  	s3 =	simm.s32 @!p0 $0x1082;
	s9 =	sld [smem:$0x3FB4]  }
0x2f: {  	lr =	sadd.s32 s0, s3;
	s0 =	sld [smem:$0x3FAB]  }
0x30: {  	s3 =	sld [smem:$0x3FAE]  }
0x31: {  	[smem:$0x3FB7] =	sst s10  }
0x32: {  	s10 =	sld [smem:$0x3FB5];
	_ =	sdelay $0x3  }
0x33: {  	p0 =	seq.s32 s10, $0x1;
	s10 =	sld [smem:$0x3FB7];
	_ =	sdelay $0x3  }
0x34: {  	[smem:$0x3FB7] =	sst s10  }
0x35: {  	s10 =	sld [smem:$0x3FB6];
	_ =	sdelay $0x3  }
0x36: {  	p1 =	seq.s32 s10, $0x1;
	s10 =	sld [smem:$0x3FB7];
	_ =	sdelay $0x3  }
0x37: {  	[smem:$0x3FB7] =	sst s10  }
0x38: {  	s10 =	sld [smem:$0x3FB8]  }
0x39: {  	_ = 	snop;
	(pc) =	sbr.ind lr, $3  }
0x3a: {  	_ = 	snop  }
0x3b: {  	_ = 	snop  }
0x3c: {  	p2 =	seq.s32 s10, $0x1;
	s10 =	sld [smem:$0x3FB7]  }
0x3d: {  	_ =	shalt  }
0x3e: {  	_ =	shalt  }
0x3f: {  	_ =	shalt  }
0x40: {  	_ =	shalt  }
0x41: {  	_ =	shalt  }
0x42: {  	_ =	shalt  }
0x43: {  	_ =	shalt  }
0x44: {  	_ =	shalt  }
0x45: {  	_ =	shalt  }
0x46: {  	_ =	shalt  }
0x47: {  	_ =	shalt  }
0x48: {  	_ =	shalt  }
0x49: {  	_ =	shalt  }
0x4a: {  	_ =	shalt  }
0x4b: {  	_ =	shalt  }
0x4c: {  	_ =	shalt  }
0x4d: {  	_ =	shalt  }
0x4e: {  	_ =	shalt  }
0x4f: {  	_ =	shalt  }
0x50: {  	_ =	shalt  }
0x51: {  	_ =	shalt  }
0x52: {  	_ =	shalt  }
0x53: {  	_ =	shalt  }
0x54: {  	_ =	shalt  }
0x55: {  	_ =	shalt  }
0x56: {  	_ =	shalt  }
0x57: {  	_ =	shalt  }
0x58: {  	_ =	shalt  }
0x59: {  	_ =	shalt  }
0x5a: {  	_ =	shalt  }
0x5b: {  	_ =	shalt  }
0x5c: {  	_ =	shalt  }
0x5d: {  	_ =	shalt  }
0x5e: {  	_ =	shalt  }
0x5f: {  	_ =	shalt  }
0x60: {  	_ =	shalt  }
0x61: {  	_ =	shalt  }
0x62: {  	_ =	shalt  }
0x63: {  	_ =	shalt  }
0x64: {  	_ =	shalt  }
0x65: {  	_ =	shalt  }
0x66: {  	_ =	shalt  }
0x67: {  	_ =	shalt  }
0x68: {  	_ =	shalt  }
0x69: {  	_ =	shalt  }
0x6a: {  	_ =	shalt  }
0x6b: {  	_ =	shalt  }
0x6c: {  	_ =	shalt  }
0x6d: {  	_ =	shalt  }
0x6e: {  	_ =	shalt  }
0x6f: {  	_ =	shalt  }
0x70: {  	_ =	shalt  }
0x71: {  	_ =	shalt  }
0x72: {  	_ =	shalt  }
0x73: {  	_ =	shalt  }
0x74: {  	_ =	shalt  }
0x75: {  	_ =	shalt  }
0x76: {  	_ =	shalt  }
0x77: {  	_ =	shalt  }
0x78: {  	_ =	shalt  }
0x79: {  	_ =	shalt  }
0x7a: {  	_ =	shalt  }
0x7b: {  	_ =	shalt  }
0x7c: {  	_ =	shalt  }
0x7d: {  	_ =	shalt  }
0x7e: {  	_ =	shalt  }
0x7f: {  	_ =	shalt  }
0x80: {  	_ =	shalt  }
0x81: {  	_ =	shalt  }
0x82: {  	_ =	shalt  }
0x83: {  	_ =	shalt  }
0x84: {  	_ =	shalt  }
0x85: {  	_ =	shalt  }
0x86: {  	_ =	shalt  }
0x87: {  	_ =	shalt  }
.Lfunc_end0:
.L_simem_size_0:
called_computation_lowered:
.L_overlay_start_0:
0x88: {  	s2 =	sld [smem:$0x3FD9]  }
0x89: {  	s3 =	sld [smem:$0x3FFE];
	_ =	sdelay $0x1  }
0x8a: {  	s1 =	srdreg.scid  }
0x8b: {  	s0 =	sand.u32 $0x1, s1  }
0x8c: {  	s17 =	sshll.u32 s0, $0xA;
	s2 =	sadd.s32 s3, s2  }
0x8d: {  	s2 =	sadd.s32 s2, s17  }
0x8e: {  	[smem:$0x3FC3] =	sst s2  }
0x8f: {  	_ = 	snop  }
0x90: {  	s2 =	sld [smem:$0x3FC9]  }
0x91: {  	s18 =	sld [smem:$0x3FD0];
	(tm) =	ssettm $0x1  }
0x92: {  	s4 =	sld [smem:$0x3FFB];
	_ =	sdelay $0x3  }
0x93: {  	_ =	strace s4  }
0x94: {  	s4 =	sld [smem:$0x3FFC];
	_ =	sdelay $0x3  }
0x95: {  	_ =	strace s4  }
0x96: {  	s4 =	sld [smem:$0x3FFD];
	_ =	sdelay $0x3  }
0x97: {  	_ =	strace s4  }
0x98: {  	_ =	strace $0x8FFFFFFF  }
0x99: {  	s19 =	sld [smem:$0x3FDB];
	_ =	sdelay $0x1  }
0x9a: {  	s5 =	simm.s32 $_scs_section_size  }
0x9b: {  	s6 =	simm.s32 $_size__tile_overlayer_lowered;
	s7 =	simm.s32 $_tile_overlayer_lowered  }
0x9c: {  	s22 =	simm.s32 $0x1BFF;
	s21 =	sshll.u32 s7, $0x1;
	s4 =	sadd.s32 s5, s19  }
0x9d: {  	s8 =	simm.s32 $0x0;
	s20 =	sshll.u32 s6, $0x1;
	s6 =	sadd.s32 s21, s4  }
0x9e: {  	[timem:s8], [sflag:s22] =	dma.local [hbm:s6], s20  }
0x9f: {  	_ =	swait.ge [sflag:s22], s20  }
0xa0: {  	s5 =	ssub.s32 $0x0, s20;
	[sflag:s22] =	ssyncset.done $0x0  }
0xa1: {  	[sflag:s22] =	ssyncadd.s32 s5;
	_ =	sdelay $0x1  }
0xa2: {  	s23 =	simm.s32 $0x1B8B  }
0xa3: {  	_ =	swait.ge [sflag:s23], $0x1  }
0xa4: {  	[sflag:s23] =	ssyncset.done $0x0  }
0xa5: {  	s25 =	simm.s32 $0x1B8E;
	s24 =	sld [smem:$0x3FFE];
	[sflag:s23] =	ssyncadd.s32 $0xFFFFFFFF  }
0xa6: {  	s26 =	simm.s32 $execute0_lowered;
	[smem:$0x3FD2] =	sst s25  }
0xa7: {  	s6 =	sshll.u32 s26, $0x1;
	_ =	strace $0x80000046;
	[dreg:$0x1] =	wrdreg $0xFFFFFFFF  }
0xa8: {  	s28 =	simm.s32 $_size_execute0_lowered;
	s4 =	sadd.s32 s4, s6;
	[dreg:$0x0] =	wrdreg $0x0  }
0xa9: {  	s6 =	sshll.u32 s28, $0x1;
	[dreg:$0x2] =	wrdreg s4  }
0xaa: {  	[dreg:$0x3] =	wrdreg s6  }
0xab: {  	[dreg:$0x4] =	wrdreg $0xC0  }
0xac: {  	_ =	task [dreg:s8], $0x5FFFF  }
0xad: {  	[dreg:$0x1] =	wrdreg $0xFFFFFFFF  }
0xae: {  	[dreg:$0x0] =	wrdreg $0x60  }
0xaf: {  	[dreg:$0x2] =	wrdreg s24  }
0xb0: {  	[dreg:$0x3] =	wrdreg s2  }
0xb1: {  	[dreg:$0x4] =	wrdreg s18  }
0xb2: {  	[dreg:$0x5] =	wrdreg $0xA8000  }
0xb3: {  	[dreg:$0x6] =	wrdreg $0x9  }
0xb4: {  	_ =	task.clear_ibuf [dreg:s8], $0x7FFFF;
	_ =	strace $0x90000046  }
0xb5: {  	s29 =	simm.s32 $0x9;
	_ =	strace $0x80000048  }
0xb6: {  	_ =	swait.ge [sflag:s29], $0x1  }
0xb7: {  	[sflag:s29] =	ssyncadd.s32 $0xFFFFFFFF  }
0xb8: {  	_ =	strace $0x90000048  }
0xb9: {  	_ =	sfence  }
0xba: {  	s30 =	sld [smem:$0x0];
	_ =	sdelay $0x2  }
0xbb: {  	s31 =	sshll.u32 s1, $0xD;
	s1 =	sshrl.u32 s1, $0x2  }
0xbc: {  	s3 =	sand.u32 $0x4000, s31;
	s1 =	sadd.s32 s1, s30  }
0xbd: {  	s0 =	sor.u32 s3, s0;
	s1 =	sshll.u32 s1, $0x11  }
0xbe: {  	s0 =	sor.u32 s1, s0  }
0xbf: {  	s0 =	sadd.s32 $0x8F2B, s0  }
0xc0: {  	[sflag:s0] =	ssyncadd.remote.s32 $0x1  }
0xc1: {  	_ =	sfence.sel $0xFFFF  }
0xc2: {  	[dreg:$0x0] =	wrdreg $0xFFFFFFFF;
	(pc) =	sbr.abs _section_cstart, $3  }
0xc3: {  	[dreg:$0x1] =	wrdreg $0xFFFFFFFF  }
0xc4: {  	_ =	task.clear_ibuf [dreg:s8], $0x2FFFF;
	_ =	strace $0x9FFFFFFF  }
0xc5: {  	(tm) =	ssettm $0x7FFFFFFF  }
tec
execute0_lowered:
.L_overlay_start_1:
0x0: {  	(tag) =	ssettag $0x1  }
0x1: {  	s0 =	rddreg [dreg:$0x0]  }
0x2: {  	s1 =	rddreg [dreg:$0x1]  }
0x3: {  	s4 =	rddreg [dreg:$0x2]  }
0x4: {  	s2 =	rddreg [dreg:$0x3];
	s3 =	simm.s32 $0x0  }
0x5: {  	s5 =	srdreg.scid;
	s15 =	stileid.u32;
	s29 =	simm.s32 $0x6  }
0x6: {  	s30 =	simm.s32 $0x9;
	s31 =	simm.s32 $0x480;
	[smem:$0x7FF] =	sst s3  }
0x7: {  	s7 =	sand.u32 $0x1, s5;
	s5 =	sadd.s32 $0xA800, s0;
	s10 =	smul.u32 $0x4E000, s15  }
0x8: {  	s9 =	sshll.u32 s15, $0x1;
	s6 =	sadd.s32 $0xA00, s0;
	s13 =	smul.u32 $0x4E20, s15  }
0x9: {  	s21 =	sadd.s32 $0x138000, s2;
	p0 =	sne.s32 s15, $0x0;
	_ =	strace $0x80000047  }
0xa: {  	s8 =	smul.u32 $0x27100, s7;
	s9 =	sor.u32 s7, s9;
	[dreg:$0x12] =	wrdreg s21  }
0xb: {  	s20 =	ssub.s32 $0x2, s7;
	s7 =	smul.u32 $0x2710, s7;
	[smem:$0x7F4] =	sst s6  }
0xc: {  	[smem:$0x7F5] =	sst s5;
	s11 =	smul.u32 $0x2710, s9;
	s12 =	sshrl.u32 s20, $0x1  }
0xd: {  	s10 =	sshrl.u32 s10, $0x2;
	s9 =	smul.u32 $0x500, s9;
	s0 =	sadd.s32 s8, s0  }
0xe: {  	s8 =	ssub.s32 s20, s12;
	s28 =	sadd.s32 s10, s2;
	s7 =	sadd.s32 s7, s13  }
0xf: {  	s10 =	sadd.s32 $0x11800, s28;
	s25 =	sadd.s32 $0x280, s7;
	[dreg:$0x10] =	wrdreg s28  }
0x10: {  	s14 =	sadd.s32 $0x230, s7;
	s4 =	sadd.s32 s4, s9;
	[dreg:$0x11] =	wrdreg s10  }
0x11: {  	s8 =	smax.u32 s8, $0x1;
	s10 =	sshrl.u32 s11, $0x3;
	[dreg:$0x1b] =	wrdreg s4  }
0x12: {  	s21 =	sadd.s32 $0x190, s7;
	[dreg:$0x1f] =	wrdreg s8;
	s11 =	sadd.s32 s5, s10  }
0x13: {  	s12 =	sshrl.u32 s25, $0x3;
	s23 =	sadd.s32 s6, s10;
	[dreg:$0x13] =	wrdreg s11  }
0x14: {  	s9 =	simm.s32 $0x500;
	s17 =	sadd.s32 s12, s6;
	[dreg:$0x14] =	wrdreg s23  }
0x15: {  	s18 =	sshrl.u32 s14, $0x3;
	s12 =	sadd.s32 s12, s5;
	[dreg:$0x5] =	wrdreg s17  }
0x16: {  	s8 =	simm.s32 $0x200;
	s19 =	sadd.s32 s18, s6;
	[dreg:$0x6] =	wrdreg s12  }
0x17: {  	s22 =	sadd.s32 $0xA, s10;
	s13 =	sadd.s32 s18, s5;
	[dreg:$0x7] =	wrdreg s19  }
0x18: {  	s26 =	sadd.s32 $0x14, s10;
	s24 =	sadd.s32 s5, s22;
	[dreg:$0x8] =	wrdreg s13  }
0x19: {  	s20 =	sadd.s32 $0x4CE, s10;
	s11 =	sadd.s32 s6, s22;
	[dreg:$0x15] =	wrdreg s24  }
0x1a: {  	s10 =	sadd.s32 $0x4D8, s10;
	s16 =	sadd.s32 s5, s26;
	[dreg:$0x16] =	wrdreg s11  }
0x1b: {  	s18 =	smul.u32 $0x2700, s15;
	s22 =	sadd.s32 s5, s20;
	[dreg:$0x17] =	wrdreg s16  }
0x1c: {  	s15 =	simm.s32 $0x50;
	s12 =	sadd.s32 s6, s20;
	[dreg:$0x19] =	wrdreg s22  }
0x1d: {  	s13 =	sadd.s32 s6, s10;
	s19 =	simm.s32 $0x680;
	[dreg:$0x1a] =	wrdreg s12  }
0x1e: {  	s20 =	sadd.s32 $0x2800, s28;
	s11 =	sadd.s32 s6, s26;
	[dreg:$0x1d] =	wrdreg s13  }
0x1f: {  	s24 =	sadd.s32 $0x140, s7;
	s26 =	sadd.s32 s5, s10;
	[dreg:$0xf] =	wrdreg s19  }
0x20: {  	s16 =	sadd.s32 $0x14600, s0;
	[smem:$0x7F6] =	sst s20;
	s22 =	sadd.s32 $0x5000, s28  }
0x21: {  	s10 =	simm.s32 $0x80;
	s13 =	simm.s32 $0x300;
	[dreg:$0x18] =	wrdreg s11  }
0x22: {  	s19 =	simm.s32 $0x3;
	s20 =	simm.s32 $0x5800;
	[dreg:$0x1c] =	wrdreg s26  }
0x23: {  	s11 =	sshrl.u32 s21, $0x3;
	s12 =	sshrl.u32 s24, $0x3;
	[dreg:$0x1e] =	wrdreg s16  }
0x24: {  	s21 =	sadd.s32 $0x1E0, s7;
	s0 =	sadd.s32 s18, s16;
	[smem:$0x7F9] =	sst s22  }
0x25: {  	s24 =	sadd.s32 $0xA000, s28;
	s26 =	sadd.s32 $0xF000, s28;
	[smem:$0x7F7] =	sst s21  }
0x26: {  	s16 =	simm.s32 $0x800;
	s18 =	simm.s32 $0x3000;
	[smem:$0x7F8] =	sst s0  }
0x27: {  	s22 =	simm.s32 $0x4;
	s23 =	sadd.s32 s11, s6;
	[smem:$0x7FB] =	sst s24  }
0x28: {  	s11 =	sadd.s32 s11, s5;
	s25 =	sadd.s32 s12, s6;
	[smem:$0x7FD] =	sst s26  }
0x29: {  	s14 =	sadd.s32 s12, s5;
	s0 =	simm.s32 $0x8000;
	[dreg:$0x9] =	wrdreg s23  }
0x2a: {  	s12 =	simm.s32 $0x100;
	s26 =	simm.s32 $0x5;
	[dreg:$0xa] =	wrdreg s11  }
0x2b: {  	s21 =	simm.s32 $0x8;
	[dreg:$0xb] =	wrdreg s25;
	s11 =	sadd.s32 $0xF0, s7  }
0x2c: {  	[dreg:$0xc] =	wrdreg s14;
	s23 =	sadd.s32 $0x7800, s28;
	s25 =	sadd.s32 $0xC800, s28  }
0x2d: {  	s14 =	simm.s32 $0x1;
	s4 =	sshrl.u32 s11, $0x3;
	[smem:$0x7FA] =	sst s23  }
0x2e: {  	[smem:$0x7FC] =	sst s25;
	s11 =	simm.s32 $0x280;
	s17 =	sadd.s32 s4, s6  }
0x2f: {  	s25 =	simm.s32 $0x7;
	s4 =	sadd.s32 s4, s5;
	[dreg:$0xd] =	wrdreg s17  }
0x30: {  	v0 =	vimm.f32 $0.0e+00;
	v1 =	vimm.f32 $1.000000000e+00;
	s5 =	simm.s32 $0x0;
	[dreg:$0xe] =	wrdreg s4;
	s17 =	simm.s32 $0x2  }
.LBB2_1:
0x31: {  	[smem:$0x7F3] =	sst s5;
	s4 =	simm.s32 $0x70;
	s7 =	simm.s32 $0x3C0  }
.LBB2_2:
0x32: {  	p1 =	sne.s32 s7, $0x9FC0;
	[tilespmem:s4+$0x8000] =	vst v0  }
0x33: {  	[tilespmem:s4+$0x7F90] =	vst v0  }
0x34: {  	[tilespmem:s4+$0x7FA0] =	vst v0  }
.Ltmp0:
0x35: {  	[tilespmem:s4+$0x7FB0] =	vst v0;
	(pc) =	sbr.rel @p1 .LBB2_2-.Ltmp0, $4  }
0x36: {  	[tilespmem:s4+$0x7FC0] =	vst v0  }
0x37: {  	[tilespmem:s4+$0x7FD0] =	vst v0  }
0x38: {  	[tilespmem:s4+$0x7FE0] =	vst v0  }
0x39: {  	[tilespmem:s4+$0x7FF0] =	vst v0;
	s4 =	sshra.s32 s7, $0x2;
	s7 =	sadd.s32 $0x200, s7  }
0x3a: {  	[tilespmem:s4+$0x8000] =	vst v0  }
0x3b: {  	[tilespmem:s4+$0x7F90] =	vst v0  }
0x3c: {  	[tilespmem:s4+$0x7FA0] =	vst v0  }
0x3d: {  	[tilespmem:s4+$0x7FB0] =	vst v0  }
0x3e: {  	[tilespmem:s4+$0x7FC0] =	vst v0  }
0x3f: {  	[tilespmem:s4+$0x7FD0] =	vst v0  }
0x40: {  	[tilespmem:s4+$0x7FE0] =	vst v0  }
0x41: {  	[tilespmem:s4+$0x7FF0] =	vst v0;
	s7 =	simm.s32 $0xA  }
0x42: {  	[spmem:s28] =	stream.linear.scatter [tilespmem:s0], [sflag:$0xA], $0x2800, $0x38;
	[tilespmem:$0x1E080] =	vst v63  }
0x43: {  	_ =	swait.ge [sflag:s7], $0x2800  }
0x44: {  	s23 =	sld [smem:$0x7F6]  }
0x45: {  	[sflag:s7] =	ssyncset.done $0x0  }
0x46: {  	[sflag:s7] =	ssyncadd.s32 $0xFFFFD800  }
0x47: {  	[spmem:s23] =	stream.linear.scatter [tilespmem:s0], [sflag:$0xA], $0x2800, $0x38;
	[tilespmem:$0x1E080] =	vst v63  }
0x48: {  	_ =	swait.ge [sflag:s7], $0x2800  }
0x49: {  	s24 =	sld [smem:$0x7F9]  }
0x4a: {  	[sflag:s7] =	ssyncset.done $0x0  }
0x4b: {  	[sflag:s7] =	ssyncadd.s32 $0xFFFFD800  }
0x4c: {  	[spmem:s24] =	stream.linear.scatter [tilespmem:s0], [sflag:$0xA], $0x2800, $0x38;
	[tilespmem:$0x1E080] =	vst v63  }
0x4d: {  	_ =	swait.ge [sflag:s7], $0x2800  }
0x4e: {  	s28 =	sld [smem:$0x7FA]  }
0x4f: {  	[sflag:s7] =	ssyncset.done $0x0  }
0x50: {  	[sflag:s7] =	ssyncadd.s32 $0xFFFFD800  }
0x51: {  	[spmem:s28] =	stream.linear.scatter [tilespmem:s0], [sflag:$0xA], $0x2800, $0x38;
	[tilespmem:$0x1E080] =	vst v63  }
0x52: {  	_ =	swait.ge [sflag:s7], $0x2800  }
0x53: {  	s5 =	sld [smem:$0x7FB]  }
0x54: {  	[sflag:s7] =	ssyncset.done $0x0  }
0x55: {  	[sflag:s7] =	ssyncadd.s32 $0xFFFFD800  }
0x56: {  	[spmem:s5] =	stream.linear.scatter [tilespmem:s0], [sflag:$0xA], $0x2800, $0x38;
	[tilespmem:$0x1E080] =	vst v63  }
0x57: {  	_ =	swait.ge [sflag:s7], $0x2800  }
0x58: {  	s6 =	sld [smem:$0x7FC]  }
0x59: {  	[sflag:s7] =	ssyncset.done $0x0  }
0x5a: {  	[sflag:s7] =	ssyncadd.s32 $0xFFFFD800  }
0x5b: {  	[spmem:s6] =	stream.linear.scatter [tilespmem:s0], [sflag:$0xA], $0x2800, $0x38;
	[tilespmem:$0x1E080] =	vst v63  }
0x5c: {  	_ =	swait.ge [sflag:s7], $0x2800  }
0x5d: {  	s23 =	sld [smem:$0x7FD]  }
0x5e: {  	[sflag:s7] =	ssyncset.done $0x0  }
0x5f: {  	[sflag:s7] =	ssyncadd.s32 $0xFFFFD800  }
0x60: {  	[spmem:s23] =	stream.linear.scatter [tilespmem:s0], [sflag:$0xA], $0x2800, $0x38;
	[tilespmem:$0x1E080] =	vst v63  }
0x61: {  	_ =	swait.ge [sflag:s7], $0x2800  }
0x62: {  	[sflag:s7] =	ssyncset.done $0x0  }
0x63: {  	s24 =	rddreg [dreg:$0x11];
	[sflag:s7] =	ssyncadd.s32 $0xFFFFD800  }
0x64: {  	[spmem:s24] =	stream.linear.scatter [tilespmem:s0], [sflag:$0xA], $0x2000, $0x38;
	[tilespmem:$0x1E080] =	vst v63  }
0x65: {  	_ =	swait.ge [sflag:s7], $0x2000  }
0x66: {  	[sflag:s7] =	ssyncset.done $0x0  }
0x67: {  	s4 =	simm.s32 @!p0 $0x8000;
	[sflag:s7] =	ssyncadd.s32 $0xFFFFE000;
	s7 =	rddreg [dreg:$0x12]  }
0x68: {  	[spmem:s7] =	stream.linear.scatter @!p0 [tilespmem:s4], [sflag:$0xA], $0x800, $0x38;
	[tilespmem:$0x1E080] =	vst v63  }
0x69: {  	s4 =	simm.s32 @!p0 $0xA  }
0x6a: {  	_ =	swait.ge @!p0 [sflag:s4], $0x800  }
0x6b: {  	[sflag:s4] =	ssyncset.done @!p0 $0x0  }
0x6c: {  	s7 =	simm.s32 $0x0;
	s28 =	rddreg [dreg:$0x13];
	[sflag:s4] =	ssyncadd.s32 @!p0 $0xFFFFF800  }
0x6d: {  	[tilespmem:s7], [sflag:$0x1] =	stream.linear.gather [hbm4b:s28+s7], $0x50, $0x38;
	[tilespmem:$0x1E080] =	vst v63  }
0x6e: {  	s5 =	rddreg [dreg:$0x14]  }
0x6f: {  	[tilespmem:s8], [sflag:$0x1] =	stream.linear.gather [hbm4b:s5+s7], $0x50, $0x38;
	[tilespmem:$0x1E080] =	vst v63  }
0x70: {  	s6 =	rddreg [dreg:$0x15]  }
0x71: {  	[tilespmem:s10], [sflag:$0x2] =	stream.linear.gather [hbm4b:s6+s7], $0x50, $0x38;
	[tilespmem:$0x1E080] =	vst v63  }
0x72: {  	s23 =	rddreg [dreg:$0x16]  }
0x73: {  	[tilespmem:s11], [sflag:$0x2] =	stream.linear.gather [hbm4b:s23+s7], $0x50, $0x38;
	[tilespmem:$0x1E080] =	vst v63  }
0x74: {  	s24 =	rddreg [dreg:$0x17]  }
0x75: {  	[tilespmem:s12], [sflag:$0x3] =	stream.linear.gather [hbm4b:s24+s7], $0x50, $0x38;
	[tilespmem:$0x1E080] =	vst v63  }
0x76: {  	s28 =	rddreg [dreg:$0x18]  }
0x77: {  	[tilespmem:s13], [sflag:$0x3] =	stream.linear.gather [hbm4b:s28+s7], $0x50, $0x38;
	[tilespmem:$0x1E080] =	vst v63  }
0x78: {  	_ =	swait.ge [sflag:s14], $0x50  }
0x79: {  	[sflag:s14] =	ssyncset.done $0x0  }
0x7a: {  	[sflag:s14] =	ssyncadd.s32 $0xFFFFFFB0  }
0x7b: {  	_ =	swait.ge [sflag:s14], $0x50  }
0x7c: {  	[sflag:s14] =	ssyncset.done $0x0  }
0x7d: {  	[sflag:s14] =	ssyncadd.s32 $0xFFFFFFB0  }
0x7e: {  	v2 =	vld [tilespmem:$0x200];
	_ =	sdelay $0x6  }
0x7f: {  	[tilespmem:$0x400] =	vst v2  }
0x80: {  	[tilespmem:v2+s0+$0x0] =	vst.idx.add.f32.msk $0xffff, v1  }
0x81: {  	v2 =	vld [tilespmem:$0x210];
	_ =	sdelay $0x6  }
0x82: {  	[tilespmem:$0x410] =	vst v2  }
0x83: {  	[tilespmem:v2+s0+$0x0] =	vst.idx.add.f32.msk $0xffff, v1  }
0x84: {  	v2 =	vld [tilespmem:$0x220];
	_ =	sdelay $0x6  }
0x85: {  	[tilespmem:$0x420] =	vst v2  }
0x86: {  	[tilespmem:v2+s0+$0x0] =	vst.idx.add.f32.msk $0xffff, v1  }
0x87: {  	v2 =	vld [tilespmem:$0x230];
	_ =	sdelay $0x6  }
0x88: {  	[tilespmem:$0x430] =	vst v2  }
0x89: {  	[tilespmem:v2+s0+$0x0] =	vst.idx.add.f32.msk $0xffff, v1  }
0x8a: {  	v2 =	vld [tilespmem:$0x240];
	_ =	sdelay $0x6  }
0x8b: {  	[tilespmem:$0x440] =	vst v2  }
0x8c: {  	[tilespmem:v2+s0+$0x0] =	vst.idx.add.f32.msk $0xffff, v1  }
0x8d: {  	[tilespmem:s16], [sflag:$0x4] =	stream.indirect.gather [hbm4b:s1+s15], $0x80, s7, s15, $0xb8;
	[tilespmem:$0x1E080] =	vst v63  }
0x8e: {  	_ =	swait.ge [sflag:s17], $0x50  }
0x8f: {  	[sflag:s17] =	ssyncset.done $0x0  }
0x90: {  	[sflag:s17] =	ssyncadd.s32 $0xFFFFFFB0  }
0x91: {  	_ =	swait.ge [sflag:s17], $0x50  }
0x92: {  	[sflag:s17] =	ssyncset.done $0x0  }
0x93: {  	[sflag:s17] =	ssyncadd.s32 $0xFFFFFFB0  }
0x94: {  	v2 =	vld [tilespmem:$0x280];
	_ =	sdelay $0x6  }
0x95: {  	[tilespmem:$0x480] =	vst v2  }
0x96: {  	[tilespmem:v2+s0+$0x0] =	vst.idx.add.f32.msk $0xffff, v1  }
0x97: {  	v2 =	vld [tilespmem:$0x290];
	_ =	sdelay $0x6  }
0x98: {  	[tilespmem:$0x490] =	vst v2  }
0x99: {  	[tilespmem:v2+s0+$0x0] =	vst.idx.add.f32.msk $0xffff, v1  }
0x9a: {  	v2 =	vld [tilespmem:$0x2A0];
	_ =	sdelay $0x6  }
0x9b: {  	[tilespmem:$0x4A0] =	vst v2  }
0x9c: {  	[tilespmem:v2+s0+$0x0] =	vst.idx.add.f32.msk $0xffff, v1  }
0x9d: {  	v2 =	vld [tilespmem:$0x2B0];
	_ =	sdelay $0x6  }
0x9e: {  	[tilespmem:$0x4B0] =	vst v2  }
0x9f: {  	[tilespmem:v2+s0+$0x0] =	vst.idx.add.f32.msk $0xffff, v1  }
0xa0: {  	v2 =	vld [tilespmem:$0x2C0];
	_ =	sdelay $0x6  }
0xa1: {  	[tilespmem:$0x4C0] =	vst v2  }
0xa2: {  	[tilespmem:v2+s0+$0x0] =	vst.idx.add.f32.msk $0xffff, v1  }
0xa3: {  	[tilespmem:s18], [sflag:$0x5] =	stream.indirect.gather [hbm4b:s1+s15], $0x80, s10, s15, $0xb8;
	[tilespmem:$0x1E080] =	vst v63  }
0xa4: {  	_ =	swait.ge [sflag:s19], $0x50  }
0xa5: {  	[sflag:s19] =	ssyncset.done $0x0  }
0xa6: {  	[sflag:s19] =	ssyncadd.s32 $0xFFFFFFB0  }
0xa7: {  	_ =	swait.ge [sflag:s19], $0x50  }
0xa8: {  	[sflag:s19] =	ssyncset.done $0x0  }
0xa9: {  	[sflag:s19] =	ssyncadd.s32 $0xFFFFFFB0  }
0xaa: {  	v2 =	vld [tilespmem:$0x300];
	_ =	sdelay $0x6  }
0xab: {  	[tilespmem:$0x500] =	vst v2  }
0xac: {  	[tilespmem:v2+s0+$0x0] =	vst.idx.add.f32.msk $0xffff, v1  }
0xad: {  	v2 =	vld [tilespmem:$0x310];
	_ =	sdelay $0x6  }
0xae: {  	[tilespmem:$0x510] =	vst v2  }
0xaf: {  	[tilespmem:v2+s0+$0x0] =	vst.idx.add.f32.msk $0xffff, v1  }
0xb0: {  	v2 =	vld [tilespmem:$0x320];
	_ =	sdelay $0x6  }
0xb1: {  	[tilespmem:$0x520] =	vst v2  }
0xb2: {  	[tilespmem:v2+s0+$0x0] =	vst.idx.add.f32.msk $0xffff, v1  }
0xb3: {  	v2 =	vld [tilespmem:$0x330];
	_ =	sdelay $0x6  }
0xb4: {  	[tilespmem:$0x530] =	vst v2  }
0xb5: {  	[tilespmem:v2+s0+$0x0] =	vst.idx.add.f32.msk $0xffff, v1  }
0xb6: {  	v2 =	vld [tilespmem:$0x340];
	_ =	sdelay $0x6  }
0xb7: {  	[tilespmem:$0x540] =	vst v2  }
0xb8: {  	[tilespmem:v2+s0+$0x0] =	vst.idx.add.f32.msk $0xffff, v1  }
0xb9: {  	[tilespmem:s20], [sflag:$0x6] =	stream.indirect.gather [hbm4b:s1+s15], $0x80, s12, s15, $0xb8;
	[tilespmem:$0x1E080] =	vst v63  }
0xba: {  	[bflag:$0x0] =	sbarrier.arrive $0xFFFF  }
0xbb: {  	s4 =	sld [smem:$0x7F7]  }
0xbc: {  	s6 =	sld [smem:$0x7F5]  }
0xbd: {  	s24 =	simm.s32 $0x400;
	s5 =	sld [smem:$0x7F4]  }
.LBB2_4:
0xbe: {  	_ =	swait.ge [sflag:s22], $0x2800  }
0xbf: {  	[sflag:s22] =	ssyncset.done $0x0  }
0xc0: {  	s23 =	rddreg [dreg:$0xe];
	[sflag:s22] =	ssyncadd.s32 $0xFFFFD800  }
0xc1: {  	[spmem:s2] =	stream.indirect.scatter.add.f32 [tilespmem:s16], [sflag:$0x7], $0x80, s24, s15, $0xb8;
	[tilespmem:$0x1E080] =	vst v63  }
0xc2: {  	s28 =	rddreg [dreg:$0xd];
	s23 =	sadd.s32 s7, s23  }
0xc3: {  	[tilespmem:s3], [sflag:$0x1] =	stream.linear.gather [hbm4b:s23+s3], $0x50, $0x38;
	[tilespmem:$0x1E080] =	vst v63  }
0xc4: {  	s28 =	sadd.s32 s7, s28  }
0xc5: {  	[tilespmem:s8], [sflag:$0x1] =	stream.linear.gather [hbm4b:s28+s3], $0x50, $0x38;
	[tilespmem:$0x1E080] =	vst v63  }
0xc6: {  	_ =	swait.ge [sflag:s14], $0x50  }
0xc7: {  	[sflag:s14] =	ssyncset.done $0x0  }
0xc8: {  	[sflag:s14] =	ssyncadd.s32 $0xFFFFFFB0  }
0xc9: {  	_ =	swait.ge [sflag:s14], $0x50  }
0xca: {  	[sflag:s14] =	ssyncset.done $0x0  }
0xcb: {  	[sflag:s14] =	ssyncadd.s32 $0xFFFFFFB0  }
0xcc: {  	v2 =	vld [tilespmem:$0x200];
	_ =	sdelay $0x6  }
0xcd: {  	[tilespmem:$0x580] =	vst v2  }
0xce: {  	[tilespmem:v2+s0+$0x0] =	vst.idx.add.f32.msk $0xffff, v1  }
0xcf: {  	v2 =	vld [tilespmem:$0x210];
	_ =	sdelay $0x6  }
0xd0: {  	[tilespmem:$0x590] =	vst v2  }
0xd1: {  	[tilespmem:v2+s0+$0x0] =	vst.idx.add.f32.msk $0xffff, v1  }
0xd2: {  	v2 =	vld [tilespmem:$0x220];
	_ =	sdelay $0x6  }
0xd3: {  	[tilespmem:$0x5A0] =	vst v2  }
0xd4: {  	[tilespmem:v2+s0+$0x0] =	vst.idx.add.f32.msk $0xffff, v1  }
0xd5: {  	v2 =	vld [tilespmem:$0x230];
	_ =	sdelay $0x6  }
0xd6: {  	[tilespmem:$0x5B0] =	vst v2  }
0xd7: {  	[tilespmem:v2+s0+$0x0] =	vst.idx.add.f32.msk $0xffff, v1  }
0xd8: {  	v2 =	vld [tilespmem:$0x240];
	_ =	sdelay $0x6  }
0xd9: {  	[tilespmem:$0x5C0] =	vst v2  }
0xda: {  	[tilespmem:v2+s0+$0x0] =	vst.idx.add.f32.msk $0xffff, v1  }
0xdb: {  	_ =	swait.ge [sflag:s25], $0x2800  }
0xdc: {  	[sflag:s25] =	ssyncset.done $0x0  }
0xdd: {  	[sflag:s25] =	ssyncadd.s32 $0xFFFFD800  }
0xde: {  	[tilespmem:s16], [sflag:$0x4] =	stream.indirect.gather [hbm4b:s1+s15], $0x80, s3, s15, $0xb8;
	[tilespmem:$0x1E080] =	vst v63  }
0xdf: {  	_ =	swait.ge [sflag:s26], $0x2800  }
0xe0: {  	[sflag:s26] =	ssyncset.done $0x0  }
0xe1: {  	s23 =	rddreg [dreg:$0xc];
	[sflag:s26] =	ssyncadd.s32 $0xFFFFD800  }
0xe2: {  	[spmem:s2] =	stream.indirect.scatter.add.f32 [tilespmem:s18], [sflag:$0x8], $0x80, s31, s15, $0xb8;
	[tilespmem:$0x1E080] =	vst v63  }
0xe3: {  	s28 =	rddreg [dreg:$0xb];
	s23 =	sadd.s32 s7, s23  }
0xe4: {  	[tilespmem:s10], [sflag:$0x2] =	stream.linear.gather [hbm4b:s23+s3], $0x50, $0x38;
	[tilespmem:$0x1E080] =	vst v63  }
0xe5: {  	s28 =	sadd.s32 s7, s28  }
0xe6: {  	[tilespmem:s11], [sflag:$0x2] =	stream.linear.gather [hbm4b:s28+s3], $0x50, $0x38;
	[tilespmem:$0x1E080] =	vst v63  }
0xe7: {  	_ =	swait.ge [sflag:s17], $0x50  }
0xe8: {  	[sflag:s17] =	ssyncset.done $0x0  }
0xe9: {  	[sflag:s17] =	ssyncadd.s32 $0xFFFFFFB0  }
0xea: {  	_ =	swait.ge [sflag:s17], $0x50  }
0xeb: {  	[sflag:s17] =	ssyncset.done $0x0  }
0xec: {  	[sflag:s17] =	ssyncadd.s32 $0xFFFFFFB0  }
0xed: {  	v2 =	vld [tilespmem:$0x280];
	_ =	sdelay $0x6  }
0xee: {  	[tilespmem:$0x600] =	vst v2  }
0xef: {  	[tilespmem:v2+s0+$0x0] =	vst.idx.add.f32.msk $0xffff, v1  }
0xf0: {  	v2 =	vld [tilespmem:$0x290];
	_ =	sdelay $0x6  }
0xf1: {  	[tilespmem:$0x610] =	vst v2  }
0xf2: {  	[tilespmem:v2+s0+$0x0] =	vst.idx.add.f32.msk $0xffff, v1  }
0xf3: {  	v2 =	vld [tilespmem:$0x2A0];
	_ =	sdelay $0x6  }
0xf4: {  	[tilespmem:$0x620] =	vst v2  }
0xf5: {  	[tilespmem:v2+s0+$0x0] =	vst.idx.add.f32.msk $0xffff, v1  }
0xf6: {  	v2 =	vld [tilespmem:$0x2B0];
	_ =	sdelay $0x6  }
0xf7: {  	[tilespmem:$0x630] =	vst v2  }
0xf8: {  	[tilespmem:v2+s0+$0x0] =	vst.idx.add.f32.msk $0xffff, v1  }
0xf9: {  	v2 =	vld [tilespmem:$0x2C0];
	_ =	sdelay $0x6  }
0xfa: {  	[tilespmem:$0x640] =	vst v2  }
0xfb: {  	[tilespmem:v2+s0+$0x0] =	vst.idx.add.f32.msk $0xffff, v1  }
0xfc: {  	_ =	swait.ge [sflag:s21], $0x2800  }
0xfd: {  	[sflag:s21] =	ssyncset.done $0x0  }
0xfe: {  	[sflag:s21] =	ssyncadd.s32 $0xFFFFD800  }
0xff: {  	[tilespmem:s18], [sflag:$0x5] =	stream.indirect.gather [hbm4b:s1+s15], $0x80, s10, s15, $0xb8;
	[tilespmem:$0x1E080] =	vst v63  }
0x100: {  	_ =	swait.ge [sflag:s29], $0x2800  }
0x101: {  	[sflag:s29] =	ssyncset.done $0x0  }
0x102: {  	s23 =	rddreg [dreg:$0xa];
	[sflag:s29] =	ssyncadd.s32 $0xFFFFD800  }
0x103: {  	[spmem:s2] =	stream.indirect.scatter.add.f32 [tilespmem:s20], [sflag:$0x9], $0x80, s9, s15, $0xb8;
	[tilespmem:$0x1E080] =	vst v63  }
0x104: {  	s28 =	rddreg [dreg:$0x9];
	s23 =	sadd.s32 s7, s23  }
0x105: {  	[tilespmem:s12], [sflag:$0x3] =	stream.linear.gather [hbm4b:s23+s3], $0x50, $0x38;
	[tilespmem:$0x1E080] =	vst v63  }
0x106: {  	s28 =	sadd.s32 s7, s28  }
0x107: {  	[tilespmem:s13], [sflag:$0x3] =	stream.linear.gather [hbm4b:s28+s3], $0x50, $0x38;
	[tilespmem:$0x1E080] =	vst v63  }
0x108: {  	_ =	swait.ge [sflag:s19], $0x50  }
0x109: {  	[sflag:s19] =	ssyncset.done $0x0  }
0x10a: {  	[sflag:s19] =	ssyncadd.s32 $0xFFFFFFB0  }
0x10b: {  	_ =	swait.ge [sflag:s19], $0x50  }
0x10c: {  	[sflag:s19] =	ssyncset.done $0x0  }
0x10d: {  	[sflag:s19] =	ssyncadd.s32 $0xFFFFFFB0  }
0x10e: {  	v2 =	vld [tilespmem:$0x300];
	_ =	sdelay $0x6  }
0x10f: {  	[tilespmem:$0x680] =	vst v2  }
0x110: {  	[tilespmem:v2+s0+$0x0] =	vst.idx.add.f32.msk $0xffff, v1  }
0x111: {  	v2 =	vld [tilespmem:$0x310];
	_ =	sdelay $0x6  }
0x112: {  	[tilespmem:$0x690] =	vst v2  }
0x113: {  	[tilespmem:v2+s0+$0x0] =	vst.idx.add.f32.msk $0xffff, v1  }
0x114: {  	v2 =	vld [tilespmem:$0x320];
	_ =	sdelay $0x6  }
0x115: {  	[tilespmem:$0x6A0] =	vst v2  }
0x116: {  	[tilespmem:v2+s0+$0x0] =	vst.idx.add.f32.msk $0xffff, v1  }
0x117: {  	v2 =	vld [tilespmem:$0x330];
	_ =	sdelay $0x6  }
0x118: {  	[tilespmem:$0x6B0] =	vst v2  }
0x119: {  	[tilespmem:v2+s0+$0x0] =	vst.idx.add.f32.msk $0xffff, v1  }
0x11a: {  	v2 =	vld [tilespmem:$0x340];
	_ =	sdelay $0x6  }
0x11b: {  	[tilespmem:$0x6C0] =	vst v2  }
0x11c: {  	[tilespmem:v2+s0+$0x0] =	vst.idx.add.f32.msk $0xffff, v1  }
0x11d: {  	_ =	swait.ge [sflag:s30], $0x2800  }
0x11e: {  	[sflag:s30] =	ssyncset.done $0x0  }
0x11f: {  	[sflag:s30] =	ssyncadd.s32 $0xFFFFD800  }
0x120: {  	[tilespmem:s20], [sflag:$0x6] =	stream.indirect.gather [hbm4b:s1+s15], $0x80, s12, s15, $0xb8;
	[tilespmem:$0x1E080] =	vst v63  }
0x121: {  	_ =	swait.ge [sflag:s22], $0x2800  }
0x122: {  	[sflag:s22] =	ssyncset.done $0x0  }
0x123: {  	s23 =	sshrl.u32 s4, $0x3;
	s28 =	simm.s32 $0x580;
	[sflag:s22] =	ssyncadd.s32 $0xFFFFD800  }
0x124: {  	[spmem:s2] =	stream.indirect.scatter.add.f32 [tilespmem:s16], [sflag:$0x7], $0x80, s28, s15, $0xb8;
	[tilespmem:$0x1E080] =	vst v63  }
0x125: {  	s28 =	sadd.s32 s6, s23  }
0x126: {  	[tilespmem:s3], [sflag:$0x1] =	stream.linear.gather [hbm4b:s28+s3], $0x50, $0x38;
	[tilespmem:$0x1E080] =	vst v63  }
0x127: {  	s23 =	sadd.s32 s5, s23  }
0x128: {  	[tilespmem:s8], [sflag:$0x1] =	stream.linear.gather [hbm4b:s23+s3], $0x50, $0x38;
	[tilespmem:$0x1E080] =	vst v63  }
0x129: {  	_ =	swait.ge [sflag:s14], $0x50  }
0x12a: {  	[sflag:s14] =	ssyncset.done $0x0  }
0x12b: {  	[sflag:s14] =	ssyncadd.s32 $0xFFFFFFB0  }
0x12c: {  	_ =	swait.ge [sflag:s14], $0x50  }
0x12d: {  	[sflag:s14] =	ssyncset.done $0x0  }
0x12e: {  	[sflag:s14] =	ssyncadd.s32 $0xFFFFFFB0  }
0x12f: {  	v2 =	vld [tilespmem:$0x200];
	_ =	sdelay $0x6  }
0x130: {  	[tilespmem:$0x400] =	vst v2  }
0x131: {  	[tilespmem:v2+s0+$0x0] =	vst.idx.add.f32.msk $0xffff, v1  }
0x132: {  	v2 =	vld [tilespmem:$0x210];
	_ =	sdelay $0x6  }
0x133: {  	[tilespmem:$0x410] =	vst v2  }
0x134: {  	[tilespmem:v2+s0+$0x0] =	vst.idx.add.f32.msk $0xffff, v1  }
0x135: {  	v2 =	vld [tilespmem:$0x220];
	_ =	sdelay $0x6  }
0x136: {  	[tilespmem:$0x420] =	vst v2  }
0x137: {  	[tilespmem:v2+s0+$0x0] =	vst.idx.add.f32.msk $0xffff, v1  }
0x138: {  	v2 =	vld [tilespmem:$0x230];
	_ =	sdelay $0x6  }
0x139: {  	[tilespmem:$0x430] =	vst v2  }
0x13a: {  	[tilespmem:v2+s0+$0x0] =	vst.idx.add.f32.msk $0xffff, v1  }
0x13b: {  	v2 =	vld [tilespmem:$0x240];
	_ =	sdelay $0x6  }
0x13c: {  	[tilespmem:$0x440] =	vst v2  }
0x13d: {  	[tilespmem:v2+s0+$0x0] =	vst.idx.add.f32.msk $0xffff, v1  }
0x13e: {  	_ =	swait.ge [sflag:s25], $0x2800  }
0x13f: {  	[sflag:s25] =	ssyncset.done $0x0  }
0x140: {  	[sflag:s25] =	ssyncadd.s32 $0xFFFFD800  }
0x141: {  	[tilespmem:s16], [sflag:$0x4] =	stream.indirect.gather [hbm4b:s1+s15], $0x80, s3, s15, $0xb8;
	[tilespmem:$0x1E080] =	vst v63  }
0x142: {  	_ =	swait.ge [sflag:s26], $0x2800  }
0x143: {  	[sflag:s26] =	ssyncset.done $0x0  }
0x144: {  	s28 =	simm.s32 $0x600;
	s23 =	rddreg [dreg:$0x8];
	[sflag:s26] =	ssyncadd.s32 $0xFFFFD800  }
0x145: {  	[spmem:s2] =	stream.indirect.scatter.add.f32 [tilespmem:s18], [sflag:$0x8], $0x80, s28, s15, $0xb8;
	[tilespmem:$0x1E080] =	vst v63  }
0x146: {  	s23 =	sadd.s32 s7, s23;
	s28 =	rddreg [dreg:$0x7]  }
0x147: {  	[tilespmem:s10], [sflag:$0x2] =	stream.linear.gather [hbm4b:s23+s3], $0x50, $0x38;
	[tilespmem:$0x1E080] =	vst v63  }
0x148: {  	s28 =	sadd.s32 s7, s28  }
0x149: {  	[tilespmem:s11], [sflag:$0x2] =	stream.linear.gather [hbm4b:s28+s3], $0x50, $0x38;
	[tilespmem:$0x1E080] =	vst v63  }
0x14a: {  	_ =	swait.ge [sflag:s17], $0x50  }
0x14b: {  	[sflag:s17] =	ssyncset.done $0x0  }
0x14c: {  	[sflag:s17] =	ssyncadd.s32 $0xFFFFFFB0  }
0x14d: {  	_ =	swait.ge [sflag:s17], $0x50  }
0x14e: {  	[sflag:s17] =	ssyncset.done $0x0  }
0x14f: {  	[sflag:s17] =	ssyncadd.s32 $0xFFFFFFB0  }
0x150: {  	v2 =	vld [tilespmem:$0x280];
	_ =	sdelay $0x6  }
0x151: {  	[tilespmem:$0x480] =	vst v2  }
0x152: {  	[tilespmem:v2+s0+$0x0] =	vst.idx.add.f32.msk $0xffff, v1  }
0x153: {  	v2 =	vld [tilespmem:$0x290];
	_ =	sdelay $0x6  }
0x154: {  	[tilespmem:$0x490] =	vst v2  }
0x155: {  	[tilespmem:v2+s0+$0x0] =	vst.idx.add.f32.msk $0xffff, v1  }
0x156: {  	v2 =	vld [tilespmem:$0x2A0];
	_ =	sdelay $0x6  }
0x157: {  	[tilespmem:$0x4A0] =	vst v2  }
0x158: {  	[tilespmem:v2+s0+$0x0] =	vst.idx.add.f32.msk $0xffff, v1  }
0x159: {  	v2 =	vld [tilespmem:$0x2B0];
	_ =	sdelay $0x6  }
0x15a: {  	[tilespmem:$0x4B0] =	vst v2  }
0x15b: {  	[tilespmem:v2+s0+$0x0] =	vst.idx.add.f32.msk $0xffff, v1  }
0x15c: {  	v2 =	vld [tilespmem:$0x2C0];
	_ =	sdelay $0x6  }
0x15d: {  	[tilespmem:$0x4C0] =	vst v2  }
0x15e: {  	[tilespmem:v2+s0+$0x0] =	vst.idx.add.f32.msk $0xffff, v1  }
0x15f: {  	_ =	swait.ge [sflag:s21], $0x2800  }
0x160: {  	[sflag:s21] =	ssyncset.done $0x0  }
0x161: {  	[sflag:s21] =	ssyncadd.s32 $0xFFFFD800  }
0x162: {  	[tilespmem:s18], [sflag:$0x5] =	stream.indirect.gather [hbm4b:s1+s15], $0x80, s10, s15, $0xb8;
	[tilespmem:$0x1E080] =	vst v63  }
0x163: {  	_ =	swait.ge [sflag:s29], $0x2800  }
0x164: {  	s23 =	rddreg [dreg:$0xf];
	[sflag:s29] =	ssyncset.done $0x0  }
0x165: {  	s28 =	rddreg [dreg:$0x6];
	[sflag:s29] =	ssyncadd.s32 $0xFFFFD800  }
0x166: {  	[spmem:s2] =	stream.indirect.scatter.add.f32 [tilespmem:s20], [sflag:$0x9], $0x80, s23, s15, $0xb8;
	[tilespmem:$0x1E080] =	vst v63  }
0x167: {  	s28 =	sadd.s32 s7, s28;
	s23 =	rddreg [dreg:$0x5]  }
0x168: {  	[tilespmem:s12], [sflag:$0x3] =	stream.linear.gather [hbm4b:s28+s3], $0x50, $0x38;
	[tilespmem:$0x1E080] =	vst v63  }
0x169: {  	s23 =	sadd.s32 s7, s23  }
0x16a: {  	[tilespmem:s13], [sflag:$0x3] =	stream.linear.gather [hbm4b:s23+s3], $0x50, $0x38;
	[tilespmem:$0x1E080] =	vst v63  }
0x16b: {  	_ =	swait.ge [sflag:s19], $0x50  }
0x16c: {  	[sflag:s19] =	ssyncset.done $0x0  }
0x16d: {  	[sflag:s19] =	ssyncadd.s32 $0xFFFFFFB0  }
0x16e: {  	_ =	swait.ge [sflag:s19], $0x50  }
0x16f: {  	[sflag:s19] =	ssyncset.done $0x0  }
0x170: {  	[sflag:s19] =	ssyncadd.s32 $0xFFFFFFB0  }
0x171: {  	v2 =	vld [tilespmem:$0x300];
	_ =	sdelay $0x6  }
0x172: {  	[tilespmem:$0x500] =	vst v2  }
0x173: {  	[tilespmem:v2+s0+$0x0] =	vst.idx.add.f32.msk $0xffff, v1  }
0x174: {  	v2 =	vld [tilespmem:$0x310];
	_ =	sdelay $0x6  }
0x175: {  	[tilespmem:$0x510] =	vst v2  }
0x176: {  	[tilespmem:v2+s0+$0x0] =	vst.idx.add.f32.msk $0xffff, v1  }
0x177: {  	v2 =	vld [tilespmem:$0x320];
	_ =	sdelay $0x6  }
0x178: {  	[tilespmem:$0x520] =	vst v2  }
0x179: {  	[tilespmem:v2+s0+$0x0] =	vst.idx.add.f32.msk $0xffff, v1  }
0x17a: {  	v2 =	vld [tilespmem:$0x330];
	_ =	sdelay $0x6  }
0x17b: {  	[tilespmem:$0x530] =	vst v2  }
0x17c: {  	[tilespmem:v2+s0+$0x0] =	vst.idx.add.f32.msk $0xffff, v1  }
0x17d: {  	v2 =	vld [tilespmem:$0x340];
	_ =	sdelay $0x6  }
0x17e: {  	p1 =	sne.s32 s7, $0x474;
	[tilespmem:$0x540] =	vst v2  }
.Ltmp1:
0x17f: {  	[tilespmem:v2+s0+$0x0] =	vst.idx.add.f32.msk $0xffff, v1;
	(pc) =	sbr.rel @p1 .LBB2_4-.Ltmp1, $4  }
0x180: {  	_ =	swait.ge [sflag:s30], $0x2800  }
0x181: {  	[sflag:s30] =	ssyncset.done $0x0  }
0x182: {  	s4 =	sadd.s32 $0x1E0, s4;
	s7 =	sadd.s32 $0x3C, s7;
	[sflag:s30] =	ssyncadd.s32 $0xFFFFD800  }
0x183: {  	[tilespmem:s20], [sflag:$0x6] =	stream.indirect.gather [hbm4b:s1+s15], $0x80, s12, s15, $0xb8;
	[tilespmem:$0x1E080] =	vst v63  }
0x184: {  	_ =	swait.ge [sflag:s22], $0x2800  }
0x185: {  	[sflag:s22] =	ssyncset.done $0x0  }
0x186: {  	[sflag:s22] =	ssyncadd.s32 $0xFFFFD800  }
0x187: {  	[spmem:s2] =	stream.indirect.scatter.add.f32 [tilespmem:s16], [sflag:$0x7], $0x80, s24, s15, $0xb8;
	[tilespmem:$0x1E080] =	vst v63  }
0x188: {  	s4 =	rddreg [dreg:$0x19]  }
0x189: {  	[tilespmem:s3], [sflag:$0x1] =	stream.linear.gather [hbm4b:s4+s3], $0x50, $0x38;
	[tilespmem:$0x1E080] =	vst v63  }
0x18a: {  	s5 =	rddreg [dreg:$0x1a]  }
0x18b: {  	[tilespmem:s8], [sflag:$0x1] =	stream.linear.gather [hbm4b:s5+s3], $0x50, $0x38;
	[tilespmem:$0x1E080] =	vst v63  }
0x18c: {  	_ =	swait.ge [sflag:s14], $0x50  }
0x18d: {  	[sflag:s14] =	ssyncset.done $0x0  }
0x18e: {  	[sflag:s14] =	ssyncadd.s32 $0xFFFFFFB0  }
0x18f: {  	_ =	swait.ge [sflag:s14], $0x50  }
0x190: {  	[sflag:s14] =	ssyncset.done $0x0  }
0x191: {  	[sflag:s14] =	ssyncadd.s32 $0xFFFFFFB0  }
0x192: {  	v2 =	vld [tilespmem:$0x200];
	_ =	sdelay $0x6  }
0x193: {  	[tilespmem:$0x580] =	vst v2  }
0x194: {  	[tilespmem:v2+s0+$0x0] =	vst.idx.add.f32.msk $0xffff, v1  }
0x195: {  	v2 =	vld [tilespmem:$0x210];
	_ =	sdelay $0x6  }
0x196: {  	[tilespmem:$0x590] =	vst v2  }
0x197: {  	[tilespmem:v2+s0+$0x0] =	vst.idx.add.f32.msk $0xffff, v1  }
0x198: {  	v2 =	vld [tilespmem:$0x220];
	_ =	sdelay $0x6  }
0x199: {  	[tilespmem:$0x5A0] =	vst v2  }
0x19a: {  	[tilespmem:v2+s0+$0x0] =	vst.idx.add.f32.msk $0xffff, v1  }
0x19b: {  	v2 =	vld [tilespmem:$0x230];
	_ =	sdelay $0x6  }
0x19c: {  	[tilespmem:$0x5B0] =	vst v2  }
0x19d: {  	[tilespmem:v2+s0+$0x0] =	vst.idx.add.f32.msk $0xffff, v1  }
0x19e: {  	v2 =	vld [tilespmem:$0x240];
	_ =	sdelay $0x6  }
0x19f: {  	[tilespmem:$0x5C0] =	vst v2  }
0x1a0: {  	[tilespmem:v2+s0+$0x0] =	vst.idx.add.f32.msk $0xffff, v1  }
0x1a1: {  	_ =	swait.ge [sflag:s25], $0x2800  }
0x1a2: {  	[sflag:s25] =	ssyncset.done $0x0  }
0x1a3: {  	[sflag:s25] =	ssyncadd.s32 $0xFFFFD800  }
0x1a4: {  	[tilespmem:s16], [sflag:$0x4] =	stream.indirect.gather [hbm4b:s1+s15], $0x80, s3, s15, $0xb8;
	[tilespmem:$0x1E080] =	vst v63  }
0x1a5: {  	_ =	swait.ge [sflag:s26], $0x2800  }
0x1a6: {  	[sflag:s26] =	ssyncset.done $0x0  }
0x1a7: {  	[sflag:s26] =	ssyncadd.s32 $0xFFFFD800  }
0x1a8: {  	[spmem:s2] =	stream.indirect.scatter.add.f32 [tilespmem:s18], [sflag:$0x8], $0x80, s31, s15, $0xb8;
	[tilespmem:$0x1E080] =	vst v63  }
0x1a9: {  	s6 =	rddreg [dreg:$0x1c]  }
0x1aa: {  	[tilespmem:s10], [sflag:$0x2] =	stream.linear.gather [hbm4b:s6+s3], $0x50, $0x38;
	[tilespmem:$0x1E080] =	vst v63  }
0x1ab: {  	s7 =	rddreg [dreg:$0x1d]  }
0x1ac: {  	[tilespmem:s11], [sflag:$0x2] =	stream.linear.gather [hbm4b:s7+s3], $0x50, $0x38;
	[tilespmem:$0x1E080] =	vst v63  }
0x1ad: {  	_ =	swait.ge [sflag:s17], $0x50  }
0x1ae: {  	[sflag:s17] =	ssyncset.done $0x0  }
0x1af: {  	[sflag:s17] =	ssyncadd.s32 $0xFFFFFFB0  }
0x1b0: {  	_ =	swait.ge [sflag:s17], $0x50  }
0x1b1: {  	[sflag:s17] =	ssyncset.done $0x0  }
0x1b2: {  	[sflag:s17] =	ssyncadd.s32 $0xFFFFFFB0  }
0x1b3: {  	v2 =	vld [tilespmem:$0x280];
	_ =	sdelay $0x6  }
0x1b4: {  	[tilespmem:$0x600] =	vst v2  }
0x1b5: {  	[tilespmem:v2+s0+$0x0] =	vst.idx.add.f32.msk $0xffff, v1  }
0x1b6: {  	v2 =	vld [tilespmem:$0x290];
	_ =	sdelay $0x6  }
0x1b7: {  	[tilespmem:$0x610] =	vst v2  }
0x1b8: {  	[tilespmem:v2+s0+$0x0] =	vst.idx.add.f32.msk $0xffff, v1  }
0x1b9: {  	v2 =	vld [tilespmem:$0x2A0];
	_ =	sdelay $0x6  }
0x1ba: {  	[tilespmem:$0x620] =	vst v2  }
0x1bb: {  	[tilespmem:v2+s0+$0x0] =	vst.idx.add.f32.msk $0xffff, v1  }
0x1bc: {  	v2 =	vld [tilespmem:$0x2B0];
	_ =	sdelay $0x6  }
0x1bd: {  	[tilespmem:$0x630] =	vst v2  }
0x1be: {  	[tilespmem:v2+s0+$0x0] =	vst.idx.add.f32.msk $0xffff, v1  }
0x1bf: {  	v2 =	vld [tilespmem:$0x2C0];
	_ =	sdelay $0x6  }
0x1c0: {  	[tilespmem:$0x640] =	vst v2  }
0x1c1: {  	[tilespmem:v2+s0+$0x0] =	vst.idx.add.f32.msk $0xffff, v1  }
0x1c2: {  	_ =	swait.ge [sflag:s21], $0x2800  }
0x1c3: {  	[sflag:s21] =	ssyncset.done $0x0  }
0x1c4: {  	[sflag:s21] =	ssyncadd.s32 $0xFFFFD800  }
0x1c5: {  	[tilespmem:s18], [sflag:$0x5] =	stream.indirect.gather [hbm4b:s1+s15], $0x80, s10, s15, $0xb8;
	[tilespmem:$0x1E080] =	vst v63  }
0x1c6: {  	_ =	swait.ge [sflag:s29], $0x2800  }
0x1c7: {  	[sflag:s29] =	ssyncset.done $0x0  }
0x1c8: {  	[sflag:s29] =	ssyncadd.s32 $0xFFFFD800  }
0x1c9: {  	[spmem:s2] =	stream.indirect.scatter.add.f32 [tilespmem:s20], [sflag:$0x9], $0x80, s9, s15, $0xb8;
	[tilespmem:$0x1E080] =	vst v63  }
0x1ca: {  	_ =	swait.ge [sflag:s22], $0x2800  }
0x1cb: {  	[sflag:s22] =	ssyncset.done $0x0  }
0x1cc: {  	s23 =	simm.s32 $0x580;
	[sflag:s22] =	ssyncadd.s32 $0xFFFFD800  }
0x1cd: {  	[spmem:s2] =	stream.indirect.scatter.add.f32 [tilespmem:s16], [sflag:$0x7], $0x80, s23, s15, $0xb8;
	[tilespmem:$0x1E080] =	vst v63  }
0x1ce: {  	_ =	swait.ge [sflag:s26], $0x2800  }
0x1cf: {  	[sflag:s26] =	ssyncset.done $0x0  }
0x1d0: {  	s24 =	simm.s32 $0x600;
	[sflag:s26] =	ssyncadd.s32 $0xFFFFD800  }
0x1d1: {  	[spmem:s2] =	stream.indirect.scatter.add.f32 [tilespmem:s18], [sflag:$0x8], $0x80, s24, s15, $0xb8;
	[tilespmem:$0x1E080] =	vst v63  }
0x1d2: {  	_ =	swait.ge [sflag:s30], $0x2800  }
0x1d3: {  	[sflag:s30] =	ssyncset.done $0x0  }
0x1d4: {  	[sflag:s30] =	ssyncadd.s32 $0xFFFFD800  }
0x1d5: {  	_ =	swait.ge [sflag:s25], $0x2800  }
0x1d6: {  	[sflag:s25] =	ssyncset.done $0x0  }
0x1d7: {  	[sflag:s25] =	ssyncadd.s32 $0xFFFFD800  }
0x1d8: {  	_ =	swait.ge [sflag:s21], $0x2800  }
0x1d9: {  	[sflag:s21] =	ssyncset.done $0x0  }
0x1da: {  	[sflag:s21] =	ssyncadd.s32 $0xFFFFD800  }
0x1db: {  	[bflag:$0x0] =	sbarrier.arrive $0xFFFF  }
0x1dc: {  	s6 =	simm.s32 $0xA;
	s5 =	rddreg [dreg:$0x1b]  }
0x1dd: {  	[hbm4b:s5+s3] =	stream.linear.scatter [tilespmem:s0], [sflag:$0xA], $0x2800, $0x38;
	[tilespmem:$0x1E080] =	vst v63  }
0x1de: {  	s23 =	stileid.u32;
	_ =	swait.ge [sflag:s6], $0x2800  }
0x1df: {  	s4 =	sshll.u32 s23, $0x6;
	s23 =	sld [smem:$0x7F8]  }
0x1e0: {  	[sflag:s6] =	ssyncset.done $0x0;
	s28 =	rddreg [dreg:$0x10]  }
0x1e1: {  	s4 =	sor.u32 $0x1C0A, s4;
	[sflag:s6] =	ssyncadd.s32 $0xFFFFD800;
	s7 =	sshrl.u32 s28, $0x3  }
0x1e2: {  	[hbm:s23], [sflag:s4] =	dma.local [spmem:s7], $0x2700  }
0x1e3: {  	_ =	swait.ge [sflag:s6], $0x2700  }
0x1e4: {  	s7 =	rddreg [dreg:$0x1e]  }
0x1e5: {  	[sflag:s6] =	ssyncset.done $0x0;
	s23 =	rddreg [dreg:$0x12]  }
0x1e6: {  	[sflag:s6] =	ssyncadd.s32 $0xFFFFD900;
	s7 =	sadd.s32 @!p0 $0x27000, s7;
	s23 =	sshrl.u32 @!p0 s23, $0x3  }
0x1e7: {  	[hbm:s7], [sflag:s4] =	dma.local @!p0 [spmem:s23], $0x100  }
0x1e8: {  	s4 =	simm.s32 @!p0 $0xA  }
0x1e9: {  	_ =	swait.ge @!p0 [sflag:s4], $0x100  }
0x1ea: {  	s5 =	sld [smem:$0x7F3];
	_ =	sdelay $0x2  }
0x1eb: {  	s24 =	rddreg [dreg:$0x1f];
	s5 =	sadd.s32 $0x1, s5  }
0x1ec: {  	p1 =	sne.s32 s5, s24  }
.Ltmp2:
0x1ed: {  	_ = 	snop;
	(pc) =	sbr.rel @p1 .LBB2_1-.Ltmp2, $3  }
0x1ee: {  	_ =	sdelay $0x1  }
0x1ef: {  	[sflag:s4] =	ssyncset.done @!p0 $0x0  }
0x1f0: {  	[sflag:s4] =	ssyncadd.s32 @!p0 $0xFFFFFF00  }
0x1f1: {  	_ =	sfence.sel $0x180000  }
0x1f2: {  	[bflag:$0x0] =	sbarrier.arrive $0xFFFF  }
0x1f3: {  	_ =	strace $0x90000047  }
0x1f4: {  	[bflag:$0x2] =	sbarrier.arrive $0xFFFF  }
0x1f5: {  	s0 =	rddreg [dreg:$0x4]  }
0x1f6: {  	s0 =	sadd.s32 @!p0 $0x100000, s0  }
0x1f7: {  	[sflag:s0] =	ssyncadd.tile.s32 @!p0 $0x1;
	_ =	shalt  }
.Lfunc_end2:
_tile_overlayer_lowered:
.L_overlay_start_2:
0x1f8: {  	(tag) =	ssettag $0x2  }
0x1f9: {  	s0 =	rddreg [dreg:$0x0];
	s2 =	stileid.u32  }
0x1fa: {  	s1 =	rddreg [dreg:$0x1];
	p0 =	sne.s32 s2, $0x0  }
0x1fb: {  	s3 =	rddreg [dreg:$0x2];
	[bflag:$0x3] =	sbarrier.arrive $0xFFFF;
	s2 =	simm.s32 @!p0 $0x1C0A  }
0x1fc: {  	[timem:s3], [sflag:s2] =	dma.local @!p0 [hbm:s0], s1  }
0x1fd: {  	s0 =	simm.s32 @!p0 $0xA  }
0x1fe: {  	_ =	swait.ge @!p0 [sflag:s0], s1  }
0x1ff: {  	s1 =	ssub.s32 @!p0 $0x0, s1;
	[sflag:s0] =	ssyncset.done @!p0 $0x0  }
0x200: {  	[sflag:s0] =	ssyncadd.s32 @!p0 s1  }
0x201: {  	[bflag:$0x3] =	sbarrier.arrive $0xFFFF  }
0x202: {  	_ =	shalt  }

</sc_bundles>
